<compile_context>
chip_gen: v7x
topology: tpu7x:2x2x1
jax: 0.10.2.dev20260603
libtpu: 0.0.44.dev20260713+nightly
codegen_flags: <defaults>
</compile_context>

<pallas_src>
import functools

import jax
import jax.numpy as jnp
from jax import lax
from jax.experimental import pallas as pl
from jax.experimental.pallas import tpu as pltpu
from jax.experimental.pallas import tpu_sc as plsc

_C0 = 20000
_C1 = 60000
_C2 = 100000
_D0, _D1, _D2 = 1024, 256, 64
_D2P = 128
_OUT = 1024

_NC, _NS, _L = 2, 16, 16
_NW = _NC * _NS
_B = 8192
_BPW = _B // _NW
_CH0 = 32
_CH12 = 64
_NC0 = _BPW // _CH0
_NC12 = _BPW // _CH12


def _band_ring(base, chunk, nchunk, idx_ref, table, x_hbm, bufs, gsem, wsem):
    g = [None] * nchunk
    w = [None] * nchunk

    def fire_gather(c):
        return pltpu.async_copy(table.at[idx_ref.at[c]], bufs[c % 2], gsem)

    def fire_write(c):
        return pltpu.async_copy(bufs[c % 2],
                                x_hbm.at[pl.ds(base + c * chunk, chunk)], wsem)

    g[0] = fire_gather(0)
    for c in range(nchunk):
        if c + 1 < nchunk:
            if c >= 1:
                w[c - 1].wait()
            g[c + 1] = fire_gather(c + 1)
        g[c].wait()
        w[c] = fire_write(c)
    w[nchunk - 2].wait()
    w[nchunk - 1].wait()


def _sc_gather_body(ids_hbm, emb0, emb1, emb2, x0_hbm, x1_hbm, x2_hbm,
                    ids_v, i0_v, i1_v, i2_v,
                    r0a, r0b, r1a, r1b, r2a, r2b, gsem, wsem):
    wid = lax.axis_index("s") * _NC + lax.axis_index("c")
    base = wid * _BPW
    pltpu.sync_copy(ids_hbm.at[pl.ds(base, _BPW)], ids_v)
    for g in range(_BPW // _L):
        s = g * _L
        t = ids_v[pl.ds(s, _L)]
        i0_v[s // _CH0, pl.ds(s % _CH0, _L)] = jnp.clip(t, 0, _C0 - 1)
        i1_v[s // _CH12, pl.ds(s % _CH12, _L)] = jnp.clip(t - _C0, 0, (_C1 - _C0) - 1)
        i2_v[s // _CH12, pl.ds(s % _CH12, _L)] = jnp.clip(t - _C1, 0, (_C2 - _C1) - 1)

    _band_ring(base, _CH0, _NC0, i0_v, emb0, x0_hbm, (r0a, r0b), gsem, wsem)
    _band_ring(base, _CH12, _NC12, i1_v, emb1, x1_hbm, (r1a, r1b), gsem, wsem)
    _band_ring(base, _CH12, _NC12, i2_v, emb2, x2_hbm, (r2a, r2b), gsem, wsem)


_sc_gather = pl.kernel(
    _sc_gather_body,
    out_type=(
        jax.ShapeDtypeStruct((_B, _D0), jnp.float32),
        jax.ShapeDtypeStruct((_B, _D1), jnp.float32),
        jax.ShapeDtypeStruct((_B, _D2P), jnp.float32),
    ),
    mesh=plsc.VectorSubcoreMesh(core_axis_name="c", subcore_axis_name="s"),
    scratch_types=[
        pltpu.VMEM((_BPW,), jnp.int32),
        pltpu.VMEM((_NC0, _CH0), jnp.int32),
        pltpu.VMEM((_NC12, _CH12), jnp.int32),
        pltpu.VMEM((_NC12, _CH12), jnp.int32),
        pltpu.VMEM((_CH0, _D0), jnp.float32),
        pltpu.VMEM((_CH0, _D0), jnp.float32),
        pltpu.VMEM((_CH12, _D1), jnp.float32),
        pltpu.VMEM((_CH12, _D1), jnp.float32),
        pltpu.VMEM((_CH12, _D2P), jnp.float32),
        pltpu.VMEM((_CH12, _D2P), jnp.float32),
        pltpu.SemaphoreType.DMA,
        pltpu.SemaphoreType.DMA,
    ],
)

_BT = 512


def _tc_body(ids_ref, x0_ref, x1_ref, x2_ref, w0_ref, w1_ref, w2_ref, out_ref):
    t = ids_ref[...]
    m0 = (t < _C0).astype(jnp.bfloat16)
    m1 = jnp.logical_and(t >= _C0, t < _C1).astype(jnp.bfloat16)
    m2 = (t >= _C1).astype(jnp.bfloat16)
    a0 = x0_ref[...].astype(jnp.bfloat16) * m0
    a1 = x1_ref[...].astype(jnp.bfloat16) * m1
    a2 = x2_ref[...].astype(jnp.bfloat16) * m2
    acc = jnp.dot(a0, w0_ref[...], preferred_element_type=jnp.float32)
    acc += jnp.dot(a1, w1_ref[...], preferred_element_type=jnp.float32)
    acc += jnp.dot(a2, w2_ref[...], preferred_element_type=jnp.float32)
    out_ref[...] = acc


@functools.partial(jax.jit, static_argnames=())
def _run(ids, emb0, w0t, emb1, w1t, emb2, w2t):
    x0, x1, x2 = _sc_gather(ids, emb0, emb1, emb2)
    ids2d = ids.reshape(_B, 1)
    grid = _B // _BT
    out = pl.pallas_call(
        _tc_body,
        grid=(grid,),
        in_specs=[
            pl.BlockSpec((_BT, 1), lambda i: (i, 0)),
            pl.BlockSpec((_BT, _D0), lambda i: (i, 0)),
            pl.BlockSpec((_BT, _D1), lambda i: (i, 0)),
            pl.BlockSpec((_BT, _D2P), lambda i: (i, 0)),
            pl.BlockSpec((_D0, _OUT), lambda i: (0, 0)),
            pl.BlockSpec((_D1, _OUT), lambda i: (0, 0)),
            pl.BlockSpec((_D2P, _OUT), lambda i: (0, 0)),
        ],
        out_specs=pl.BlockSpec((_BT, _OUT), lambda i: (i, 0)),
        out_shape=jax.ShapeDtypeStruct((_B, _OUT), jnp.float32),
    )(ids2d, x0, x1, x2, w0t, w1t, w2t)
    return out


def kernel(input, emb0, W0, emb1, W1, emb2, W2):
    ids = input.reshape(-1).astype(jnp.int32)
    emb2p = jnp.pad(emb2, ((0, 0), (0, _D2P - _D2)))
    w2tp = jnp.pad(W2.T, ((0, _D2P - _D2), (0, 0)))
    out = _run(ids, emb0, W0.T.astype(jnp.bfloat16), emb1,
               W1.T.astype(jnp.bfloat16), emb2p, w2tp.astype(jnp.bfloat16))
    return out.reshape(input.shape + (_OUT,))

# --- scband reference (transcript-rebuilt; emitter-appended) ---
"""Pipeline reference for scband-adaptive-input-54451595379258 (READ-ONLY COPY).

The authoritative reference and input builder live on the scoring server;
editing this copy changes nothing except your own understanding.
"""

import jax, jax.numpy as jnp
import numpy as np

VOCAB = 100000
CUTOFF = [20000, 60000, 100000]
INITIAL_DIM = 1024
FACTOR = 4.0
OUTPUT_DIM = 1024
PADDING_IDX = 0


def _band_dims():
    dims = []
    prev = 0
    for i, c in enumerate(CUTOFF):
        size = c - prev
        dim = int(INITIAL_DIM // FACTOR ** i)
        dims.append((size, dim))
        prev = c
    return dims


def setup_inputs(seed: int = 0) -> dict:
    key = jax.random.key(seed)
    ks = jax.random.split(key, 8)
    inp = jax.random.randint(ks[0], (4, 2048), 0, VOCAB, dtype=jnp.int64) if jax.config.read('jax_enable_x64') else jax.random.randint(ks[0], (4, 2048), 0, VOCAB, dtype=jnp.int32)
    out = {'input': inp}
    dims = _band_dims()
    ki = 1
    for i, (size, dim) in enumerate(dims):
        emb = jax.random.normal(ks[ki], (size, dim), dtype=jnp.float32) * (dim ** -0.5)
        ki += 1
        if i == 0:
            emb = emb.at[PADDING_IDX].set(0.0)
        limit = float(np.sqrt(6.0 / (dim + OUTPUT_DIM)))
        W = jax.random.uniform(ks[ki], (OUTPUT_DIM, dim), dtype=jnp.float32, minval=-limit, maxval=limit)
        ki += 1
        out[f'emb{i}'] = emb
        out[f'W{i}'] = W
    return out


def reference(input, emb0, W0, emb1, W1, emb2, W2):
    tables = [emb0, emb1, emb2]
    Ws = [W0, W1, W2]
    result = jnp.zeros(input.shape + (OUTPUT_DIM,), dtype=jnp.float32)
    prev = 0
    tmp = 0.0
    for i in range(len(CUTOFF)):
        cut = CUTOFF[i]
        table = tables[i]
        W = Ws[i]
        mask = (input < cut) & (input >= prev)
        local = jnp.clip(input - prev, 0, table.shape[0] - 1)
        e = jnp.take(table, local, axis=0)          # gather
        proj = e @ W.T                               # per-band projection to output_dim
        result = jnp.where(mask[..., None], proj, result)
        tmp = tmp + (table[0] @ W.T).sum()
        prev = cut
    result = result + tmp * 0.0
    return result

if __name__ == "__main__":
    import jax
    _d = setup_inputs()
    print(jax.jit(kernel)(*tuple(_d.values())))

</pallas_src>

<mosaic_0001>
#map = affine_map<(d0, d1) -> (0)>
#map1 = affine_map<(d0, d1) -> (0, 0)>
module attributes {stable_mosaic.version = 14 : i64} {
  func.func @_sc_gather_body(%arg0: i32, %arg1: i32, %arg2: memref<8192xi32, #tpu.memory_space<hbm>>, %arg3: memref<20000x1024xf32, #tpu.memory_space<hbm>>, %arg4: memref<40000x256xf32, #tpu.memory_space<hbm>>, %arg5: memref<40000x128xf32, #tpu.memory_space<hbm>>, %arg6: memref<8192x1024xf32, #tpu.memory_space<hbm>>, %arg7: memref<8192x256xf32, #tpu.memory_space<hbm>>, %arg8: memref<8192x128xf32, #tpu.memory_space<hbm>>, %arg9: memref<256xi32, #tpu.memory_space<vmem>>, %arg10: memref<8x32xi32, #tpu.memory_space<vmem>>, %arg11: memref<4x64xi32, #tpu.memory_space<vmem>>, %arg12: memref<4x64xi32, #tpu.memory_space<vmem>>, %arg13: memref<32x1024xf32, #tpu.memory_space<vmem>>, %arg14: memref<32x1024xf32, #tpu.memory_space<vmem>>, %arg15: memref<64x256xf32, #tpu.memory_space<vmem>>, %arg16: memref<64x256xf32, #tpu.memory_space<vmem>>, %arg17: memref<64x128xf32, #tpu.memory_space<vmem>>, %arg18: memref<64x128xf32, #tpu.memory_space<vmem>>, %arg19: memref<!tpu.dma_semaphore, #tpu.memory_space<semaphore_mem>>, %arg20: memref<!tpu.dma_semaphore, #tpu.memory_space<semaphore_mem>>) attributes {dimension_semantics = [#tpu.dimension_semantics<core_parallel>, #tpu.dimension_semantics<subcore_parallel>], iteration_bounds = array<i64: 2, 16>, scalar_prefetch = 0 : i64, scratch_operands = 12 : i64, tpu.core_type = #tpu.core_type<sc_vector_subcore>, window_params = [{transform_indices = #map}, {transform_indices = #map1}, {transform_indices = #map1}, {transform_indices = #map1}, {transform_indices = #map1}, {transform_indices = #map1}, {transform_indices = #map1}]} {
    %mul3A = arith.constant 2 : i32
    %mul3A_0 = arith.muli %arg1, %mul3A : i32
    %add3A = arith.addi %mul3A_0, %arg0 : i32
    %mul3A_1 = arith.constant 256 : i32
    %mul3A_2 = arith.muli %add3A, %mul3A_1 : i32
    "tpu.region"() ({
      %run_scoped3A = tpu.sem_alloc : memref<!tpu.dma_semaphore, #tpu.memory_space<semaphore_mem>>
      %dma_start3A_1099 = tpu.memref_slice %arg2[%mul3A_2] : memref<8192xi32, #tpu.memory_space<hbm>> -> memref<256xi32, #tpu.memory_space<hbm>>
      %dma_start3A_1100 = tpu.memref_slice %arg2[%mul3A_2] : memref<8192xi32, #tpu.memory_space<hbm>> -> memref<256xi32, #tpu.memory_space<hbm>>
      tpu.enqueue_dma source(%dma_start3A_1100 : memref<256xi32, #tpu.memory_space<hbm>>) target(%arg9 : memref<256xi32, #tpu.memory_space<vmem>>) target_semaphore(%run_scoped3A : memref<!tpu.dma_semaphore, #tpu.memory_space<semaphore_mem>>)
      %dma_wait3A_1101 = tpu.memref_slice %arg2[%mul3A_2] : memref<8192xi32, #tpu.memory_space<hbm>> -> memref<256xi32, #tpu.memory_space<hbm>>
      %dma_wait3A_1102 = tpu.memref_slice %arg2[%mul3A_2] : memref<8192xi32, #tpu.memory_space<hbm>> -> memref<256xi32, #tpu.memory_space<hbm>>
      tpu.wait_dma2 semaphore(%run_scoped3A : memref<!tpu.dma_semaphore, #tpu.memory_space<semaphore_mem>>) src(%dma_wait3A_1102 : memref<256xi32, #tpu.memory_space<hbm>>) dst(%arg9 : memref<256xi32, #tpu.memory_space<vmem>>)
      tpu.yield
    }) : () -> ()
    %get3A = arith.constant 0 : index
    %get3A_3 = tpu.vector_load %arg9[%get3A] {strides = array<i32>} : memref<256xi32, #tpu.memory_space<vmem>>, vector<16xi32>,
    %get3A_4 = vector.shape_cast %get3A_3 : vector<16xi32> to vector<16xi32>
    %jit3A = arith.constant 0 : i32
    %jit3A_5 = arith.constant 19999 : i32
    %max3A = vector.broadcast %jit3A : i32 to vector<16xi32>
    %max3A_6 = arith.maxsi %max3A, %get3A_4 : vector<16xi32>
    %min3A = vector.broadcast %jit3A_5 : i32 to vector<16xi32>
    %min3A_7 = arith.minsi %min3A, %max3A_6 : vector<16xi32>
    %swap3A = arith.constant 0 : i32
    %swap3A_8 = arith.index_cast %swap3A : i32 to index
    %swap3A_9 = arith.constant 0 : index
    %swap3A_10 = tpu.vector_load %arg10[%swap3A_8, %swap3A_9] {strides = array<i32>} : memref<8x32xi32, #tpu.memory_space<vmem>>, vector<1x16xi32>,
    %swap3A_11 = vector.shape_cast %swap3A_10 : vector<1x16xi32> to vector<16xi32>
    %swap3A_12 = vector.shape_cast %min3A_7 : vector<16xi32> to vector<1x16xi32>
    tpu.vector_store %arg10[%swap3A_8, %swap3A_9], %swap3A_12 {strides = array<i32>} : memref<8x32xi32, #tpu.memory_space<vmem>>, vector<1x16xi32>,
    %sub3A = arith.constant 20000 : i32
    %sub3A_13 = vector.broadcast %sub3A : i32 to vector<16xi32>
    %sub3A_14 = arith.subi %get3A_4, %sub3A_13 : vector<16xi32>
    %jit3A_15 = arith.constant 0 : i32
    %jit3A_16 = arith.constant 39999 : i32
    %max3A_17 = vector.broadcast %jit3A_15 : i32 to vector<16xi32>
    %max3A_18 = arith.maxsi %max3A_17, %sub3A_14 : vector<16xi32>
    %min3A_19 = vector.broadcast %jit3A_16 : i32 to vector<16xi32>
    %min3A_20 = arith.minsi %min3A_19, %max3A_18 : vector<16xi32>
    %swap3A_21 = arith.constant 0 : i32
    %swap3A_22 = arith.index_cast %swap3A_21 : i32 to index
    %swap3A_23 = arith.constant 0 : index
    %swap3A_24 = tpu.vector_load %arg11[%swap3A_22, %swap3A_23] {strides = array<i32>} : memref<4x64xi32, #tpu.memory_space<vmem>>, vector<1x16xi32>,
    %swap3A_25 = vector.shape_cast %swap3A_24 : vector<1x16xi32> to vector<16xi32>
    %swap3A_26 = vector.shape_cast %min3A_20 : vector<16xi32> to vector<1x16xi32>
    tpu.vector_store %arg11[%swap3A_22, %swap3A_23], %swap3A_26 {strides = array<i32>} : memref<4x64xi32, #tpu.memory_space<vmem>>, vector<1x16xi32>,
    %sub3A_27 = arith.constant 60000 : i32
    %sub3A_28 = vector.broadcast %sub3A_27 : i32 to vector<16xi32>
    %sub3A_29 = arith.subi %get3A_4, %sub3A_28 : vector<16xi32>
    %jit3A_30 = arith.constant 0 : i32
    %jit3A_31 = arith.constant 39999 : i32
    %max3A_32 = vector.broadcast %jit3A_30 : i32 to vector<16xi32>
    %max3A_33 = arith.maxsi %max3A_32, %sub3A_29 : vector<16xi32>
    %min3A_34 = vector.broadcast %jit3A_31 : i32 to vector<16xi32>
    %min3A_35 = arith.minsi %min3A_34, %max3A_33 : vector<16xi32>
    %swap3A_36 = arith.constant 0 : i32
    %swap3A_37 = arith.index_cast %swap3A_36 : i32 to index
    %swap3A_38 = arith.constant 0 : index
    %swap3A_39 = tpu.vector_load %arg12[%swap3A_37, %swap3A_38] {strides = array<i32>} : memref<4x64xi32, #tpu.memory_space<vmem>>, vector<1x16xi32>,
    %swap3A_40 = vector.shape_cast %swap3A_39 : vector<1x16xi32> to vector<16xi32>
    %swap3A_41 = vector.shape_cast %min3A_35 : vector<16xi32> to vector<1x16xi32>
    tpu.vector_store %arg12[%swap3A_37, %swap3A_38], %swap3A_41 {strides = array<i32>} : memref<4x64xi32, #tpu.memory_space<vmem>>, vector<1x16xi32>,
    %get3A_42 = arith.constant 16 : index
    %get3A_43 = tpu.vector_load %arg9[%get3A_42] {strides = array<i32>} : memref<256xi32, #tpu.memory_space<vmem>>, vector<16xi32>,
    %get3A_44 = vector.shape_cast %get3A_43 : vector<16xi32> to vector<16xi32>
    %jit3A_45 = arith.constant 0 : i32
    %jit3A_46 = arith.constant 19999 : i32
    %max3A_47 = vector.broadcast %jit3A_45 : i32 to vector<16xi32>
    %max3A_48 = arith.maxsi %max3A_47, %get3A_44 : vector<16xi32>
    %min3A_49 = vector.broadcast %jit3A_46 : i32 to vector<16xi32>
    %min3A_50 = arith.minsi %min3A_49, %max3A_48 : vector<16xi32>
    %swap3A_51 = arith.constant 0 : i32
    %swap3A_52 = arith.index_cast %swap3A_51 : i32 to index
    %swap3A_53 = arith.constant 16 : index
    %swap3A_54 = tpu.vector_load %arg10[%swap3A_52, %swap3A_53] {strides = array<i32>} : memref<8x32xi32, #tpu.memory_space<vmem>>, vector<1x16xi32>,
    %swap3A_55 = vector.shape_cast %swap3A_54 : vector<1x16xi32> to vector<16xi32>
    %swap3A_56 = vector.shape_cast %min3A_50 : vector<16xi32> to vector<1x16xi32>
    tpu.vector_store %arg10[%swap3A_52, %swap3A_53], %swap3A_56 {strides = array<i32>} : memref<8x32xi32, #tpu.memory_space<vmem>>, vector<1x16xi32>,
    %sub3A_57 = arith.constant 20000 : i32
    %sub3A_58 = vector.broadcast %sub3A_57 : i32 to vector<16xi32>
    %sub3A_59 = arith.subi %get3A_44, %sub3A_58 : vector<16xi32>
    %jit3A_60 = arith.constant 0 : i32
    %jit3A_61 = arith.constant 39999 : i32
    %max3A_62 = vector.broadcast %jit3A_60 : i32 to vector<16xi32>
    %max3A_63 = arith.maxsi %max3A_62, %sub3A_59 : vector<16xi32>
    %min3A_64 = vector.broadcast %jit3A_61 : i32 to vector<16xi32>
    %min3A_65 = arith.minsi %min3A_64, %max3A_63 : vector<16xi32>
    %swap3A_66 = arith.constant 0 : i32
    %swap3A_67 = arith.index_cast %swap3A_66 : i32 to index
    %swap3A_68 = arith.constant 16 : index
    %swap3A_69 = tpu.vector_load %arg11[%swap3A_67, %swap3A_68] {strides = array<i32>} : memref<4x64xi32, #tpu.memory_space<vmem>>, vector<1x16xi32>,
    %swap3A_70 = vector.shape_cast %swap3A_69 : vector<1x16xi32> to vector<16xi32>
    %swap3A_71 = vector.shape_cast %min3A_65 : vector<16xi32> to vector<1x16xi32>
    tpu.vector_store %arg11[%swap3A_67, %swap3A_68], %swap3A_71 {strides = array<i32>} : memref<4x64xi32, #tpu.memory_space<vmem>>, vector<1x16xi32>,
    %sub3A_72 = arith.constant 60000 : i32
    %sub3A_73 = vector.broadcast %sub3A_72 : i32 to vector<16xi32>
    %sub3A_74 = arith.subi %get3A_44, %sub3A_73 : vector<16xi32>
    %jit3A_75 = arith.constant 0 : i32
    %jit3A_76 = arith.constant 39999 : i32
    %max3A_77 = vector.broadcast %jit3A_75 : i32 to vector<16xi32>
    %max3A_78 = arith.maxsi %max3A_77, %sub3A_74 : vector<16xi32>
    %min3A_79 = vector.broadcast %jit3A_76 : i32 to vector<16xi32>
    %min3A_80 = arith.minsi %min3A_79, %max3A_78 : vector<16xi32>
    %swap3A_81 = arith.constant 0 : i32
    %swap3A_82 = arith.index_cast %swap3A_81 : i32 to index
    %swap3A_83 = arith.constant 16 : index
    %swap3A_84 = tpu.vector_load %arg12[%swap3A_82, %swap3A_83] {strides = array<i32>} : memref<4x64xi32, #tpu.memory_space<vmem>>, vector<1x16xi32>,
    %swap3A_85 = vector.shape_cast %swap3A_84 : vector<1x16xi32> to vector<16xi32>
    %swap3A_86 = vector.shape_cast %min3A_80 : vector<16xi32> to vector<1x16xi32>
    tpu.vector_store %arg12[%swap3A_82, %swap3A_83], %swap3A_86 {strides = array<i32>} : memref<4x64xi32, #tpu.memory_space<vmem>>, vector<1x16xi32>,
    %get3A_87 = arith.constant 32 : index
    %get3A_88 = tpu.vector_load %arg9[%get3A_87] {strides = array<i32>} : memref<256xi32, #tpu.memory_space<vmem>>, vector<16xi32>,
    %get3A_89 = vector.shape_cast %get3A_88 : vector<16xi32> to vector<16xi32>
    %jit3A_90 = arith.constant 0 : i32
    %jit3A_91 = arith.constant 19999 : i32
    %max3A_92 = vector.broadcast %jit3A_90 : i32 to vector<16xi32>
    %max3A_93 = arith.maxsi %max3A_92, %get3A_89 : vector<16xi32>
    %min3A_94 = vector.broadcast %jit3A_91 : i32 to vector<16xi32>
    %min3A_95 = arith.minsi %min3A_94, %max3A_93 : vector<16xi32>
    %swap3A_96 = arith.constant 1 : i32
    %swap3A_97 = arith.index_cast %swap3A_96 : i32 to index
    %swap3A_98 = arith.constant 0 : index
    %swap3A_99 = tpu.vector_load %arg10[%swap3A_97, %swap3A_98] {strides = array<i32>} : memref<8x32xi32, #tpu.memory_space<vmem>>, vector<1x16xi32>,
    %swap3A_100 = vector.shape_cast %swap3A_99 : vector<1x16xi32> to vector<16xi32>
    %swap3A_101 = vector.shape_cast %min3A_95 : vector<16xi32> to vector<1x16xi32>
    tpu.vector_store %arg10[%swap3A_97, %swap3A_98], %swap3A_101 {strides = array<i32>} : memref<8x32xi32, #tpu.memory_space<vmem>>, vector<1x16xi32>,
    %sub3A_102 = arith.constant 20000 : i32
    %sub3A_103 = vector.broadcast %sub3A_102 : i32 to vector<16xi32>
    %sub3A_104 = arith.subi %get3A_89, %sub3A_103 : vector<16xi32>
    %jit3A_105 = arith.constant 0 : i32
    %jit3A_106 = arith.constant 39999 : i32
    %max3A_107 = vector.broadcast %jit3A_105 : i32 to vector<16xi32>
    %max3A_108 = arith.maxsi %max3A_107, %sub3A_104 : vector<16xi32>
    %min3A_109 = vector.broadcast %jit3A_106 : i32 to vector<16xi32>
    %min3A_110 = arith.minsi %min3A_109, %max3A_108 : vector<16xi32>
    %swap3A_111 = arith.constant 0 : i32
    %swap3A_112 = arith.index_cast %swap3A_111 : i32 to index
    %swap3A_113 = arith.constant 32 : index
    %swap3A_114 = tpu.vector_load %arg11[%swap3A_112, %swap3A_113] {strides = array<i32>} : memref<4x64xi32, #tpu.memory_space<vmem>>, vector<1x16xi32>,
    %swap3A_115 = vector.shape_cast %swap3A_114 : vector<1x16xi32> to vector<16xi32>
    %swap3A_116 = vector.shape_cast %min3A_110 : vector<16xi32> to vector<1x16xi32>
    tpu.vector_store %arg11[%swap3A_112, %swap3A_113], %swap3A_116 {strides = array<i32>} : memref<4x64xi32, #tpu.memory_space<vmem>>, vector<1x16xi32>,
    %sub3A_117 = arith.constant 60000 : i32
    %sub3A_118 = vector.broadcast %sub3A_117 : i32 to vector<16xi32>
    %sub3A_119 = arith.subi %get3A_89, %sub3A_118 : vector<16xi32>
    %jit3A_120 = arith.constant 0 : i32
    %jit3A_121 = arith.constant 39999 : i32
    %max3A_122 = vector.broadcast %jit3A_120 : i32 to vector<16xi32>
    %max3A_123 = arith.maxsi %max3A_122, %sub3A_119 : vector<16xi32>
    %min3A_124 = vector.broadcast %jit3A_121 : i32 to vector<16xi32>
    %min3A_125 = arith.minsi %min3A_124, %max3A_123 : vector<16xi32>
    %swap3A_126 = arith.constant 0 : i32
    %swap3A_127 = arith.index_cast %swap3A_126 : i32 to index
    %swap3A_128 = arith.constant 32 : index
    %swap3A_129 = tpu.vector_load %arg12[%swap3A_127, %swap3A_128] {strides = array<i32>} : memref<4x64xi32, #tpu.memory_space<vmem>>, vector<1x16xi32>,
    %swap3A_130 = vector.shape_cast %swap3A_129 : vector<1x16xi32> to vector<16xi32>
    %swap3A_131 = vector.shape_cast %min3A_125 : vector<16xi32> to vector<1x16xi32>
    tpu.vector_store %arg12[%swap3A_127, %swap3A_128], %swap3A_131 {strides = array<i32>} : memref<4x64xi32, #tpu.memory_space<vmem>>, vector<1x16xi32>,
    %get3A_132 = arith.constant 48 : index
    %get3A_133 = tpu.vector_load %arg9[%get3A_132] {strides = array<i32>} : memref<256xi32, #tpu.memory_space<vmem>>, vector<16xi32>,
    %get3A_134 = vector.shape_cast %get3A_133 : vector<16xi32> to vector<16xi32>
    %jit3A_135 = arith.constant 0 : i32
    %jit3A_136 = arith.constant 19999 : i32
    %max3A_137 = vector.broadcast %jit3A_135 : i32 to vector<16xi32>
    %max3A_138 = arith.maxsi %max3A_137, %get3A_134 : vector<16xi32>
    %min3A_139 = vector.broadcast %jit3A_136 : i32 to vector<16xi32>
    %min3A_140 = arith.minsi %min3A_139, %max3A_138 : vector<16xi32>
    %swap3A_141 = arith.constant 1 : i32
    %swap3A_142 = arith.index_cast %swap3A_141 : i32 to index
    %swap3A_143 = arith.constant 16 : index
    %swap3A_144 = tpu.vector_load %arg10[%swap3A_142, %swap3A_143] {strides = array<i32>} : memref<8x32xi32, #tpu.memory_space<vmem>>, vector<1x16xi32>,
    %swap3A_145 = vector.shape_cast %swap3A_144 : vector<1x16xi32> to vector<16xi32>
    %swap3A_146 = vector.shape_cast %min3A_140 : vector<16xi32> to vector<1x16xi32>
    tpu.vector_store %arg10[%swap3A_142, %swap3A_143], %swap3A_146 {strides = array<i32>} : memref<8x32xi32, #tpu.memory_space<vmem>>, vector<1x16xi32>,
    %sub3A_147 = arith.constant 20000 : i32
    %sub3A_148 = vector.broadcast %sub3A_147 : i32 to vector<16xi32>
    %sub3A_149 = arith.subi %get3A_134, %sub3A_148 : vector<16xi32>
    %jit3A_150 = arith.constant 0 : i32
    %jit3A_151 = arith.constant 39999 : i32
    %max3A_152 = vector.broadcast %jit3A_150 : i32 to vector<16xi32>
    %max3A_153 = arith.maxsi %max3A_152, %sub3A_149 : vector<16xi32>
    %min3A_154 = vector.broadcast %jit3A_151 : i32 to vector<16xi32>
    %min3A_155 = arith.minsi %min3A_154, %max3A_153 : vector<16xi32>
    %swap3A_156 = arith.constant 0 : i32
    %swap3A_157 = arith.index_cast %swap3A_156 : i32 to index
    %swap3A_158 = arith.constant 48 : index
    %swap3A_159 = tpu.vector_load %arg11[%swap3A_157, %swap3A_158] {strides = array<i32>} : memref<4x64xi32, #tpu.memory_space<vmem>>, vector<1x16xi32>,
    %swap3A_160 = vector.shape_cast %swap3A_159 : vector<1x16xi32> to vector<16xi32>
    %swap3A_161 = vector.shape_cast %min3A_155 : vector<16xi32> to vector<1x16xi32>
    tpu.vector_store %arg11[%swap3A_157, %swap3A_158], %swap3A_161 {strides = array<i32>} : memref<4x64xi32, #tpu.memory_space<vmem>>, vector<1x16xi32>,
    %sub3A_162 = arith.constant 60000 : i32
    %sub3A_163 = vector.broadcast %sub3A_162 : i32 to vector<16xi32>
    %sub3A_164 = arith.subi %get3A_134, %sub3A_163 : vector<16xi32>
    %jit3A_165 = arith.constant 0 : i32
    %jit3A_166 = arith.constant 39999 : i32
    %max3A_167 = vector.broadcast %jit3A_165 : i32 to vector<16xi32>
    %max3A_168 = arith.maxsi %max3A_167, %sub3A_164 : vector<16xi32>
    %min3A_169 = vector.broadcast %jit3A_166 : i32 to vector<16xi32>
    %min3A_170 = arith.minsi %min3A_169, %max3A_168 : vector<16xi32>
    %swap3A_171 = arith.constant 0 : i32
    %swap3A_172 = arith.index_cast %swap3A_171 : i32 to index
    %swap3A_173 = arith.constant 48 : index
    %swap3A_174 = tpu.vector_load %arg12[%swap3A_172, %swap3A_173] {strides = array<i32>} : memref<4x64xi32, #tpu.memory_space<vmem>>, vector<1x16xi32>,
    %swap3A_175 = vector.shape_cast %swap3A_174 : vector<1x16xi32> to vector<16xi32>
    %swap3A_176 = vector.shape_cast %min3A_170 : vector<16xi32> to vector<1x16xi32>
    tpu.vector_store %arg12[%swap3A_172, %swap3A_173], %swap3A_176 {strides = array<i32>} : memref<4x64xi32, #tpu.memory_space<vmem>>, vector<1x16xi32>,
    %get3A_177 = arith.constant 64 : index
    %get3A_178 = tpu.vector_load %arg9[%get3A_177] {strides = array<i32>} : memref<256xi32, #tpu.memory_space<vmem>>, vector<16xi32>,
    %get3A_179 = vector.shape_cast %get3A_178 : vector<16xi32> to vector<16xi32>
    %jit3A_180 = arith.constant 0 : i32
    %jit3A_181 = arith.constant 19999 : i32
    %max3A_182 = vector.broadcast %jit3A_180 : i32 to vector<16xi32>
    %max3A_183 = arith.maxsi %max3A_182, %get3A_179 : vector<16xi32>
    %min3A_184 = vector.broadcast %jit3A_181 : i32 to vector<16xi32>
    %min3A_185 = arith.minsi %min3A_184, %max3A_183 : vector<16xi32>
    %swap3A_186 = arith.constant 2 : i32
    %swap3A_187 = arith.index_cast %swap3A_186 : i32 to index
    %swap3A_188 = arith.constant 0 : index
    %swap3A_189 = tpu.vector_load %arg10[%swap3A_187, %swap3A_188] {strides = array<i32>} : memref<8x32xi32, #tpu.memory_space<vmem>>, vector<1x16xi32>,
    %swap3A_190 = vector.shape_cast %swap3A_189 : vector<1x16xi32> to vector<16xi32>
    %swap3A_191 = vector.shape_cast %min3A_185 : vector<16xi32> to vector<1x16xi32>
    tpu.vector_store %arg10[%swap3A_187, %swap3A_188], %swap3A_191 {strides = array<i32>} : memref<8x32xi32, #tpu.memory_space<vmem>>, vector<1x16xi32>,
    %sub3A_192 = arith.constant 20000 : i32
    %sub3A_193 = vector.broadcast %sub3A_192 : i32 to vector<16xi32>
    %sub3A_194 = arith.subi %get3A_179, %sub3A_193 : vector<16xi32>
    %jit3A_195 = arith.constant 0 : i32
    %jit3A_196 = arith.constant 39999 : i32
    %max3A_197 = vector.broadcast %jit3A_195 : i32 to vector<16xi32>
    %max3A_198 = arith.maxsi %max3A_197, %sub3A_194 : vector<16xi32>
    %min3A_199 = vector.broadcast %jit3A_196 : i32 to vector<16xi32>
    %min3A_200 = arith.minsi %min3A_199, %max3A_198 : vector<16xi32>
    %swap3A_201 = arith.constant 1 : i32
    %swap3A_202 = arith.index_cast %swap3A_201 : i32 to index
    %swap3A_203 = arith.constant 0 : index
    %swap3A_204 = tpu.vector_load %arg11[%swap3A_202, %swap3A_203] {strides = array<i32>} : memref<4x64xi32, #tpu.memory_space<vmem>>, vector<1x16xi32>,
    %swap3A_205 = vector.shape_cast %swap3A_204 : vector<1x16xi32> to vector<16xi32>
    %swap3A_206 = vector.shape_cast %min3A_200 : vector<16xi32> to vector<1x16xi32>
    tpu.vector_store %arg11[%swap3A_202, %swap3A_203], %swap3A_206 {strides = array<i32>} : memref<4x64xi32, #tpu.memory_space<vmem>>, vector<1x16xi32>,
    %sub3A_207 = arith.constant 60000 : i32
    %sub3A_208 = vector.broadcast %sub3A_207 : i32 to vector<16xi32>
    %sub3A_209 = arith.subi %get3A_179, %sub3A_208 : vector<16xi32>
    %jit3A_210 = arith.constant 0 : i32
    %jit3A_211 = arith.constant 39999 : i32
    %max3A_212 = vector.broadcast %jit3A_210 : i32 to vector<16xi32>
    %max3A_213 = arith.maxsi %max3A_212, %sub3A_209 : vector<16xi32>
    %min3A_214 = vector.broadcast %jit3A_211 : i32 to vector<16xi32>
    %min3A_215 = arith.minsi %min3A_214, %max3A_213 : vector<16xi32>
    %swap3A_216 = arith.constant 1 : i32
    %swap3A_217 = arith.index_cast %swap3A_216 : i32 to index
    %swap3A_218 = arith.constant 0 : index
    %swap3A_219 = tpu.vector_load %arg12[%swap3A_217, %swap3A_218] {strides = array<i32>} : memref<4x64xi32, #tpu.memory_space<vmem>>, vector<1x16xi32>,
    %swap3A_220 = vector.shape_cast %swap3A_219 : vector<1x16xi32> to vector<16xi32>
    %swap3A_221 = vector.shape_cast %min3A_215 : vector<16xi32> to vector<1x16xi32>
    tpu.vector_store %arg12[%swap3A_217, %swap3A_218], %swap3A_221 {strides = array<i32>} : memref<4x64xi32, #tpu.memory_space<vmem>>, vector<1x16xi32>,
    %get3A_222 = arith.constant 80 : index
    %get3A_223 = tpu.vector_load %arg9[%get3A_222] {strides = array<i32>} : memref<256xi32, #tpu.memory_space<vmem>>, vector<16xi32>,
    %get3A_224 = vector.shape_cast %get3A_223 : vector<16xi32> to vector<16xi32>
    %jit3A_225 = arith.constant 0 : i32
    %jit3A_226 = arith.constant 19999 : i32
    %max3A_227 = vector.broadcast %jit3A_225 : i32 to vector<16xi32>
    %max3A_228 = arith.maxsi %max3A_227, %get3A_224 : vector<16xi32>
    %min3A_229 = vector.broadcast %jit3A_226 : i32 to vector<16xi32>
    %min3A_230 = arith.minsi %min3A_229, %max3A_228 : vector<16xi32>
    %swap3A_231 = arith.constant 2 : i32
    %swap3A_232 = arith.index_cast %swap3A_231 : i32 to index
    %swap3A_233 = arith.constant 16 : index
    %swap3A_234 = tpu.vector_load %arg10[%swap3A_232, %swap3A_233] {strides = array<i32>} : memref<8x32xi32, #tpu.memory_space<vmem>>, vector<1x16xi32>,
    %swap3A_235 = vector.shape_cast %swap3A_234 : vector<1x16xi32> to vector<16xi32>
    %swap3A_236 = vector.shape_cast %min3A_230 : vector<16xi32> to vector<1x16xi32>
    tpu.vector_store %arg10[%swap3A_232, %swap3A_233], %swap3A_236 {strides = array<i32>} : memref<8x32xi32, #tpu.memory_space<vmem>>, vector<1x16xi32>,
    %sub3A_237 = arith.constant 20000 : i32
    %sub3A_238 = vector.broadcast %sub3A_237 : i32 to vector<16xi32>
    %sub3A_239 = arith.subi %get3A_224, %sub3A_238 : vector<16xi32>
    %jit3A_240 = arith.constant 0 : i32
    %jit3A_241 = arith.constant 39999 : i32
    %max3A_242 = vector.broadcast %jit3A_240 : i32 to vector<16xi32>
    %max3A_243 = arith.maxsi %max3A_242, %sub3A_239 : vector<16xi32>
    %min3A_244 = vector.broadcast %jit3A_241 : i32 to vector<16xi32>
    %min3A_245 = arith.minsi %min3A_244, %max3A_243 : vector<16xi32>
    %swap3A_246 = arith.constant 1 : i32
    %swap3A_247 = arith.index_cast %swap3A_246 : i32 to index
    %swap3A_248 = arith.constant 16 : index
    %swap3A_249 = tpu.vector_load %arg11[%swap3A_247, %swap3A_248] {strides = array<i32>} : memref<4x64xi32, #tpu.memory_space<vmem>>, vector<1x16xi32>,
    %swap3A_250 = vector.shape_cast %swap3A_249 : vector<1x16xi32> to vector<16xi32>
    %swap3A_251 = vector.shape_cast %min3A_245 : vector<16xi32> to vector<1x16xi32>
    tpu.vector_store %arg11[%swap3A_247, %swap3A_248], %swap3A_251 {strides = array<i32>} : memref<4x64xi32, #tpu.memory_space<vmem>>, vector<1x16xi32>,
    %sub3A_252 = arith.constant 60000 : i32
    %sub3A_253 = vector.broadcast %sub3A_252 : i32 to vector<16xi32>
    %sub3A_254 = arith.subi %get3A_224, %sub3A_253 : vector<16xi32>
    %jit3A_255 = arith.constant 0 : i32
    %jit3A_256 = arith.constant 39999 : i32
    %max3A_257 = vector.broadcast %jit3A_255 : i32 to vector<16xi32>
    %max3A_258 = arith.maxsi %max3A_257, %sub3A_254 : vector<16xi32>
    %min3A_259 = vector.broadcast %jit3A_256 : i32 to vector<16xi32>
    %min3A_260 = arith.minsi %min3A_259, %max3A_258 : vector<16xi32>
    %swap3A_261 = arith.constant 1 : i32
    %swap3A_262 = arith.index_cast %swap3A_261 : i32 to index
    %swap3A_263 = arith.constant 16 : index
    %swap3A_264 = tpu.vector_load %arg12[%swap3A_262, %swap3A_263] {strides = array<i32>} : memref<4x64xi32, #tpu.memory_space<vmem>>, vector<1x16xi32>,
    %swap3A_265 = vector.shape_cast %swap3A_264 : vector<1x16xi32> to vector<16xi32>
    %swap3A_266 = vector.shape_cast %min3A_260 : vector<16xi32> to vector<1x16xi32>
    tpu.vector_store %arg12[%swap3A_262, %swap3A_263], %swap3A_266 {strides = array<i32>} : memref<4x64xi32, #tpu.memory_space<vmem>>, vector<1x16xi32>,
    %get3A_267 = arith.constant 96 : index
    %get3A_268 = tpu.vector_load %arg9[%get3A_267] {strides = array<i32>} : memref<256xi32, #tpu.memory_space<vmem>>, vector<16xi32>,
    %get3A_269 = vector.shape_cast %get3A_268 : vector<16xi32> to vector<16xi32>
    %jit3A_270 = arith.constant 0 : i32
    %jit3A_271 = arith.constant 19999 : i32
    %max3A_272 = vector.broadcast %jit3A_270 : i32 to vector<16xi32>
    %max3A_273 = arith.maxsi %max3A_272, %get3A_269 : vector<16xi32>
    %min3A_274 = vector.broadcast %jit3A_271 : i32 to vector<16xi32>
    %min3A_275 = arith.minsi %min3A_274, %max3A_273 : vector<16xi32>
    %swap3A_276 = arith.constant 3 : i32
    %swap3A_277 = arith.index_cast %swap3A_276 : i32 to index
    %swap3A_278 = arith.constant 0 : index
    %swap3A_279 = tpu.vector_load %arg10[%swap3A_277, %swap3A_278] {strides = array<i32>} : memref<8x32xi32, #tpu.memory_space<vmem>>, vector<1x16xi32>,
    %swap3A_280 = vector.shape_cast %swap3A_279 : vector<1x16xi32> to vector<16xi32>
    %swap3A_281 = vector.shape_cast %min3A_275 : vector<16xi32> to vector<1x16xi32>
    tpu.vector_store %arg10[%swap3A_277, %swap3A_278], %swap3A_281 {strides = array<i32>} : memref<8x32xi32, #tpu.memory_space<vmem>>, vector<1x16xi32>,
    %sub3A_282 = arith.constant 20000 : i32
    %sub3A_283 = vector.broadcast %sub3A_282 : i32 to vector<16xi32>
    %sub3A_284 = arith.subi %get3A_269, %sub3A_283 : vector<16xi32>
    %jit3A_285 = arith.constant 0 : i32
    %jit3A_286 = arith.constant 39999 : i32
    %max3A_287 = vector.broadcast %jit3A_285 : i32 to vector<16xi32>
    %max3A_288 = arith.maxsi %max3A_287, %sub3A_284 : vector<16xi32>
    %min3A_289 = vector.broadcast %jit3A_286 : i32 to vector<16xi32>
    %min3A_290 = arith.minsi %min3A_289, %max3A_288 : vector<16xi32>
    %swap3A_291 = arith.constant 1 : i32
    %swap3A_292 = arith.index_cast %swap3A_291 : i32 to index
    %swap3A_293 = arith.constant 32 : index
    %swap3A_294 = tpu.vector_load %arg11[%swap3A_292, %swap3A_293] {strides = array<i32>} : memref<4x64xi32, #tpu.memory_space<vmem>>, vector<1x16xi32>,
    %swap3A_295 = vector.shape_cast %swap3A_294 : vector<1x16xi32> to vector<16xi32>
    %swap3A_296 = vector.shape_cast %min3A_290 : vector<16xi32> to vector<1x16xi32>
    tpu.vector_store %arg11[%swap3A_292, %swap3A_293], %swap3A_296 {strides = array<i32>} : memref<4x64xi32, #tpu.memory_space<vmem>>, vector<1x16xi32>,
    %sub3A_297 = arith.constant 60000 : i32
    %sub3A_298 = vector.broadcast %sub3A_297 : i32 to vector<16xi32>
    %sub3A_299 = arith.subi %get3A_269, %sub3A_298 : vector<16xi32>
    %jit3A_300 = arith.constant 0 : i32
    %jit3A_301 = arith.constant 39999 : i32
    %max3A_302 = vector.broadcast %jit3A_300 : i32 to vector<16xi32>
    %max3A_303 = arith.maxsi %max3A_302, %sub3A_299 : vector<16xi32>
    %min3A_304 = vector.broadcast %jit3A_301 : i32 to vector<16xi32>
    %min3A_305 = arith.minsi %min3A_304, %max3A_303 : vector<16xi32>
    %swap3A_306 = arith.constant 1 : i32
    %swap3A_307 = arith.index_cast %swap3A_306 : i32 to index
    %swap3A_308 = arith.constant 32 : index
    %swap3A_309 = tpu.vector_load %arg12[%swap3A_307, %swap3A_308] {strides = array<i32>} : memref<4x64xi32, #tpu.memory_space<vmem>>, vector<1x16xi32>,
    %swap3A_310 = vector.shape_cast %swap3A_309 : vector<1x16xi32> to vector<16xi32>
    %swap3A_311 = vector.shape_cast %min3A_305 : vector<16xi32> to vector<1x16xi32>
    tpu.vector_store %arg12[%swap3A_307, %swap3A_308], %swap3A_311 {strides = array<i32>} : memref<4x64xi32, #tpu.memory_space<vmem>>, vector<1x16xi32>,
    %get3A_312 = arith.constant 112 : index
    %get3A_313 = tpu.vector_load %arg9[%get3A_312] {strides = array<i32>} : memref<256xi32, #tpu.memory_space<vmem>>, vector<16xi32>,
    %get3A_314 = vector.shape_cast %get3A_313 : vector<16xi32> to vector<16xi32>
    %jit3A_315 = arith.constant 0 : i32
    %jit3A_316 = arith.constant 19999 : i32
    %max3A_317 = vector.broadcast %jit3A_315 : i32 to vector<16xi32>
    %max3A_318 = arith.maxsi %max3A_317, %get3A_314 : vector<16xi32>
    %min3A_319 = vector.broadcast %jit3A_316 : i32 to vector<16xi32>
    %min3A_320 = arith.minsi %min3A_319, %max3A_318 : vector<16xi32>
    %swap3A_321 = arith.constant 3 : i32
    %swap3A_322 = arith.index_cast %swap3A_321 : i32 to index
    %swap3A_323 = arith.constant 16 : index
    %swap3A_324 = tpu.vector_load %arg10[%swap3A_322, %swap3A_323] {strides = array<i32>} : memref<8x32xi32, #tpu.memory_space<vmem>>, vector<1x16xi32>,
    %swap3A_325 = vector.shape_cast %swap3A_324 : vector<1x16xi32> to vector<16xi32>
    %swap3A_326 = vector.shape_cast %min3A_320 : vector<16xi32> to vector<1x16xi32>
    tpu.vector_store %arg10[%swap3A_322, %swap3A_323], %swap3A_326 {strides = array<i32>} : memref<8x32xi32, #tpu.memory_space<vmem>>, vector<1x16xi32>,
    %sub3A_327 = arith.constant 20000 : i32
    %sub3A_328 = vector.broadcast %sub3A_327 : i32 to vector<16xi32>
    %sub3A_329 = arith.subi %get3A_314, %sub3A_328 : vector<16xi32>
    %jit3A_330 = arith.constant 0 : i32
    %jit3A_331 = arith.constant 39999 : i32
    %max3A_332 = vector.broadcast %jit3A_330 : i32 to vector<16xi32>
    %max3A_333 = arith.maxsi %max3A_332, %sub3A_329 : vector<16xi32>
    %min3A_334 = vector.broadcast %jit3A_331 : i32 to vector<16xi32>
    %min3A_335 = arith.minsi %min3A_334, %max3A_333 : vector<16xi32>
    %swap3A_336 = arith.constant 1 : i32
    %swap3A_337 = arith.index_cast %swap3A_336 : i32 to index
    %swap3A_338 = arith.constant 48 : index
    %swap3A_339 = tpu.vector_load %arg11[%swap3A_337, %swap3A_338] {strides = array<i32>} : memref<4x64xi32, #tpu.memory_space<vmem>>, vector<1x16xi32>,
    %swap3A_340 = vector.shape_cast %swap3A_339 : vector<1x16xi32> to vector<16xi32>
    %swap3A_341 = vector.shape_cast %min3A_335 : vector<16xi32> to vector<1x16xi32>
    tpu.vector_store %arg11[%swap3A_337, %swap3A_338], %swap3A_341 {strides = array<i32>} : memref<4x64xi32, #tpu.memory_space<vmem>>, vector<1x16xi32>,
    %sub3A_342 = arith.constant 60000 : i32
    %sub3A_343 = vector.broadcast %sub3A_342 : i32 to vector<16xi32>
    %sub3A_344 = arith.subi %get3A_314, %sub3A_343 : vector<16xi32>
    %jit3A_345 = arith.constant 0 : i32
    %jit3A_346 = arith.constant 39999 : i32
    %max3A_347 = vector.broadcast %jit3A_345 : i32 to vector<16xi32>
    %max3A_348 = arith.maxsi %max3A_347, %sub3A_344 : vector<16xi32>
    %min3A_349 = vector.broadcast %jit3A_346 : i32 to vector<16xi32>
    %min3A_350 = arith.minsi %min3A_349, %max3A_348 : vector<16xi32>
    %swap3A_351 = arith.constant 1 : i32
    %swap3A_352 = arith.index_cast %swap3A_351 : i32 to index
    %swap3A_353 = arith.constant 48 : index
    %swap3A_354 = tpu.vector_load %arg12[%swap3A_352, %swap3A_353] {strides = array<i32>} : memref<4x64xi32, #tpu.memory_space<vmem>>, vector<1x16xi32>,
    %swap3A_355 = vector.shape_cast %swap3A_354 : vector<1x16xi32> to vector<16xi32>
    %swap3A_356 = vector.shape_cast %min3A_350 : vector<16xi32> to vector<1x16xi32>
    tpu.vector_store %arg12[%swap3A_352, %swap3A_353], %swap3A_356 {strides = array<i32>} : memref<4x64xi32, #tpu.memory_space<vmem>>, vector<1x16xi32>,
    %get3A_357 = arith.constant 128 : index
    %get3A_358 = tpu.vector_load %arg9[%get3A_357] {strides = array<i32>} : memref<256xi32, #tpu.memory_space<vmem>>, vector<16xi32>,
    %get3A_359 = vector.shape_cast %get3A_358 : vector<16xi32> to vector<16xi32>
    %jit3A_360 = arith.constant 0 : i32
    %jit3A_361 = arith.constant 19999 : i32
    %max3A_362 = vector.broadcast %jit3A_360 : i32 to vector<16xi32>
    %max3A_363 = arith.maxsi %max3A_362, %get3A_359 : vector<16xi32>
    %min3A_364 = vector.broadcast %jit3A_361 : i32 to vector<16xi32>
    %min3A_365 = arith.minsi %min3A_364, %max3A_363 : vector<16xi32>
    %swap3A_366 = arith.constant 4 : i32
    %swap3A_367 = arith.index_cast %swap3A_366 : i32 to index
    %swap3A_368 = arith.constant 0 : index
    %swap3A_369 = tpu.vector_load %arg10[%swap3A_367, %swap3A_368] {strides = array<i32>} : memref<8x32xi32, #tpu.memory_space<vmem>>, vector<1x16xi32>,
    %swap3A_370 = vector.shape_cast %swap3A_369 : vector<1x16xi32> to vector<16xi32>
    %swap3A_371 = vector.shape_cast %min3A_365 : vector<16xi32> to vector<1x16xi32>
    tpu.vector_store %arg10[%swap3A_367, %swap3A_368], %swap3A_371 {strides = array<i32>} : memref<8x32xi32, #tpu.memory_space<vmem>>, vector<1x16xi32>,
    %sub3A_372 = arith.constant 20000 : i32
    %sub3A_373 = vector.broadcast %sub3A_372 : i32 to vector<16xi32>
    %sub3A_374 = arith.subi %get3A_359, %sub3A_373 : vector<16xi32>
    %jit3A_375 = arith.constant 0 : i32
    %jit3A_376 = arith.constant 39999 : i32
    %max3A_377 = vector.broadcast %jit3A_375 : i32 to vector<16xi32>
    %max3A_378 = arith.maxsi %max3A_377, %sub3A_374 : vector<16xi32>
    %min3A_379 = vector.broadcast %jit3A_376 : i32 to vector<16xi32>
    %min3A_380 = arith.minsi %min3A_379, %max3A_378 : vector<16xi32>
    %swap3A_381 = arith.constant 2 : i32
    %swap3A_382 = arith.index_cast %swap3A_381 : i32 to index
    %swap3A_383 = arith.constant 0 : index
    %swap3A_384 = tpu.vector_load %arg11[%swap3A_382, %swap3A_383] {strides = array<i32>} : memref<4x64xi32, #tpu.memory_space<vmem>>, vector<1x16xi32>,
    %swap3A_385 = vector.shape_cast %swap3A_384 : vector<1x16xi32> to vector<16xi32>
    %swap3A_386 = vector.shape_cast %min3A_380 : vector<16xi32> to vector<1x16xi32>
    tpu.vector_store %arg11[%swap3A_382, %swap3A_383], %swap3A_386 {strides = array<i32>} : memref<4x64xi32, #tpu.memory_space<vmem>>, vector<1x16xi32>,
    %sub3A_387 = arith.constant 60000 : i32
    %sub3A_388 = vector.broadcast %sub3A_387 : i32 to vector<16xi32>
    %sub3A_389 = arith.subi %get3A_359, %sub3A_388 : vector<16xi32>
    %jit3A_390 = arith.constant 0 : i32
    %jit3A_391 = arith.constant 39999 : i32
    %max3A_392 = vector.broadcast %jit3A_390 : i32 to vector<16xi32>
    %max3A_393 = arith.maxsi %max3A_392, %sub3A_389 : vector<16xi32>
    %min3A_394 = vector.broadcast %jit3A_391 : i32 to vector<16xi32>
    %min3A_395 = arith.minsi %min3A_394, %max3A_393 : vector<16xi32>
    %swap3A_396 = arith.constant 2 : i32
    %swap3A_397 = arith.index_cast %swap3A_396 : i32 to index
    %swap3A_398 = arith.constant 0 : index
    %swap3A_399 = tpu.vector_load %arg12[%swap3A_397, %swap3A_398] {strides = array<i32>} : memref<4x64xi32, #tpu.memory_space<vmem>>, vector<1x16xi32>,
    %swap3A_400 = vector.shape_cast %swap3A_399 : vector<1x16xi32> to vector<16xi32>
    %swap3A_401 = vector.shape_cast %min3A_395 : vector<16xi32> to vector<1x16xi32>
    tpu.vector_store %arg12[%swap3A_397, %swap3A_398], %swap3A_401 {strides = array<i32>} : memref<4x64xi32, #tpu.memory_space<vmem>>, vector<1x16xi32>,
    %get3A_402 = arith.constant 144 : index
    %get3A_403 = tpu.vector_load %arg9[%get3A_402] {strides = array<i32>} : memref<256xi32, #tpu.memory_space<vmem>>, vector<16xi32>,
    %get3A_404 = vector.shape_cast %get3A_403 : vector<16xi32> to vector<16xi32>
    %jit3A_405 = arith.constant 0 : i32
    %jit3A_406 = arith.constant 19999 : i32
    %max3A_407 = vector.broadcast %jit3A_405 : i32 to vector<16xi32>
    %max3A_408 = arith.maxsi %max3A_407, %get3A_404 : vector<16xi32>
    %min3A_409 = vector.broadcast %jit3A_406 : i32 to vector<16xi32>
    %min3A_410 = arith.minsi %min3A_409, %max3A_408 : vector<16xi32>
    %swap3A_411 = arith.constant 4 : i32
    %swap3A_412 = arith.index_cast %swap3A_411 : i32 to index
    %swap3A_413 = arith.constant 16 : index
    %swap3A_414 = tpu.vector_load %arg10[%swap3A_412, %swap3A_413] {strides = array<i32>} : memref<8x32xi32, #tpu.memory_space<vmem>>, vector<1x16xi32>,
    %swap3A_415 = vector.shape_cast %swap3A_414 : vector<1x16xi32> to vector<16xi32>
    %swap3A_416 = vector.shape_cast %min3A_410 : vector<16xi32> to vector<1x16xi32>
    tpu.vector_store %arg10[%swap3A_412, %swap3A_413], %swap3A_416 {strides = array<i32>} : memref<8x32xi32, #tpu.memory_space<vmem>>, vector<1x16xi32>,
    %sub3A_417 = arith.constant 20000 : i32
    %sub3A_418 = vector.broadcast %sub3A_417 : i32 to vector<16xi32>
    %sub3A_419 = arith.subi %get3A_404, %sub3A_418 : vector<16xi32>
    %jit3A_420 = arith.constant 0 : i32
    %jit3A_421 = arith.constant 39999 : i32
    %max3A_422 = vector.broadcast %jit3A_420 : i32 to vector<16xi32>
    %max3A_423 = arith.maxsi %max3A_422, %sub3A_419 : vector<16xi32>
    %min3A_424 = vector.broadcast %jit3A_421 : i32 to vector<16xi32>
    %min3A_425 = arith.minsi %min3A_424, %max3A_423 : vector<16xi32>
    %swap3A_426 = arith.constant 2 : i32
    %swap3A_427 = arith.index_cast %swap3A_426 : i32 to index
    %swap3A_428 = arith.constant 16 : index
    %swap3A_429 = tpu.vector_load %arg11[%swap3A_427, %swap3A_428] {strides = array<i32>} : memref<4x64xi32, #tpu.memory_space<vmem>>, vector<1x16xi32>,
    %swap3A_430 = vector.shape_cast %swap3A_429 : vector<1x16xi32> to vector<16xi32>
    %swap3A_431 = vector.shape_cast %min3A_425 : vector<16xi32> to vector<1x16xi32>
    tpu.vector_store %arg11[%swap3A_427, %swap3A_428], %swap3A_431 {strides = array<i32>} : memref<4x64xi32, #tpu.memory_space<vmem>>, vector<1x16xi32>,
    %sub3A_432 = arith.constant 60000 : i32
    %sub3A_433 = vector.broadcast %sub3A_432 : i32 to vector<16xi32>
    %sub3A_434 = arith.subi %get3A_404, %sub3A_433 : vector<16xi32>
    %jit3A_435 = arith.constant 0 : i32
    %jit3A_436 = arith.constant 39999 : i32
    %max3A_437 = vector.broadcast %jit3A_435 : i32 to vector<16xi32>
    %max3A_438 = arith.maxsi %max3A_437, %sub3A_434 : vector<16xi32>
    %min3A_439 = vector.broadcast %jit3A_436 : i32 to vector<16xi32>
    %min3A_440 = arith.minsi %min3A_439, %max3A_438 : vector<16xi32>
    %swap3A_441 = arith.constant 2 : i32
    %swap3A_442 = arith.index_cast %swap3A_441 : i32 to index
    %swap3A_443 = arith.constant 16 : index
    %swap3A_444 = tpu.vector_load %arg12[%swap3A_442, %swap3A_443] {strides = array<i32>} : memref<4x64xi32, #tpu.memory_space<vmem>>, vector<1x16xi32>,
    %swap3A_445 = vector.shape_cast %swap3A_444 : vector<1x16xi32> to vector<16xi32>
    %swap3A_446 = vector.shape_cast %min3A_440 : vector<16xi32> to vector<1x16xi32>
    tpu.vector_store %arg12[%swap3A_442, %swap3A_443], %swap3A_446 {strides = array<i32>} : memref<4x64xi32, #tpu.memory_space<vmem>>, vector<1x16xi32>,
    %get3A_447 = arith.constant 160 : index
    %get3A_448 = tpu.vector_load %arg9[%get3A_447] {strides = array<i32>} : memref<256xi32, #tpu.memory_space<vmem>>, vector<16xi32>,
    %get3A_449 = vector.shape_cast %get3A_448 : vector<16xi32> to vector<16xi32>
    %jit3A_450 = arith.constant 0 : i32
    %jit3A_451 = arith.constant 19999 : i32
    %max3A_452 = vector.broadcast %jit3A_450 : i32 to vector<16xi32>
    %max3A_453 = arith.maxsi %max3A_452, %get3A_449 : vector<16xi32>
    %min3A_454 = vector.broadcast %jit3A_451 : i32 to vector<16xi32>
    %min3A_455 = arith.minsi %min3A_454, %max3A_453 : vector<16xi32>
    %swap3A_456 = arith.constant 5 : i32
    %swap3A_457 = arith.index_cast %swap3A_456 : i32 to index
    %swap3A_458 = arith.constant 0 : index
    %swap3A_459 = tpu.vector_load %arg10[%swap3A_457, %swap3A_458] {strides = array<i32>} : memref<8x32xi32, #tpu.memory_space<vmem>>, vector<1x16xi32>,
    %swap3A_460 = vector.shape_cast %swap3A_459 : vector<1x16xi32> to vector<16xi32>
    %swap3A_461 = vector.shape_cast %min3A_455 : vector<16xi32> to vector<1x16xi32>
    tpu.vector_store %arg10[%swap3A_457, %swap3A_458], %swap3A_461 {strides = array<i32>} : memref<8x32xi32, #tpu.memory_space<vmem>>, vector<1x16xi32>,
    %sub3A_462 = arith.constant 20000 : i32
    %sub3A_463 = vector.broadcast %sub3A_462 : i32 to vector<16xi32>
    %sub3A_464 = arith.subi %get3A_449, %sub3A_463 : vector<16xi32>
    %jit3A_465 = arith.constant 0 : i32
    %jit3A_466 = arith.constant 39999 : i32
    %max3A_467 = vector.broadcast %jit3A_465 : i32 to vector<16xi32>
    %max3A_468 = arith.maxsi %max3A_467, %sub3A_464 : vector<16xi32>
    %min3A_469 = vector.broadcast %jit3A_466 : i32 to vector<16xi32>
    %min3A_470 = arith.minsi %min3A_469, %max3A_468 : vector<16xi32>
    %swap3A_471 = arith.constant 2 : i32
    %swap3A_472 = arith.index_cast %swap3A_471 : i32 to index
    %swap3A_473 = arith.constant 32 : index
    %swap3A_474 = tpu.vector_load %arg11[%swap3A_472, %swap3A_473] {strides = array<i32>} : memref<4x64xi32, #tpu.memory_space<vmem>>, vector<1x16xi32>,
    %swap3A_475 = vector.shape_cast %swap3A_474 : vector<1x16xi32> to vector<16xi32>
    %swap3A_476 = vector.shape_cast %min3A_470 : vector<16xi32> to vector<1x16xi32>
    tpu.vector_store %arg11[%swap3A_472, %swap3A_473], %swap3A_476 {strides = array<i32>} : memref<4x64xi32, #tpu.memory_space<vmem>>, vector<1x16xi32>,
    %sub3A_477 = arith.constant 60000 : i32
    %sub3A_478 = vector.broadcast %sub3A_477 : i32 to vector<16xi32>
    %sub3A_479 = arith.subi %get3A_449, %sub3A_478 : vector<16xi32>
    %jit3A_480 = arith.constant 0 : i32
    %jit3A_481 = arith.constant 39999 : i32
    %max3A_482 = vector.broadcast %jit3A_480 : i32 to vector<16xi32>
    %max3A_483 = arith.maxsi %max3A_482, %sub3A_479 : vector<16xi32>
    %min3A_484 = vector.broadcast %jit3A_481 : i32 to vector<16xi32>
    %min3A_485 = arith.minsi %min3A_484, %max3A_483 : vector<16xi32>
    %swap3A_486 = arith.constant 2 : i32
    %swap3A_487 = arith.index_cast %swap3A_486 : i32 to index
    %swap3A_488 = arith.constant 32 : index
    %swap3A_489 = tpu.vector_load %arg12[%swap3A_487, %swap3A_488] {strides = array<i32>} : memref<4x64xi32, #tpu.memory_space<vmem>>, vector<1x16xi32>,
    %swap3A_490 = vector.shape_cast %swap3A_489 : vector<1x16xi32> to vector<16xi32>
    %swap3A_491 = vector.shape_cast %min3A_485 : vector<16xi32> to vector<1x16xi32>
    tpu.vector_store %arg12[%swap3A_487, %swap3A_488], %swap3A_491 {strides = array<i32>} : memref<4x64xi32, #tpu.memory_space<vmem>>, vector<1x16xi32>,
    %get3A_492 = arith.constant 176 : index
    %get3A_493 = tpu.vector_load %arg9[%get3A_492] {strides = array<i32>} : memref<256xi32, #tpu.memory_space<vmem>>, vector<16xi32>,
    %get3A_494 = vector.shape_cast %get3A_493 : vector<16xi32> to vector<16xi32>
    %jit3A_495 = arith.constant 0 : i32
    %jit3A_496 = arith.constant 19999 : i32
    %max3A_497 = vector.broadcast %jit3A_495 : i32 to vector<16xi32>
    %max3A_498 = arith.maxsi %max3A_497, %get3A_494 : vector<16xi32>
    %min3A_499 = vector.broadcast %jit3A_496 : i32 to vector<16xi32>
    %min3A_500 = arith.minsi %min3A_499, %max3A_498 : vector<16xi32>
    %swap3A_501 = arith.constant 5 : i32
    %swap3A_502 = arith.index_cast %swap3A_501 : i32 to index
    %swap3A_503 = arith.constant 16 : index
    %swap3A_504 = tpu.vector_load %arg10[%swap3A_502, %swap3A_503] {strides = array<i32>} : memref<8x32xi32, #tpu.memory_space<vmem>>, vector<1x16xi32>,
    %swap3A_505 = vector.shape_cast %swap3A_504 : vector<1x16xi32> to vector<16xi32>
    %swap3A_506 = vector.shape_cast %min3A_500 : vector<16xi32> to vector<1x16xi32>
    tpu.vector_store %arg10[%swap3A_502, %swap3A_503], %swap3A_506 {strides = array<i32>} : memref<8x32xi32, #tpu.memory_space<vmem>>, vector<1x16xi32>,
    %sub3A_507 = arith.constant 20000 : i32
    %sub3A_508 = vector.broadcast %sub3A_507 : i32 to vector<16xi32>
    %sub3A_509 = arith.subi %get3A_494, %sub3A_508 : vector<16xi32>
    %jit3A_510 = arith.constant 0 : i32
    %jit3A_511 = arith.constant 39999 : i32
    %max3A_512 = vector.broadcast %jit3A_510 : i32 to vector<16xi32>
    %max3A_513 = arith.maxsi %max3A_512, %sub3A_509 : vector<16xi32>
    %min3A_514 = vector.broadcast %jit3A_511 : i32 to vector<16xi32>
    %min3A_515 = arith.minsi %min3A_514, %max3A_513 : vector<16xi32>
    %swap3A_516 = arith.constant 2 : i32
    %swap3A_517 = arith.index_cast %swap3A_516 : i32 to index
    %swap3A_518 = arith.constant 48 : index
    %swap3A_519 = tpu.vector_load %arg11[%swap3A_517, %swap3A_518] {strides = array<i32>} : memref<4x64xi32, #tpu.memory_space<vmem>>, vector<1x16xi32>,
    %swap3A_520 = vector.shape_cast %swap3A_519 : vector<1x16xi32> to vector<16xi32>
    %swap3A_521 = vector.shape_cast %min3A_515 : vector<16xi32> to vector<1x16xi32>
    tpu.vector_store %arg11[%swap3A_517, %swap3A_518], %swap3A_521 {strides = array<i32>} : memref<4x64xi32, #tpu.memory_space<vmem>>, vector<1x16xi32>,
    %sub3A_522 = arith.constant 60000 : i32
    %sub3A_523 = vector.broadcast %sub3A_522 : i32 to vector<16xi32>
    %sub3A_524 = arith.subi %get3A_494, %sub3A_523 : vector<16xi32>
    %jit3A_525 = arith.constant 0 : i32
    %jit3A_526 = arith.constant 39999 : i32
    %max3A_527 = vector.broadcast %jit3A_525 : i32 to vector<16xi32>
    %max3A_528 = arith.maxsi %max3A_527, %sub3A_524 : vector<16xi32>
    %min3A_529 = vector.broadcast %jit3A_526 : i32 to vector<16xi32>
    %min3A_530 = arith.minsi %min3A_529, %max3A_528 : vector<16xi32>
    %swap3A_531 = arith.constant 2 : i32
    %swap3A_532 = arith.index_cast %swap3A_531 : i32 to index
    %swap3A_533 = arith.constant 48 : index
    %swap3A_534 = tpu.vector_load %arg12[%swap3A_532, %swap3A_533] {strides = array<i32>} : memref<4x64xi32, #tpu.memory_space<vmem>>, vector<1x16xi32>,
    %swap3A_535 = vector.shape_cast %swap3A_534 : vector<1x16xi32> to vector<16xi32>
    %swap3A_536 = vector.shape_cast %min3A_530 : vector<16xi32> to vector<1x16xi32>
    tpu.vector_store %arg12[%swap3A_532, %swap3A_533], %swap3A_536 {strides = array<i32>} : memref<4x64xi32, #tpu.memory_space<vmem>>, vector<1x16xi32>,
    %get3A_537 = arith.constant 192 : index
    %get3A_538 = tpu.vector_load %arg9[%get3A_537] {strides = array<i32>} : memref<256xi32, #tpu.memory_space<vmem>>, vector<16xi32>,
    %get3A_539 = vector.shape_cast %get3A_538 : vector<16xi32> to vector<16xi32>
    %jit3A_540 = arith.constant 0 : i32
    %jit3A_541 = arith.constant 19999 : i32
    %max3A_542 = vector.broadcast %jit3A_540 : i32 to vector<16xi32>
    %max3A_543 = arith.maxsi %max3A_542, %get3A_539 : vector<16xi32>
    %min3A_544 = vector.broadcast %jit3A_541 : i32 to vector<16xi32>
    %min3A_545 = arith.minsi %min3A_544, %max3A_543 : vector<16xi32>
    %swap3A_546 = arith.constant 6 : i32
    %swap3A_547 = arith.index_cast %swap3A_546 : i32 to index
    %swap3A_548 = arith.constant 0 : index
    %swap3A_549 = tpu.vector_load %arg10[%swap3A_547, %swap3A_548] {strides = array<i32>} : memref<8x32xi32, #tpu.memory_space<vmem>>, vector<1x16xi32>,
    %swap3A_550 = vector.shape_cast %swap3A_549 : vector<1x16xi32> to vector<16xi32>
    %swap3A_551 = vector.shape_cast %min3A_545 : vector<16xi32> to vector<1x16xi32>
    tpu.vector_store %arg10[%swap3A_547, %swap3A_548], %swap3A_551 {strides = array<i32>} : memref<8x32xi32, #tpu.memory_space<vmem>>, vector<1x16xi32>,
    %sub3A_552 = arith.constant 20000 : i32
    %sub3A_553 = vector.broadcast %sub3A_552 : i32 to vector<16xi32>
    %sub3A_554 = arith.subi %get3A_539, %sub3A_553 : vector<16xi32>
    %jit3A_555 = arith.constant 0 : i32
    %jit3A_556 = arith.constant 39999 : i32
    %max3A_557 = vector.broadcast %jit3A_555 : i32 to vector<16xi32>
    %max3A_558 = arith.maxsi %max3A_557, %sub3A_554 : vector<16xi32>
    %min3A_559 = vector.broadcast %jit3A_556 : i32 to vector<16xi32>
    %min3A_560 = arith.minsi %min3A_559, %max3A_558 : vector<16xi32>
    %swap3A_561 = arith.constant 3 : i32
    %swap3A_562 = arith.index_cast %swap3A_561 : i32 to index
    %swap3A_563 = arith.constant 0 : index
    %swap3A_564 = tpu.vector_load %arg11[%swap3A_562, %swap3A_563] {strides = array<i32>} : memref<4x64xi32, #tpu.memory_space<vmem>>, vector<1x16xi32>,
    %swap3A_565 = vector.shape_cast %swap3A_564 : vector<1x16xi32> to vector<16xi32>
    %swap3A_566 = vector.shape_cast %min3A_560 : vector<16xi32> to vector<1x16xi32>
    tpu.vector_store %arg11[%swap3A_562, %swap3A_563], %swap3A_566 {strides = array<i32>} : memref<4x64xi32, #tpu.memory_space<vmem>>, vector<1x16xi32>,
    %sub3A_567 = arith.constant 60000 : i32
    %sub3A_568 = vector.broadcast %sub3A_567 : i32 to vector<16xi32>
    %sub3A_569 = arith.subi %get3A_539, %sub3A_568 : vector<16xi32>
    %jit3A_570 = arith.constant 0 : i32
    %jit3A_571 = arith.constant 39999 : i32
    %max3A_572 = vector.broadcast %jit3A_570 : i32 to vector<16xi32>
    %max3A_573 = arith.maxsi %max3A_572, %sub3A_569 : vector<16xi32>
    %min3A_574 = vector.broadcast %jit3A_571 : i32 to vector<16xi32>
    %min3A_575 = arith.minsi %min3A_574, %max3A_573 : vector<16xi32>
    %swap3A_576 = arith.constant 3 : i32
    %swap3A_577 = arith.index_cast %swap3A_576 : i32 to index
    %swap3A_578 = arith.constant 0 : index
    %swap3A_579 = tpu.vector_load %arg12[%swap3A_577, %swap3A_578] {strides = array<i32>} : memref<4x64xi32, #tpu.memory_space<vmem>>, vector<1x16xi32>,
    %swap3A_580 = vector.shape_cast %swap3A_579 : vector<1x16xi32> to vector<16xi32>
    %swap3A_581 = vector.shape_cast %min3A_575 : vector<16xi32> to vector<1x16xi32>
    tpu.vector_store %arg12[%swap3A_577, %swap3A_578], %swap3A_581 {strides = array<i32>} : memref<4x64xi32, #tpu.memory_space<vmem>>, vector<1x16xi32>,
    %get3A_582 = arith.constant 208 : index
    %get3A_583 = tpu.vector_load %arg9[%get3A_582] {strides = array<i32>} : memref<256xi32, #tpu.memory_space<vmem>>, vector<16xi32>,
    %get3A_584 = vector.shape_cast %get3A_583 : vector<16xi32> to vector<16xi32>
    %jit3A_585 = arith.constant 0 : i32
    %jit3A_586 = arith.constant 19999 : i32
    %max3A_587 = vector.broadcast %jit3A_585 : i32 to vector<16xi32>
    %max3A_588 = arith.maxsi %max3A_587, %get3A_584 : vector<16xi32>
    %min3A_589 = vector.broadcast %jit3A_586 : i32 to vector<16xi32>
    %min3A_590 = arith.minsi %min3A_589, %max3A_588 : vector<16xi32>
    %swap3A_591 = arith.constant 6 : i32
    %swap3A_592 = arith.index_cast %swap3A_591 : i32 to index
    %swap3A_593 = arith.constant 16 : index
    %swap3A_594 = tpu.vector_load %arg10[%swap3A_592, %swap3A_593] {strides = array<i32>} : memref<8x32xi32, #tpu.memory_space<vmem>>, vector<1x16xi32>,
    %swap3A_595 = vector.shape_cast %swap3A_594 : vector<1x16xi32> to vector<16xi32>
    %swap3A_596 = vector.shape_cast %min3A_590 : vector<16xi32> to vector<1x16xi32>
    tpu.vector_store %arg10[%swap3A_592, %swap3A_593], %swap3A_596 {strides = array<i32>} : memref<8x32xi32, #tpu.memory_space<vmem>>, vector<1x16xi32>,
    %sub3A_597 = arith.constant 20000 : i32
    %sub3A_598 = vector.broadcast %sub3A_597 : i32 to vector<16xi32>
    %sub3A_599 = arith.subi %get3A_584, %sub3A_598 : vector<16xi32>
    %jit3A_600 = arith.constant 0 : i32
    %jit3A_601 = arith.constant 39999 : i32
    %max3A_602 = vector.broadcast %jit3A_600 : i32 to vector<16xi32>
    %max3A_603 = arith.maxsi %max3A_602, %sub3A_599 : vector<16xi32>
    %min3A_604 = vector.broadcast %jit3A_601 : i32 to vector<16xi32>
    %min3A_605 = arith.minsi %min3A_604, %max3A_603 : vector<16xi32>
    %swap3A_606 = arith.constant 3 : i32
    %swap3A_607 = arith.index_cast %swap3A_606 : i32 to index
    %swap3A_608 = arith.constant 16 : index
    %swap3A_609 = tpu.vector_load %arg11[%swap3A_607, %swap3A_608] {strides = array<i32>} : memref<4x64xi32, #tpu.memory_space<vmem>>, vector<1x16xi32>,
    %swap3A_610 = vector.shape_cast %swap3A_609 : vector<1x16xi32> to vector<16xi32>
    %swap3A_611 = vector.shape_cast %min3A_605 : vector<16xi32> to vector<1x16xi32>
    tpu.vector_store %arg11[%swap3A_607, %swap3A_608], %swap3A_611 {strides = array<i32>} : memref<4x64xi32, #tpu.memory_space<vmem>>, vector<1x16xi32>,
    %sub3A_612 = arith.constant 60000 : i32
    %sub3A_613 = vector.broadcast %sub3A_612 : i32 to vector<16xi32>
    %sub3A_614 = arith.subi %get3A_584, %sub3A_613 : vector<16xi32>
    %jit3A_615 = arith.constant 0 : i32
    %jit3A_616 = arith.constant 39999 : i32
    %max3A_617 = vector.broadcast %jit3A_615 : i32 to vector<16xi32>
    %max3A_618 = arith.maxsi %max3A_617, %sub3A_614 : vector<16xi32>
    %min3A_619 = vector.broadcast %jit3A_616 : i32 to vector<16xi32>
    %min3A_620 = arith.minsi %min3A_619, %max3A_618 : vector<16xi32>
    %swap3A_621 = arith.constant 3 : i32
    %swap3A_622 = arith.index_cast %swap3A_621 : i32 to index
    %swap3A_623 = arith.constant 16 : index
    %swap3A_624 = tpu.vector_load %arg12[%swap3A_622, %swap3A_623] {strides = array<i32>} : memref<4x64xi32, #tpu.memory_space<vmem>>, vector<1x16xi32>,
    %swap3A_625 = vector.shape_cast %swap3A_624 : vector<1x16xi32> to vector<16xi32>
    %swap3A_626 = vector.shape_cast %min3A_620 : vector<16xi32> to vector<1x16xi32>
    tpu.vector_store %arg12[%swap3A_622, %swap3A_623], %swap3A_626 {strides = array<i32>} : memref<4x64xi32, #tpu.memory_space<vmem>>, vector<1x16xi32>,
    %get3A_627 = arith.constant 224 : index
    %get3A_628 = tpu.vector_load %arg9[%get3A_627] {strides = array<i32>} : memref<256xi32, #tpu.memory_space<vmem>>, vector<16xi32>,
    %get3A_629 = vector.shape_cast %get3A_628 : vector<16xi32> to vector<16xi32>
    %jit3A_630 = arith.constant 0 : i32
    %jit3A_631 = arith.constant 19999 : i32
    %max3A_632 = vector.broadcast %jit3A_630 : i32 to vector<16xi32>
    %max3A_633 = arith.maxsi %max3A_632, %get3A_629 : vector<16xi32>
    %min3A_634 = vector.broadcast %jit3A_631 : i32 to vector<16xi32>
    %min3A_635 = arith.minsi %min3A_634, %max3A_633 : vector<16xi32>
    %swap3A_636 = arith.constant 7 : i32
    %swap3A_637 = arith.index_cast %swap3A_636 : i32 to index
    %swap3A_638 = arith.constant 0 : index
    %swap3A_639 = tpu.vector_load %arg10[%swap3A_637, %swap3A_638] {strides = array<i32>} : memref<8x32xi32, #tpu.memory_space<vmem>>, vector<1x16xi32>,
    %swap3A_640 = vector.shape_cast %swap3A_639 : vector<1x16xi32> to vector<16xi32>
    %swap3A_641 = vector.shape_cast %min3A_635 : vector<16xi32> to vector<1x16xi32>
    tpu.vector_store %arg10[%swap3A_637, %swap3A_638], %swap3A_641 {strides = array<i32>} : memref<8x32xi32, #tpu.memory_space<vmem>>, vector<1x16xi32>,
    %sub3A_642 = arith.constant 20000 : i32
    %sub3A_643 = vector.broadcast %sub3A_642 : i32 to vector<16xi32>
    %sub3A_644 = arith.subi %get3A_629, %sub3A_643 : vector<16xi32>
    %jit3A_645 = arith.constant 0 : i32
    %jit3A_646 = arith.constant 39999 : i32
    %max3A_647 = vector.broadcast %jit3A_645 : i32 to vector<16xi32>
    %max3A_648 = arith.maxsi %max3A_647, %sub3A_644 : vector<16xi32>
    %min3A_649 = vector.broadcast %jit3A_646 : i32 to vector<16xi32>
    %min3A_650 = arith.minsi %min3A_649, %max3A_648 : vector<16xi32>
    %swap3A_651 = arith.constant 3 : i32
    %swap3A_652 = arith.index_cast %swap3A_651 : i32 to index
    %swap3A_653 = arith.constant 32 : index
    %swap3A_654 = tpu.vector_load %arg11[%swap3A_652, %swap3A_653] {strides = array<i32>} : memref<4x64xi32, #tpu.memory_space<vmem>>, vector<1x16xi32>,
    %swap3A_655 = vector.shape_cast %swap3A_654 : vector<1x16xi32> to vector<16xi32>
    %swap3A_656 = vector.shape_cast %min3A_650 : vector<16xi32> to vector<1x16xi32>
    tpu.vector_store %arg11[%swap3A_652, %swap3A_653], %swap3A_656 {strides = array<i32>} : memref<4x64xi32, #tpu.memory_space<vmem>>, vector<1x16xi32>,
    %sub3A_657 = arith.constant 60000 : i32
    %sub3A_658 = vector.broadcast %sub3A_657 : i32 to vector<16xi32>
    %sub3A_659 = arith.subi %get3A_629, %sub3A_658 : vector<16xi32>
    %jit3A_660 = arith.constant 0 : i32
    %jit3A_661 = arith.constant 39999 : i32
    %max3A_662 = vector.broadcast %jit3A_660 : i32 to vector<16xi32>
    %max3A_663 = arith.maxsi %max3A_662, %sub3A_659 : vector<16xi32>
    %min3A_664 = vector.broadcast %jit3A_661 : i32 to vector<16xi32>
    %min3A_665 = arith.minsi %min3A_664, %max3A_663 : vector<16xi32>
    %swap3A_666 = arith.constant 3 : i32
    %swap3A_667 = arith.index_cast %swap3A_666 : i32 to index
    %swap3A_668 = arith.constant 32 : index
    %swap3A_669 = tpu.vector_load %arg12[%swap3A_667, %swap3A_668] {strides = array<i32>} : memref<4x64xi32, #tpu.memory_space<vmem>>, vector<1x16xi32>,
    %swap3A_670 = vector.shape_cast %swap3A_669 : vector<1x16xi32> to vector<16xi32>
    %swap3A_671 = vector.shape_cast %min3A_665 : vector<16xi32> to vector<1x16xi32>
    tpu.vector_store %arg12[%swap3A_667, %swap3A_668], %swap3A_671 {strides = array<i32>} : memref<4x64xi32, #tpu.memory_space<vmem>>, vector<1x16xi32>,
    %get3A_672 = arith.constant 240 : index
    %get3A_673 = tpu.vector_load %arg9[%get3A_672] {strides = array<i32>} : memref<256xi32, #tpu.memory_space<vmem>>, vector<16xi32>,
    %get3A_674 = vector.shape_cast %get3A_673 : vector<16xi32> to vector<16xi32>
    %jit3A_675 = arith.constant 0 : i32
    %jit3A_676 = arith.constant 19999 : i32
    %max3A_677 = vector.broadcast %jit3A_675 : i32 to vector<16xi32>
    %max3A_678 = arith.maxsi %max3A_677, %get3A_674 : vector<16xi32>
    %min3A_679 = vector.broadcast %jit3A_676 : i32 to vector<16xi32>
    %min3A_680 = arith.minsi %min3A_679, %max3A_678 : vector<16xi32>
    %swap3A_681 = arith.constant 7 : i32
    %swap3A_682 = arith.index_cast %swap3A_681 : i32 to index
    %swap3A_683 = arith.constant 16 : index
    %swap3A_684 = tpu.vector_load %arg10[%swap3A_682, %swap3A_683] {strides = array<i32>} : memref<8x32xi32, #tpu.memory_space<vmem>>, vector<1x16xi32>,
    %swap3A_685 = vector.shape_cast %swap3A_684 : vector<1x16xi32> to vector<16xi32>
    %swap3A_686 = vector.shape_cast %min3A_680 : vector<16xi32> to vector<1x16xi32>
    tpu.vector_store %arg10[%swap3A_682, %swap3A_683], %swap3A_686 {strides = array<i32>} : memref<8x32xi32, #tpu.memory_space<vmem>>, vector<1x16xi32>,
    %sub3A_687 = arith.constant 20000 : i32
    %sub3A_688 = vector.broadcast %sub3A_687 : i32 to vector<16xi32>
    %sub3A_689 = arith.subi %get3A_674, %sub3A_688 : vector<16xi32>
    %jit3A_690 = arith.constant 0 : i32
    %jit3A_691 = arith.constant 39999 : i32
    %max3A_692 = vector.broadcast %jit3A_690 : i32 to vector<16xi32>
    %max3A_693 = arith.maxsi %max3A_692, %sub3A_689 : vector<16xi32>
    %min3A_694 = vector.broadcast %jit3A_691 : i32 to vector<16xi32>
    %min3A_695 = arith.minsi %min3A_694, %max3A_693 : vector<16xi32>
    %swap3A_696 = arith.constant 3 : i32
    %swap3A_697 = arith.index_cast %swap3A_696 : i32 to index
    %swap3A_698 = arith.constant 48 : index
    %swap3A_699 = tpu.vector_load %arg11[%swap3A_697, %swap3A_698] {strides = array<i32>} : memref<4x64xi32, #tpu.memory_space<vmem>>, vector<1x16xi32>,
    %swap3A_700 = vector.shape_cast %swap3A_699 : vector<1x16xi32> to vector<16xi32>
    %swap3A_701 = vector.shape_cast %min3A_695 : vector<16xi32> to vector<1x16xi32>
    tpu.vector_store %arg11[%swap3A_697, %swap3A_698], %swap3A_701 {strides = array<i32>} : memref<4x64xi32, #tpu.memory_space<vmem>>, vector<1x16xi32>,
    %sub3A_702 = arith.constant 60000 : i32
    %sub3A_703 = vector.broadcast %sub3A_702 : i32 to vector<16xi32>
    %sub3A_704 = arith.subi %get3A_674, %sub3A_703 : vector<16xi32>
    %jit3A_705 = arith.constant 0 : i32
    %jit3A_706 = arith.constant 39999 : i32
    %max3A_707 = vector.broadcast %jit3A_705 : i32 to vector<16xi32>
    %max3A_708 = arith.maxsi %max3A_707, %sub3A_704 : vector<16xi32>
    %min3A_709 = vector.broadcast %jit3A_706 : i32 to vector<16xi32>
    %min3A_710 = arith.minsi %min3A_709, %max3A_708 : vector<16xi32>
    %swap3A_711 = arith.constant 3 : i32
    %swap3A_712 = arith.index_cast %swap3A_711 : i32 to index
    %swap3A_713 = arith.constant 48 : index
    %swap3A_714 = tpu.vector_load %arg12[%swap3A_712, %swap3A_713] {strides = array<i32>} : memref<4x64xi32, #tpu.memory_space<vmem>>, vector<1x16xi32>,
    %swap3A_715 = vector.shape_cast %swap3A_714 : vector<1x16xi32> to vector<16xi32>
    %swap3A_716 = vector.shape_cast %min3A_710 : vector<16xi32> to vector<1x16xi32>
    tpu.vector_store %arg12[%swap3A_712, %swap3A_713], %swap3A_716 {strides = array<i32>} : memref<4x64xi32, #tpu.memory_space<vmem>>, vector<1x16xi32>,
    %dma_start3A = arith.constant 0 : i32
    %dma_start3A_717 = arith.constant 0 : i32
    %dma_start3A_718 = tpu.memref_slice %arg10[%dma_start3A, %dma_start3A_717] : memref<8x32xi32, #tpu.memory_space<vmem>> -> memref<1x32xi32, #tpu.memory_space<vmem>>
    %dma_start3A_719 = tpu.memref_squeeze %dma_start3A_718 : memref<1x32xi32, #tpu.memory_space<vmem>> -> memref<32xi32, #tpu.memory_space<vmem>>
    %dma_start3A_720 = arith.constant 0 : i32
    %dma_start3A_721 = arith.constant 0 : i32
    %dma_start3A_722 = tpu.memref_slice %arg3[%dma_start3A_720, %dma_start3A_721] : memref<20000x1024xf32, #tpu.memory_space<hbm>> -> memref<20000x1024xf32, #tpu.memory_space<hbm>>
    tpu.enqueue_indirect_dma source(%dma_start3A_722 : memref<20000x1024xf32, #tpu.memory_space<hbm>>) target(%arg13 : memref<32x1024xf32, #tpu.memory_space<vmem>>) offsets(%dma_start3A_719 : memref<32xi32, #tpu.memory_space<vmem>>) semaphore(%arg19 : memref<!tpu.dma_semaphore, #tpu.memory_space<semaphore_mem>>)
    %dma_start3A_723 = arith.constant 1 : i32
    %dma_start3A_724 = arith.constant 0 : i32
    %dma_start3A_725 = tpu.memref_slice %arg10[%dma_start3A_723, %dma_start3A_724] : memref<8x32xi32, #tpu.memory_space<vmem>> -> memref<1x32xi32, #tpu.memory_space<vmem>>
    %dma_start3A_726 = tpu.memref_squeeze %dma_start3A_725 : memref<1x32xi32, #tpu.memory_space<vmem>> -> memref<32xi32, #tpu.memory_space<vmem>>
    %dma_start3A_727 = arith.constant 0 : i32
    %dma_start3A_728 = arith.constant 0 : i32
    %dma_start3A_729 = tpu.memref_slice %arg3[%dma_start3A_727, %dma_start3A_728] : memref<20000x1024xf32, #tpu.memory_space<hbm>> -> memref<20000x1024xf32, #tpu.memory_space<hbm>>
    tpu.enqueue_indirect_dma source(%dma_start3A_729 : memref<20000x1024xf32, #tpu.memory_space<hbm>>) target(%arg14 : memref<32x1024xf32, #tpu.memory_space<vmem>>) offsets(%dma_start3A_726 : memref<32xi32, #tpu.memory_space<vmem>>) semaphore(%arg19 : memref<!tpu.dma_semaphore, #tpu.memory_space<semaphore_mem>>)
    %dma_wait3A = arith.constant 0 : i32
    %dma_wait3A_730 = arith.constant 0 : i32
    %dma_wait3A_731 = tpu.memref_slice %arg10[%dma_wait3A, %dma_wait3A_730] : memref<8x32xi32, #tpu.memory_space<vmem>> -> memref<1x32xi32, #tpu.memory_space<vmem>>
    %dma_wait3A_732 = tpu.memref_squeeze %dma_wait3A_731 : memref<1x32xi32, #tpu.memory_space<vmem>> -> memref<32xi32, #tpu.memory_space<vmem>>
    %dma_wait3A_733 = arith.constant 0 : i32
    %dma_wait3A_734 = arith.constant 0 : i32
    %dma_wait3A_735 = tpu.memref_slice %arg3[%dma_wait3A_733, %dma_wait3A_734] : memref<20000x1024xf32, #tpu.memory_space<hbm>> -> memref<20000x1024xf32, #tpu.memory_space<hbm>>
    tpu.wait_indirect_dma semaphore(%arg19 : memref<!tpu.dma_semaphore, #tpu.memory_space<semaphore_mem>>) src(%dma_wait3A_735 : memref<20000x1024xf32, #tpu.memory_space<hbm>>) dst(%arg13 : memref<32x1024xf32, #tpu.memory_space<vmem>>)
    %add3A_736 = arith.constant 0 : i32
    %add3A_737 = arith.addi %mul3A_2, %add3A_736 : i32
    %dma_start3A_738 = arith.constant 0 : i32
    %dma_start3A_739 = tpu.memref_slice %arg6[%add3A_737, %dma_start3A_738] : memref<8192x1024xf32, #tpu.memory_space<hbm>> -> memref<32x1024xf32, #tpu.memory_space<hbm>>
    %dma_start3A_740 = arith.constant 0 : i32
    %dma_start3A_741 = tpu.memref_slice %arg6[%add3A_737, %dma_start3A_740] : memref<8192x1024xf32, #tpu.memory_space<hbm>> -> memref<32x1024xf32, #tpu.memory_space<hbm>>
    tpu.enqueue_dma source(%arg13 : memref<32x1024xf32, #tpu.memory_space<vmem>>) target(%dma_start3A_741 : memref<32x1024xf32, #tpu.memory_space<hbm>>) target_semaphore(%arg20 : memref<!tpu.dma_semaphore, #tpu.memory_space<semaphore_mem>>)
    %dma_wait3A_742 = arith.constant 0 : i32
    %dma_wait3A_743 = tpu.memref_slice %arg6[%add3A_737, %dma_wait3A_742] : memref<8192x1024xf32, #tpu.memory_space<hbm>> -> memref<32x1024xf32, #tpu.memory_space<hbm>>
    %dma_wait3A_744 = arith.constant 0 : i32
    %dma_wait3A_745 = tpu.memref_slice %arg6[%add3A_737, %dma_wait3A_744] : memref<8192x1024xf32, #tpu.memory_space<hbm>> -> memref<32x1024xf32, #tpu.memory_space<hbm>>
    tpu.wait_dma2 semaphore(%arg20 : memref<!tpu.dma_semaphore, #tpu.memory_space<semaphore_mem>>) src(%arg13 : memref<32x1024xf32, #tpu.memory_space<vmem>>) dst(%dma_wait3A_745 : memref<32x1024xf32, #tpu.memory_space<hbm>>)
    %dma_start3A_746 = arith.constant 2 : i32
    %dma_start3A_747 = arith.constant 0 : i32
    %dma_start3A_748 = tpu.memref_slice %arg10[%dma_start3A_746, %dma_start3A_747] : memref<8x32xi32, #tpu.memory_space<vmem>> -> memref<1x32xi32, #tpu.memory_space<vmem>>
    %dma_start3A_749 = tpu.memref_squeeze %dma_start3A_748 : memref<1x32xi32, #tpu.memory_space<vmem>> -> memref<32xi32, #tpu.memory_space<vmem>>
    %dma_start3A_750 = arith.constant 0 : i32
    %dma_start3A_751 = arith.constant 0 : i32
    %dma_start3A_752 = tpu.memref_slice %arg3[%dma_start3A_750, %dma_start3A_751] : memref<20000x1024xf32, #tpu.memory_space<hbm>> -> memref<20000x1024xf32, #tpu.memory_space<hbm>>
    tpu.enqueue_indirect_dma source(%dma_start3A_752 : memref<20000x1024xf32, #tpu.memory_space<hbm>>) target(%arg13 : memref<32x1024xf32, #tpu.memory_space<vmem>>) offsets(%dma_start3A_749 : memref<32xi32, #tpu.memory_space<vmem>>) semaphore(%arg19 : memref<!tpu.dma_semaphore, #tpu.memory_space<semaphore_mem>>)
    %dma_wait3A_753 = arith.constant 1 : i32
    %dma_wait3A_754 = arith.constant 0 : i32
    %dma_wait3A_755 = tpu.memref_slice %arg10[%dma_wait3A_753, %dma_wait3A_754] : memref<8x32xi32, #tpu.memory_space<vmem>> -> memref<1x32xi32, #tpu.memory_space<vmem>>
    %dma_wait3A_756 = tpu.memref_squeeze %dma_wait3A_755 : memref<1x32xi32, #tpu.memory_space<vmem>> -> memref<32xi32, #tpu.memory_space<vmem>>
    %dma_wait3A_757 = arith.constant 0 : i32
    %dma_wait3A_758 = arith.constant 0 : i32
    %dma_wait3A_759 = tpu.memref_slice %arg3[%dma_wait3A_757, %dma_wait3A_758] : memref<20000x1024xf32, #tpu.memory_space<hbm>> -> memref<20000x1024xf32, #tpu.memory_space<hbm>>
    tpu.wait_indirect_dma semaphore(%arg19 : memref<!tpu.dma_semaphore, #tpu.memory_space<semaphore_mem>>) src(%dma_wait3A_759 : memref<20000x1024xf32, #tpu.memory_space<hbm>>) dst(%arg14 : memref<32x1024xf32, #tpu.memory_space<vmem>>)
    %add3A_760 = arith.constant 32 : i32
    %add3A_761 = arith.addi %mul3A_2, %add3A_760 : i32
    %dma_start3A_762 = arith.constant 0 : i32
    %dma_start3A_763 = tpu.memref_slice %arg6[%add3A_761, %dma_start3A_762] : memref<8192x1024xf32, #tpu.memory_space<hbm>> -> memref<32x1024xf32, #tpu.memory_space<hbm>>
    %dma_start3A_764 = arith.constant 0 : i32
    %dma_start3A_765 = tpu.memref_slice %arg6[%add3A_761, %dma_start3A_764] : memref<8192x1024xf32, #tpu.memory_space<hbm>> -> memref<32x1024xf32, #tpu.memory_space<hbm>>
    tpu.enqueue_dma source(%arg14 : memref<32x1024xf32, #tpu.memory_space<vmem>>) target(%dma_start3A_765 : memref<32x1024xf32, #tpu.memory_space<hbm>>) target_semaphore(%arg20 : memref<!tpu.dma_semaphore, #tpu.memory_space<semaphore_mem>>)
    %dma_wait3A_766 = arith.constant 0 : i32
    %dma_wait3A_767 = tpu.memref_slice %arg6[%add3A_761, %dma_wait3A_766] : memref<8192x1024xf32, #tpu.memory_space<hbm>> -> memref<32x1024xf32, #tpu.memory_space<hbm>>
    %dma_wait3A_768 = arith.constant 0 : i32
    %dma_wait3A_769 = tpu.memref_slice %arg6[%add3A_761, %dma_wait3A_768] : memref<8192x1024xf32, #tpu.memory_space<hbm>> -> memref<32x1024xf32, #tpu.memory_space<hbm>>
    tpu.wait_dma2 semaphore(%arg20 : memref<!tpu.dma_semaphore, #tpu.memory_space<semaphore_mem>>) src(%arg14 : memref<32x1024xf32, #tpu.memory_space<vmem>>) dst(%dma_wait3A_769 : memref<32x1024xf32, #tpu.memory_space<hbm>>)
    %dma_start3A_770 = arith.constant 3 : i32
    %dma_start3A_771 = arith.constant 0 : i32
    %dma_start3A_772 = tpu.memref_slice %arg10[%dma_start3A_770, %dma_start3A_771] : memref<8x32xi32, #tpu.memory_space<vmem>> -> memref<1x32xi32, #tpu.memory_space<vmem>>
    %dma_start3A_773 = tpu.memref_squeeze %dma_start3A_772 : memref<1x32xi32, #tpu.memory_space<vmem>> -> memref<32xi32, #tpu.memory_space<vmem>>
    %dma_start3A_774 = arith.constant 0 : i32
    %dma_start3A_775 = arith.constant 0 : i32
    %dma_start3A_776 = tpu.memref_slice %arg3[%dma_start3A_774, %dma_start3A_775] : memref<20000x1024xf32, #tpu.memory_space<hbm>> -> memref<20000x1024xf32, #tpu.memory_space<hbm>>
    tpu.enqueue_indirect_dma source(%dma_start3A_776 : memref<20000x1024xf32, #tpu.memory_space<hbm>>) target(%arg14 : memref<32x1024xf32, #tpu.memory_space<vmem>>) offsets(%dma_start3A_773 : memref<32xi32, #tpu.memory_space<vmem>>) semaphore(%arg19 : memref<!tpu.dma_semaphore, #tpu.memory_space<semaphore_mem>>)
    %dma_wait3A_777 = arith.constant 2 : i32
    %dma_wait3A_778 = arith.constant 0 : i32
    %dma_wait3A_779 = tpu.memref_slice %arg10[%dma_wait3A_777, %dma_wait3A_778] : memref<8x32xi32, #tpu.memory_space<vmem>> -> memref<1x32xi32, #tpu.memory_space<vmem>>
    %dma_wait3A_780 = tpu.memref_squeeze %dma_wait3A_779 : memref<1x32xi32, #tpu.memory_space<vmem>> -> memref<32xi32, #tpu.memory_space<vmem>>
    %dma_wait3A_781 = arith.constant 0 : i32
    %dma_wait3A_782 = arith.constant 0 : i32
    %dma_wait3A_783 = tpu.memref_slice %arg3[%dma_wait3A_781, %dma_wait3A_782] : memref<20000x1024xf32, #tpu.memory_space<hbm>> -> memref<20000x1024xf32, #tpu.memory_space<hbm>>
    tpu.wait_indirect_dma semaphore(%arg19 : memref<!tpu.dma_semaphore, #tpu.memory_space<semaphore_mem>>) src(%dma_wait3A_783 : memref<20000x1024xf32, #tpu.memory_space<hbm>>) dst(%arg13 : memref<32x1024xf32, #tpu.memory_space<vmem>>)
    %add3A_784 = arith.constant 64 : i32
    %add3A_785 = arith.addi %mul3A_2, %add3A_784 : i32
    %dma_start3A_786 = arith.constant 0 : i32
    %dma_start3A_787 = tpu.memref_slice %arg6[%add3A_785, %dma_start3A_786] : memref<8192x1024xf32, #tpu.memory_space<hbm>> -> memref<32x1024xf32, #tpu.memory_space<hbm>>
    %dma_start3A_788 = arith.constant 0 : i32
    %dma_start3A_789 = tpu.memref_slice %arg6[%add3A_785, %dma_start3A_788] : memref<8192x1024xf32, #tpu.memory_space<hbm>> -> memref<32x1024xf32, #tpu.memory_space<hbm>>
    tpu.enqueue_dma source(%arg13 : memref<32x1024xf32, #tpu.memory_space<vmem>>) target(%dma_start3A_789 : memref<32x1024xf32, #tpu.memory_space<hbm>>) target_semaphore(%arg20 : memref<!tpu.dma_semaphore, #tpu.memory_space<semaphore_mem>>)
    %dma_wait3A_790 = arith.constant 0 : i32
    %dma_wait3A_791 = tpu.memref_slice %arg6[%add3A_785, %dma_wait3A_790] : memref<8192x1024xf32, #tpu.memory_space<hbm>> -> memref<32x1024xf32, #tpu.memory_space<hbm>>
    %dma_wait3A_792 = arith.constant 0 : i32
    %dma_wait3A_793 = tpu.memref_slice %arg6[%add3A_785, %dma_wait3A_792] : memref<8192x1024xf32, #tpu.memory_space<hbm>> -> memref<32x1024xf32, #tpu.memory_space<hbm>>
    tpu.wait_dma2 semaphore(%arg20 : memref<!tpu.dma_semaphore, #tpu.memory_space<semaphore_mem>>) src(%arg13 : memref<32x1024xf32, #tpu.memory_space<vmem>>) dst(%dma_wait3A_793 : memref<32x1024xf32, #tpu.memory_space<hbm>>)
    %dma_start3A_794 = arith.constant 4 : i32
    %dma_start3A_795 = arith.constant 0 : i32
    %dma_start3A_796 = tpu.memref_slice %arg10[%dma_start3A_794, %dma_start3A_795] : memref<8x32xi32, #tpu.memory_space<vmem>> -> memref<1x32xi32, #tpu.memory_space<vmem>>
    %dma_start3A_797 = tpu.memref_squeeze %dma_start3A_796 : memref<1x32xi32, #tpu.memory_space<vmem>> -> memref<32xi32, #tpu.memory_space<vmem>>
    %dma_start3A_798 = arith.constant 0 : i32
    %dma_start3A_799 = arith.constant 0 : i32
    %dma_start3A_800 = tpu.memref_slice %arg3[%dma_start3A_798, %dma_start3A_799] : memref<20000x1024xf32, #tpu.memory_space<hbm>> -> memref<20000x1024xf32, #tpu.memory_space<hbm>>
    tpu.enqueue_indirect_dma source(%dma_start3A_800 : memref<20000x1024xf32, #tpu.memory_space<hbm>>) target(%arg13 : memref<32x1024xf32, #tpu.memory_space<vmem>>) offsets(%dma_start3A_797 : memref<32xi32, #tpu.memory_space<vmem>>) semaphore(%arg19 : memref<!tpu.dma_semaphore, #tpu.memory_space<semaphore_mem>>)
    %dma_wait3A_801 = arith.constant 3 : i32
    %dma_wait3A_802 = arith.constant 0 : i32
    %dma_wait3A_803 = tpu.memref_slice %arg10[%dma_wait3A_801, %dma_wait3A_802] : memref<8x32xi32, #tpu.memory_space<vmem>> -> memref<1x32xi32, #tpu.memory_space<vmem>>
    %dma_wait3A_804 = tpu.memref_squeeze %dma_wait3A_803 : memref<1x32xi32, #tpu.memory_space<vmem>> -> memref<32xi32, #tpu.memory_space<vmem>>
    %dma_wait3A_805 = arith.constant 0 : i32
    %dma_wait3A_806 = arith.constant 0 : i32
    %dma_wait3A_807 = tpu.memref_slice %arg3[%dma_wait3A_805, %dma_wait3A_806] : memref<20000x1024xf32, #tpu.memory_space<hbm>> -> memref<20000x1024xf32, #tpu.memory_space<hbm>>
    tpu.wait_indirect_dma semaphore(%arg19 : memref<!tpu.dma_semaphore, #tpu.memory_space<semaphore_mem>>) src(%dma_wait3A_807 : memref<20000x1024xf32, #tpu.memory_space<hbm>>) dst(%arg14 : memref<32x1024xf32, #tpu.memory_space<vmem>>)
    %add3A_808 = arith.constant 96 : i32
    %add3A_809 = arith.addi %mul3A_2, %add3A_808 : i32
    %dma_start3A_810 = arith.constant 0 : i32
    %dma_start3A_811 = tpu.memref_slice %arg6[%add3A_809, %dma_start3A_810] : memref<8192x1024xf32, #tpu.memory_space<hbm>> -> memref<32x1024xf32, #tpu.memory_space<hbm>>
    %dma_start3A_812 = arith.constant 0 : i32
    %dma_start3A_813 = tpu.memref_slice %arg6[%add3A_809, %dma_start3A_812] : memref<8192x1024xf32, #tpu.memory_space<hbm>> -> memref<32x1024xf32, #tpu.memory_space<hbm>>
    tpu.enqueue_dma source(%arg14 : memref<32x1024xf32, #tpu.memory_space<vmem>>) target(%dma_start3A_813 : memref<32x1024xf32, #tpu.memory_space<hbm>>) target_semaphore(%arg20 : memref<!tpu.dma_semaphore, #tpu.memory_space<semaphore_mem>>)
    %dma_wait3A_814 = arith.constant 0 : i32
    %dma_wait3A_815 = tpu.memref_slice %arg6[%add3A_809, %dma_wait3A_814] : memref<8192x1024xf32, #tpu.memory_space<hbm>> -> memref<32x1024xf32, #tpu.memory_space<hbm>>
    %dma_wait3A_816 = arith.constant 0 : i32
    %dma_wait3A_817 = tpu.memref_slice %arg6[%add3A_809, %dma_wait3A_816] : memref<8192x1024xf32, #tpu.memory_space<hbm>> -> memref<32x1024xf32, #tpu.memory_space<hbm>>
    tpu.wait_dma2 semaphore(%arg20 : memref<!tpu.dma_semaphore, #tpu.memory_space<semaphore_mem>>) src(%arg14 : memref<32x1024xf32, #tpu.memory_space<vmem>>) dst(%dma_wait3A_817 : memref<32x1024xf32, #tpu.memory_space<hbm>>)
    %dma_start3A_818 = arith.constant 5 : i32
    %dma_start3A_819 = arith.constant 0 : i32
    %dma_start3A_820 = tpu.memref_slice %arg10[%dma_start3A_818, %dma_start3A_819] : memref<8x32xi32, #tpu.memory_space<vmem>> -> memref<1x32xi32, #tpu.memory_space<vmem>>
    %dma_start3A_821 = tpu.memref_squeeze %dma_start3A_820 : memref<1x32xi32, #tpu.memory_space<vmem>> -> memref<32xi32, #tpu.memory_space<vmem>>
    %dma_start3A_822 = arith.constant 0 : i32
    %dma_start3A_823 = arith.constant 0 : i32
    %dma_start3A_824 = tpu.memref_slice %arg3[%dma_start3A_822, %dma_start3A_823] : memref<20000x1024xf32, #tpu.memory_space<hbm>> -> memref<20000x1024xf32, #tpu.memory_space<hbm>>
    tpu.enqueue_indirect_dma source(%dma_start3A_824 : memref<20000x1024xf32, #tpu.memory_space<hbm>>) target(%arg14 : memref<32x1024xf32, #tpu.memory_space<vmem>>) offsets(%dma_start3A_821 : memref<32xi32, #tpu.memory_space<vmem>>) semaphore(%arg19 : memref<!tpu.dma_semaphore, #tpu.memory_space<semaphore_mem>>)
    %dma_wait3A_825 = arith.constant 4 : i32
    %dma_wait3A_826 = arith.constant 0 : i32
    %dma_wait3A_827 = tpu.memref_slice %arg10[%dma_wait3A_825, %dma_wait3A_826] : memref<8x32xi32, #tpu.memory_space<vmem>> -> memref<1x32xi32, #tpu.memory_space<vmem>>
    %dma_wait3A_828 = tpu.memref_squeeze %dma_wait3A_827 : memref<1x32xi32, #tpu.memory_space<vmem>> -> memref<32xi32, #tpu.memory_space<vmem>>
    %dma_wait3A_829 = arith.constant 0 : i32
    %dma_wait3A_830 = arith.constant 0 : i32
    %dma_wait3A_831 = tpu.memref_slice %arg3[%dma_wait3A_829, %dma_wait3A_830] : memref<20000x1024xf32, #tpu.memory_space<hbm>> -> memref<20000x1024xf32, #tpu.memory_space<hbm>>
    tpu.wait_indirect_dma semaphore(%arg19 : memref<!tpu.dma_semaphore, #tpu.memory_space<semaphore_mem>>) src(%dma_wait3A_831 : memref<20000x1024xf32, #tpu.memory_space<hbm>>) dst(%arg13 : memref<32x1024xf32, #tpu.memory_space<vmem>>)
    %add3A_832 = arith.constant 128 : i32
    %add3A_833 = arith.addi %mul3A_2, %add3A_832 : i32
    %dma_start3A_834 = arith.constant 0 : i32
    %dma_start3A_835 = tpu.memref_slice %arg6[%add3A_833, %dma_start3A_834] : memref<8192x1024xf32, #tpu.memory_space<hbm>> -> memref<32x1024xf32, #tpu.memory_space<hbm>>
    %dma_start3A_836 = arith.constant 0 : i32
    %dma_start3A_837 = tpu.memref_slice %arg6[%add3A_833, %dma_start3A_836] : memref<8192x1024xf32, #tpu.memory_space<hbm>> -> memref<32x1024xf32, #tpu.memory_space<hbm>>
    tpu.enqueue_dma source(%arg13 : memref<32x1024xf32, #tpu.memory_space<vmem>>) target(%dma_start3A_837 : memref<32x1024xf32, #tpu.memory_space<hbm>>) target_semaphore(%arg20 : memref<!tpu.dma_semaphore, #tpu.memory_space<semaphore_mem>>)
    %dma_wait3A_838 = arith.constant 0 : i32
    %dma_wait3A_839 = tpu.memref_slice %arg6[%add3A_833, %dma_wait3A_838] : memref<8192x1024xf32, #tpu.memory_space<hbm>> -> memref<32x1024xf32, #tpu.memory_space<hbm>>
    %dma_wait3A_840 = arith.constant 0 : i32
    %dma_wait3A_841 = tpu.memref_slice %arg6[%add3A_833, %dma_wait3A_840] : memref<8192x1024xf32, #tpu.memory_space<hbm>> -> memref<32x1024xf32, #tpu.memory_space<hbm>>
    tpu.wait_dma2 semaphore(%arg20 : memref<!tpu.dma_semaphore, #tpu.memory_space<semaphore_mem>>) src(%arg13 : memref<32x1024xf32, #tpu.memory_space<vmem>>) dst(%dma_wait3A_841 : memref<32x1024xf32, #tpu.memory_space<hbm>>)
    %dma_start3A_842 = arith.constant 6 : i32
    %dma_start3A_843 = arith.constant 0 : i32
    %dma_start3A_844 = tpu.memref_slice %arg10[%dma_start3A_842, %dma_start3A_843] : memref<8x32xi32, #tpu.memory_space<vmem>> -> memref<1x32xi32, #tpu.memory_space<vmem>>
    %dma_start3A_845 = tpu.memref_squeeze %dma_start3A_844 : memref<1x32xi32, #tpu.memory_space<vmem>> -> memref<32xi32, #tpu.memory_space<vmem>>
    %dma_start3A_846 = arith.constant 0 : i32
    %dma_start3A_847 = arith.constant 0 : i32
    %dma_start3A_848 = tpu.memref_slice %arg3[%dma_start3A_846, %dma_start3A_847] : memref<20000x1024xf32, #tpu.memory_space<hbm>> -> memref<20000x1024xf32, #tpu.memory_space<hbm>>
    tpu.enqueue_indirect_dma source(%dma_start3A_848 : memref<20000x1024xf32, #tpu.memory_space<hbm>>) target(%arg13 : memref<32x1024xf32, #tpu.memory_space<vmem>>) offsets(%dma_start3A_845 : memref<32xi32, #tpu.memory_space<vmem>>) semaphore(%arg19 : memref<!tpu.dma_semaphore, #tpu.memory_space<semaphore_mem>>)
    %dma_wait3A_849 = arith.constant 5 : i32
    %dma_wait3A_850 = arith.constant 0 : i32
    %dma_wait3A_851 = tpu.memref_slice %arg10[%dma_wait3A_849, %dma_wait3A_850] : memref<8x32xi32, #tpu.memory_space<vmem>> -> memref<1x32xi32, #tpu.memory_space<vmem>>
    %dma_wait3A_852 = tpu.memref_squeeze %dma_wait3A_851 : memref<1x32xi32, #tpu.memory_space<vmem>> -> memref<32xi32, #tpu.memory_space<vmem>>
    %dma_wait3A_853 = arith.constant 0 : i32
    %dma_wait3A_854 = arith.constant 0 : i32
    %dma_wait3A_855 = tpu.memref_slice %arg3[%dma_wait3A_853, %dma_wait3A_854] : memref<20000x1024xf32, #tpu.memory_space<hbm>> -> memref<20000x1024xf32, #tpu.memory_space<hbm>>
    tpu.wait_indirect_dma semaphore(%arg19 : memref<!tpu.dma_semaphore, #tpu.memory_space<semaphore_mem>>) src(%dma_wait3A_855 : memref<20000x1024xf32, #tpu.memory_space<hbm>>) dst(%arg14 : memref<32x1024xf32, #tpu.memory_space<vmem>>)
    %add3A_856 = arith.constant 160 : i32
    %add3A_857 = arith.addi %mul3A_2, %add3A_856 : i32
    %dma_start3A_858 = arith.constant 0 : i32
    %dma_start3A_859 = tpu.memref_slice %arg6[%add3A_857, %dma_start3A_858] : memref<8192x1024xf32, #tpu.memory_space<hbm>> -> memref<32x1024xf32, #tpu.memory_space<hbm>>
    %dma_start3A_860 = arith.constant 0 : i32
    %dma_start3A_861 = tpu.memref_slice %arg6[%add3A_857, %dma_start3A_860] : memref<8192x1024xf32, #tpu.memory_space<hbm>> -> memref<32x1024xf32, #tpu.memory_space<hbm>>
    tpu.enqueue_dma source(%arg14 : memref<32x1024xf32, #tpu.memory_space<vmem>>) target(%dma_start3A_861 : memref<32x1024xf32, #tpu.memory_space<hbm>>) target_semaphore(%arg20 : memref<!tpu.dma_semaphore, #tpu.memory_space<semaphore_mem>>)
    %dma_wait3A_862 = arith.constant 0 : i32
    %dma_wait3A_863 = tpu.memref_slice %arg6[%add3A_857, %dma_wait3A_862] : memref<8192x1024xf32, #tpu.memory_space<hbm>> -> memref<32x1024xf32, #tpu.memory_space<hbm>>
    %dma_wait3A_864 = arith.constant 0 : i32
    %dma_wait3A_865 = tpu.memref_slice %arg6[%add3A_857, %dma_wait3A_864] : memref<8192x1024xf32, #tpu.memory_space<hbm>> -> memref<32x1024xf32, #tpu.memory_space<hbm>>
    tpu.wait_dma2 semaphore(%arg20 : memref<!tpu.dma_semaphore, #tpu.memory_space<semaphore_mem>>) src(%arg14 : memref<32x1024xf32, #tpu.memory_space<vmem>>) dst(%dma_wait3A_865 : memref<32x1024xf32, #tpu.memory_space<hbm>>)
    %dma_start3A_866 = arith.constant 7 : i32
    %dma_start3A_867 = arith.constant 0 : i32
    %dma_start3A_868 = tpu.memref_slice %arg10[%dma_start3A_866, %dma_start3A_867] : memref<8x32xi32, #tpu.memory_space<vmem>> -> memref<1x32xi32, #tpu.memory_space<vmem>>
    %dma_start3A_869 = tpu.memref_squeeze %dma_start3A_868 : memref<1x32xi32, #tpu.memory_space<vmem>> -> memref<32xi32, #tpu.memory_space<vmem>>
    %dma_start3A_870 = arith.constant 0 : i32
    %dma_start3A_871 = arith.constant 0 : i32
    %dma_start3A_872 = tpu.memref_slice %arg3[%dma_start3A_870, %dma_start3A_871] : memref<20000x1024xf32, #tpu.memory_space<hbm>> -> memref<20000x1024xf32, #tpu.memory_space<hbm>>
    tpu.enqueue_indirect_dma source(%dma_start3A_872 : memref<20000x1024xf32, #tpu.memory_space<hbm>>) target(%arg14 : memref<32x1024xf32, #tpu.memory_space<vmem>>) offsets(%dma_start3A_869 : memref<32xi32, #tpu.memory_space<vmem>>) semaphore(%arg19 : memref<!tpu.dma_semaphore, #tpu.memory_space<semaphore_mem>>)
    %dma_wait3A_873 = arith.constant 6 : i32
    %dma_wait3A_874 = arith.constant 0 : i32
    %dma_wait3A_875 = tpu.memref_slice %arg10[%dma_wait3A_873, %dma_wait3A_874] : memref<8x32xi32, #tpu.memory_space<vmem>> -> memref<1x32xi32, #tpu.memory_space<vmem>>
    %dma_wait3A_876 = tpu.memref_squeeze %dma_wait3A_875 : memref<1x32xi32, #tpu.memory_space<vmem>> -> memref<32xi32, #tpu.memory_space<vmem>>
    %dma_wait3A_877 = arith.constant 0 : i32
    %dma_wait3A_878 = arith.constant 0 : i32
    %dma_wait3A_879 = tpu.memref_slice %arg3[%dma_wait3A_877, %dma_wait3A_878] : memref<20000x1024xf32, #tpu.memory_space<hbm>> -> memref<20000x1024xf32, #tpu.memory_space<hbm>>
    tpu.wait_indirect_dma semaphore(%arg19 : memref<!tpu.dma_semaphore, #tpu.memory_space<semaphore_mem>>) src(%dma_wait3A_879 : memref<20000x1024xf32, #tpu.memory_space<hbm>>) dst(%arg13 : memref<32x1024xf32, #tpu.memory_space<vmem>>)
    %add3A_880 = arith.constant 192 : i32
    %add3A_881 = arith.addi %mul3A_2, %add3A_880 : i32
    %dma_start3A_882 = arith.constant 0 : i32
    %dma_start3A_883 = tpu.memref_slice %arg6[%add3A_881, %dma_start3A_882] : memref<8192x1024xf32, #tpu.memory_space<hbm>> -> memref<32x1024xf32, #tpu.memory_space<hbm>>
    %dma_start3A_884 = arith.constant 0 : i32
    %dma_start3A_885 = tpu.memref_slice %arg6[%add3A_881, %dma_start3A_884] : memref<8192x1024xf32, #tpu.memory_space<hbm>> -> memref<32x1024xf32, #tpu.memory_space<hbm>>
    tpu.enqueue_dma source(%arg13 : memref<32x1024xf32, #tpu.memory_space<vmem>>) target(%dma_start3A_885 : memref<32x1024xf32, #tpu.memory_space<hbm>>) target_semaphore(%arg20 : memref<!tpu.dma_semaphore, #tpu.memory_space<semaphore_mem>>)
    %dma_wait3A_886 = arith.constant 7 : i32
    %dma_wait3A_887 = arith.constant 0 : i32
    %dma_wait3A_888 = tpu.memref_slice %arg10[%dma_wait3A_886, %dma_wait3A_887] : memref<8x32xi32, #tpu.memory_space<vmem>> -> memref<1x32xi32, #tpu.memory_space<vmem>>
    %dma_wait3A_889 = tpu.memref_squeeze %dma_wait3A_888 : memref<1x32xi32, #tpu.memory_space<vmem>> -> memref<32xi32, #tpu.memory_space<vmem>>
    %dma_wait3A_890 = arith.constant 0 : i32
    %dma_wait3A_891 = arith.constant 0 : i32
    %dma_wait3A_892 = tpu.memref_slice %arg3[%dma_wait3A_890, %dma_wait3A_891] : memref<20000x1024xf32, #tpu.memory_space<hbm>> -> memref<20000x1024xf32, #tpu.memory_space<hbm>>
    tpu.wait_indirect_dma semaphore(%arg19 : memref<!tpu.dma_semaphore, #tpu.memory_space<semaphore_mem>>) src(%dma_wait3A_892 : memref<20000x1024xf32, #tpu.memory_space<hbm>>) dst(%arg14 : memref<32x1024xf32, #tpu.memory_space<vmem>>)
    %add3A_893 = arith.constant 224 : i32
    %add3A_894 = arith.addi %mul3A_2, %add3A_893 : i32
    %dma_start3A_895 = arith.constant 0 : i32
    %dma_start3A_896 = tpu.memref_slice %arg6[%add3A_894, %dma_start3A_895] : memref<8192x1024xf32, #tpu.memory_space<hbm>> -> memref<32x1024xf32, #tpu.memory_space<hbm>>
    %dma_start3A_897 = arith.constant 0 : i32
    %dma_start3A_898 = tpu.memref_slice %arg6[%add3A_894, %dma_start3A_897] : memref<8192x1024xf32, #tpu.memory_space<hbm>> -> memref<32x1024xf32, #tpu.memory_space<hbm>>
    tpu.enqueue_dma source(%arg14 : memref<32x1024xf32, #tpu.memory_space<vmem>>) target(%dma_start3A_898 : memref<32x1024xf32, #tpu.memory_space<hbm>>) target_semaphore(%arg20 : memref<!tpu.dma_semaphore, #tpu.memory_space<semaphore_mem>>)
    %dma_wait3A_899 = arith.constant 0 : i32
    %dma_wait3A_900 = tpu.memref_slice %arg6[%add3A_881, %dma_wait3A_899] : memref<8192x1024xf32, #tpu.memory_space<hbm>> -> memref<32x1024xf32, #tpu.memory_space<hbm>>
    %dma_wait3A_901 = arith.constant 0 : i32
    %dma_wait3A_902 = tpu.memref_slice %arg6[%add3A_881, %dma_wait3A_901] : memref<8192x1024xf32, #tpu.memory_space<hbm>> -> memref<32x1024xf32, #tpu.memory_space<hbm>>
    tpu.wait_dma2 semaphore(%arg20 : memref<!tpu.dma_semaphore, #tpu.memory_space<semaphore_mem>>) src(%arg13 : memref<32x1024xf32, #tpu.memory_space<vmem>>) dst(%dma_wait3A_902 : memref<32x1024xf32, #tpu.memory_space<hbm>>)
    %dma_wait3A_903 = arith.constant 0 : i32
    %dma_wait3A_904 = tpu.memref_slice %arg6[%add3A_894, %dma_wait3A_903] : memref<8192x1024xf32, #tpu.memory_space<hbm>> -> memref<32x1024xf32, #tpu.memory_space<hbm>>
    %dma_wait3A_905 = arith.constant 0 : i32
    %dma_wait3A_906 = tpu.memref_slice %arg6[%add3A_894, %dma_wait3A_905] : memref<8192x1024xf32, #tpu.memory_space<hbm>> -> memref<32x1024xf32, #tpu.memory_space<hbm>>
    tpu.wait_dma2 semaphore(%arg20 : memref<!tpu.dma_semaphore, #tpu.memory_space<semaphore_mem>>) src(%arg14 : memref<32x1024xf32, #tpu.memory_space<vmem>>) dst(%dma_wait3A_906 : memref<32x1024xf32, #tpu.memory_space<hbm>>)
    %dma_start3A_907 = arith.constant 0 : i32
    %dma_start3A_908 = arith.constant 0 : i32
    %dma_start3A_909 = tpu.memref_slice %arg11[%dma_start3A_907, %dma_start3A_908] : memref<4x64xi32, #tpu.memory_space<vmem>> -> memref<1x64xi32, #tpu.memory_space<vmem>>
    %dma_start3A_910 = tpu.memref_squeeze %dma_start3A_909 : memref<1x64xi32, #tpu.memory_space<vmem>> -> memref<64xi32, #tpu.memory_space<vmem>>
    %dma_start3A_911 = arith.constant 0 : i32
    %dma_start3A_912 = arith.constant 0 : i32
    %dma_start3A_913 = tpu.memref_slice %arg4[%dma_start3A_911, %dma_start3A_912] : memref<40000x256xf32, #tpu.memory_space<hbm>> -> memref<40000x256xf32, #tpu.memory_space<hbm>>
    tpu.enqueue_indirect_dma source(%dma_start3A_913 : memref<40000x256xf32, #tpu.memory_space<hbm>>) target(%arg15 : memref<64x256xf32, #tpu.memory_space<vmem>>) offsets(%dma_start3A_910 : memref<64xi32, #tpu.memory_space<vmem>>) semaphore(%arg19 : memref<!tpu.dma_semaphore, #tpu.memory_space<semaphore_mem>>)
    %dma_start3A_914 = arith.constant 1 : i32
    %dma_start3A_915 = arith.constant 0 : i32
    %dma_start3A_916 = tpu.memref_slice %arg11[%dma_start3A_914, %dma_start3A_915] : memref<4x64xi32, #tpu.memory_space<vmem>> -> memref<1x64xi32, #tpu.memory_space<vmem>>
    %dma_start3A_917 = tpu.memref_squeeze %dma_start3A_916 : memref<1x64xi32, #tpu.memory_space<vmem>> -> memref<64xi32, #tpu.memory_space<vmem>>
    %dma_start3A_918 = arith.constant 0 : i32
    %dma_start3A_919 = arith.constant 0 : i32
    %dma_start3A_920 = tpu.memref_slice %arg4[%dma_start3A_918, %dma_start3A_919] : memref<40000x256xf32, #tpu.memory_space<hbm>> -> memref<40000x256xf32, #tpu.memory_space<hbm>>
    tpu.enqueue_indirect_dma source(%dma_start3A_920 : memref<40000x256xf32, #tpu.memory_space<hbm>>) target(%arg16 : memref<64x256xf32, #tpu.memory_space<vmem>>) offsets(%dma_start3A_917 : memref<64xi32, #tpu.memory_space<vmem>>) semaphore(%arg19 : memref<!tpu.dma_semaphore, #tpu.memory_space<semaphore_mem>>)
    %dma_wait3A_921 = arith.constant 0 : i32
    %dma_wait3A_922 = arith.constant 0 : i32
    %dma_wait3A_923 = tpu.memref_slice %arg11[%dma_wait3A_921, %dma_wait3A_922] : memref<4x64xi32, #tpu.memory_space<vmem>> -> memref<1x64xi32, #tpu.memory_space<vmem>>
    %dma_wait3A_924 = tpu.memref_squeeze %dma_wait3A_923 : memref<1x64xi32, #tpu.memory_space<vmem>> -> memref<64xi32, #tpu.memory_space<vmem>>
    %dma_wait3A_925 = arith.constant 0 : i32
    %dma_wait3A_926 = arith.constant 0 : i32
    %dma_wait3A_927 = tpu.memref_slice %arg4[%dma_wait3A_925, %dma_wait3A_926] : memref<40000x256xf32, #tpu.memory_space<hbm>> -> memref<40000x256xf32, #tpu.memory_space<hbm>>
    tpu.wait_indirect_dma semaphore(%arg19 : memref<!tpu.dma_semaphore, #tpu.memory_space<semaphore_mem>>) src(%dma_wait3A_927 : memref<40000x256xf32, #tpu.memory_space<hbm>>) dst(%arg15 : memref<64x256xf32, #tpu.memory_space<vmem>>)
    %add3A_928 = arith.constant 0 : i32
    %add3A_929 = arith.addi %mul3A_2, %add3A_928 : i32
    %dma_start3A_930 = arith.constant 0 : i32
    %dma_start3A_931 = tpu.memref_slice %arg7[%add3A_929, %dma_start3A_930] : memref<8192x256xf32, #tpu.memory_space<hbm>> -> memref<64x256xf32, #tpu.memory_space<hbm>>
    %dma_start3A_932 = arith.constant 0 : i32
    %dma_start3A_933 = tpu.memref_slice %arg7[%add3A_929, %dma_start3A_932] : memref<8192x256xf32, #tpu.memory_space<hbm>> -> memref<64x256xf32, #tpu.memory_space<hbm>>
    tpu.enqueue_dma source(%arg15 : memref<64x256xf32, #tpu.memory_space<vmem>>) target(%dma_start3A_933 : memref<64x256xf32, #tpu.memory_space<hbm>>) target_semaphore(%arg20 : memref<!tpu.dma_semaphore, #tpu.memory_space<semaphore_mem>>)
    %dma_wait3A_934 = arith.constant 0 : i32
    %dma_wait3A_935 = tpu.memref_slice %arg7[%add3A_929, %dma_wait3A_934] : memref<8192x256xf32, #tpu.memory_space<hbm>> -> memref<64x256xf32, #tpu.memory_space<hbm>>
    %dma_wait3A_936 = arith.constant 0 : i32
    %dma_wait3A_937 = tpu.memref_slice %arg7[%add3A_929, %dma_wait3A_936] : memref<8192x256xf32, #tpu.memory_space<hbm>> -> memref<64x256xf32, #tpu.memory_space<hbm>>
    tpu.wait_dma2 semaphore(%arg20 : memref<!tpu.dma_semaphore, #tpu.memory_space<semaphore_mem>>) src(%arg15 : memref<64x256xf32, #tpu.memory_space<vmem>>) dst(%dma_wait3A_937 : memref<64x256xf32, #tpu.memory_space<hbm>>)
    %dma_start3A_938 = arith.constant 2 : i32
    %dma_start3A_939 = arith.constant 0 : i32
    %dma_start3A_940 = tpu.memref_slice %arg11[%dma_start3A_938, %dma_start3A_939] : memref<4x64xi32, #tpu.memory_space<vmem>> -> memref<1x64xi32, #tpu.memory_space<vmem>>
    %dma_start3A_941 = tpu.memref_squeeze %dma_start3A_940 : memref<1x64xi32, #tpu.memory_space<vmem>> -> memref<64xi32, #tpu.memory_space<vmem>>
    %dma_start3A_942 = arith.constant 0 : i32
    %dma_start3A_943 = arith.constant 0 : i32
    %dma_start3A_944 = tpu.memref_slice %arg4[%dma_start3A_942, %dma_start3A_943] : memref<40000x256xf32, #tpu.memory_space<hbm>> -> memref<40000x256xf32, #tpu.memory_space<hbm>>
    tpu.enqueue_indirect_dma source(%dma_start3A_944 : memref<40000x256xf32, #tpu.memory_space<hbm>>) target(%arg15 : memref<64x256xf32, #tpu.memory_space<vmem>>) offsets(%dma_start3A_941 : memref<64xi32, #tpu.memory_space<vmem>>) semaphore(%arg19 : memref<!tpu.dma_semaphore, #tpu.memory_space<semaphore_mem>>)
    %dma_wait3A_945 = arith.constant 1 : i32
    %dma_wait3A_946 = arith.constant 0 : i32
    %dma_wait3A_947 = tpu.memref_slice %arg11[%dma_wait3A_945, %dma_wait3A_946] : memref<4x64xi32, #tpu.memory_space<vmem>> -> memref<1x64xi32, #tpu.memory_space<vmem>>
    %dma_wait3A_948 = tpu.memref_squeeze %dma_wait3A_947 : memref<1x64xi32, #tpu.memory_space<vmem>> -> memref<64xi32, #tpu.memory_space<vmem>>
    %dma_wait3A_949 = arith.constant 0 : i32
    %dma_wait3A_950 = arith.constant 0 : i32
    %dma_wait3A_951 = tpu.memref_slice %arg4[%dma_wait3A_949, %dma_wait3A_950] : memref<40000x256xf32, #tpu.memory_space<hbm>> -> memref<40000x256xf32, #tpu.memory_space<hbm>>
    tpu.wait_indirect_dma semaphore(%arg19 : memref<!tpu.dma_semaphore, #tpu.memory_space<semaphore_mem>>) src(%dma_wait3A_951 : memref<40000x256xf32, #tpu.memory_space<hbm>>) dst(%arg16 : memref<64x256xf32, #tpu.memory_space<vmem>>)
    %add3A_952 = arith.constant 64 : i32
    %add3A_953 = arith.addi %mul3A_2, %add3A_952 : i32
    %dma_start3A_954 = arith.constant 0 : i32
    %dma_start3A_955 = tpu.memref_slice %arg7[%add3A_953, %dma_start3A_954] : memref<8192x256xf32, #tpu.memory_space<hbm>> -> memref<64x256xf32, #tpu.memory_space<hbm>>
    %dma_start3A_956 = arith.constant 0 : i32
    %dma_start3A_957 = tpu.memref_slice %arg7[%add3A_953, %dma_start3A_956] : memref<8192x256xf32, #tpu.memory_space<hbm>> -> memref<64x256xf32, #tpu.memory_space<hbm>>
    tpu.enqueue_dma source(%arg16 : memref<64x256xf32, #tpu.memory_space<vmem>>) target(%dma_start3A_957 : memref<64x256xf32, #tpu.memory_space<hbm>>) target_semaphore(%arg20 : memref<!tpu.dma_semaphore, #tpu.memory_space<semaphore_mem>>)
    %dma_wait3A_958 = arith.constant 0 : i32
    %dma_wait3A_959 = tpu.memref_slice %arg7[%add3A_953, %dma_wait3A_958] : memref<8192x256xf32, #tpu.memory_space<hbm>> -> memref<64x256xf32, #tpu.memory_space<hbm>>
    %dma_wait3A_960 = arith.constant 0 : i32
    %dma_wait3A_961 = tpu.memref_slice %arg7[%add3A_953, %dma_wait3A_960] : memref<8192x256xf32, #tpu.memory_space<hbm>> -> memref<64x256xf32, #tpu.memory_space<hbm>>
    tpu.wait_dma2 semaphore(%arg20 : memref<!tpu.dma_semaphore, #tpu.memory_space<semaphore_mem>>) src(%arg16 : memref<64x256xf32, #tpu.memory_space<vmem>>) dst(%dma_wait3A_961 : memref<64x256xf32, #tpu.memory_space<hbm>>)
    %dma_start3A_962 = arith.constant 3 : i32
    %dma_start3A_963 = arith.constant 0 : i32
    %dma_start3A_964 = tpu.memref_slice %arg11[%dma_start3A_962, %dma_start3A_963] : memref<4x64xi32, #tpu.memory_space<vmem>> -> memref<1x64xi32, #tpu.memory_space<vmem>>
    %dma_start3A_965 = tpu.memref_squeeze %dma_start3A_964 : memref<1x64xi32, #tpu.memory_space<vmem>> -> memref<64xi32, #tpu.memory_space<vmem>>
    %dma_start3A_966 = arith.constant 0 : i32
    %dma_start3A_967 = arith.constant 0 : i32
    %dma_start3A_968 = tpu.memref_slice %arg4[%dma_start3A_966, %dma_start3A_967] : memref<40000x256xf32, #tpu.memory_space<hbm>> -> memref<40000x256xf32, #tpu.memory_space<hbm>>
    tpu.enqueue_indirect_dma source(%dma_start3A_968 : memref<40000x256xf32, #tpu.memory_space<hbm>>) target(%arg16 : memref<64x256xf32, #tpu.memory_space<vmem>>) offsets(%dma_start3A_965 : memref<64xi32, #tpu.memory_space<vmem>>) semaphore(%arg19 : memref<!tpu.dma_semaphore, #tpu.memory_space<semaphore_mem>>)
    %dma_wait3A_969 = arith.constant 2 : i32
    %dma_wait3A_970 = arith.constant 0 : i32
    %dma_wait3A_971 = tpu.memref_slice %arg11[%dma_wait3A_969, %dma_wait3A_970] : memref<4x64xi32, #tpu.memory_space<vmem>> -> memref<1x64xi32, #tpu.memory_space<vmem>>
    %dma_wait3A_972 = tpu.memref_squeeze %dma_wait3A_971 : memref<1x64xi32, #tpu.memory_space<vmem>> -> memref<64xi32, #tpu.memory_space<vmem>>
    %dma_wait3A_973 = arith.constant 0 : i32
    %dma_wait3A_974 = arith.constant 0 : i32
    %dma_wait3A_975 = tpu.memref_slice %arg4[%dma_wait3A_973, %dma_wait3A_974] : memref<40000x256xf32, #tpu.memory_space<hbm>> -> memref<40000x256xf32, #tpu.memory_space<hbm>>
    tpu.wait_indirect_dma semaphore(%arg19 : memref<!tpu.dma_semaphore, #tpu.memory_space<semaphore_mem>>) src(%dma_wait3A_975 : memref<40000x256xf32, #tpu.memory_space<hbm>>) dst(%arg15 : memref<64x256xf32, #tpu.memory_space<vmem>>)
    %add3A_976 = arith.constant 128 : i32
    %add3A_977 = arith.addi %mul3A_2, %add3A_976 : i32
    %dma_start3A_978 = arith.constant 0 : i32
    %dma_start3A_979 = tpu.memref_slice %arg7[%add3A_977, %dma_start3A_978] : memref<8192x256xf32, #tpu.memory_space<hbm>> -> memref<64x256xf32, #tpu.memory_space<hbm>>
    %dma_start3A_980 = arith.constant 0 : i32
    %dma_start3A_981 = tpu.memref_slice %arg7[%add3A_977, %dma_start3A_980] : memref<8192x256xf32, #tpu.memory_space<hbm>> -> memref<64x256xf32, #tpu.memory_space<hbm>>
    tpu.enqueue_dma source(%arg15 : memref<64x256xf32, #tpu.memory_space<vmem>>) target(%dma_start3A_981 : memref<64x256xf32, #tpu.memory_space<hbm>>) target_semaphore(%arg20 : memref<!tpu.dma_semaphore, #tpu.memory_space<semaphore_mem>>)
    %dma_wait3A_982 = arith.constant 3 : i32
    %dma_wait3A_983 = arith.constant 0 : i32
    %dma_wait3A_984 = tpu.memref_slice %arg11[%dma_wait3A_982, %dma_wait3A_983] : memref<4x64xi32, #tpu.memory_space<vmem>> -> memref<1x64xi32, #tpu.memory_space<vmem>>
    %dma_wait3A_985 = tpu.memref_squeeze %dma_wait3A_984 : memref<1x64xi32, #tpu.memory_space<vmem>> -> memref<64xi32, #tpu.memory_space<vmem>>
    %dma_wait3A_986 = arith.constant 0 : i32
    %dma_wait3A_987 = arith.constant 0 : i32
    %dma_wait3A_988 = tpu.memref_slice %arg4[%dma_wait3A_986, %dma_wait3A_987] : memref<40000x256xf32, #tpu.memory_space<hbm>> -> memref<40000x256xf32, #tpu.memory_space<hbm>>
    tpu.wait_indirect_dma semaphore(%arg19 : memref<!tpu.dma_semaphore, #tpu.memory_space<semaphore_mem>>) src(%dma_wait3A_988 : memref<40000x256xf32, #tpu.memory_space<hbm>>) dst(%arg16 : memref<64x256xf32, #tpu.memory_space<vmem>>)
    %add3A_989 = arith.constant 192 : i32
    %add3A_990 = arith.addi %mul3A_2, %add3A_989 : i32
    %dma_start3A_991 = arith.constant 0 : i32
    %dma_start3A_992 = tpu.memref_slice %arg7[%add3A_990, %dma_start3A_991] : memref<8192x256xf32, #tpu.memory_space<hbm>> -> memref<64x256xf32, #tpu.memory_space<hbm>>
    %dma_start3A_993 = arith.constant 0 : i32
    %dma_start3A_994 = tpu.memref_slice %arg7[%add3A_990, %dma_start3A_993] : memref<8192x256xf32, #tpu.memory_space<hbm>> -> memref<64x256xf32, #tpu.memory_space<hbm>>
    tpu.enqueue_dma source(%arg16 : memref<64x256xf32, #tpu.memory_space<vmem>>) target(%dma_start3A_994 : memref<64x256xf32, #tpu.memory_space<hbm>>) target_semaphore(%arg20 : memref<!tpu.dma_semaphore, #tpu.memory_space<semaphore_mem>>)
    %dma_wait3A_995 = arith.constant 0 : i32
    %dma_wait3A_996 = tpu.memref_slice %arg7[%add3A_977, %dma_wait3A_995] : memref<8192x256xf32, #tpu.memory_space<hbm>> -> memref<64x256xf32, #tpu.memory_space<hbm>>
    %dma_wait3A_997 = arith.constant 0 : i32
    %dma_wait3A_998 = tpu.memref_slice %arg7[%add3A_977, %dma_wait3A_997] : memref<8192x256xf32, #tpu.memory_space<hbm>> -> memref<64x256xf32, #tpu.memory_space<hbm>>
    tpu.wait_dma2 semaphore(%arg20 : memref<!tpu.dma_semaphore, #tpu.memory_space<semaphore_mem>>) src(%arg15 : memref<64x256xf32, #tpu.memory_space<vmem>>) dst(%dma_wait3A_998 : memref<64x256xf32, #tpu.memory_space<hbm>>)
    %dma_wait3A_999 = arith.constant 0 : i32
    %dma_wait3A_1000 = tpu.memref_slice %arg7[%add3A_990, %dma_wait3A_999] : memref<8192x256xf32, #tpu.memory_space<hbm>> -> memref<64x256xf32, #tpu.memory_space<hbm>>
    %dma_wait3A_1001 = arith.constant 0 : i32
    %dma_wait3A_1002 = tpu.memref_slice %arg7[%add3A_990, %dma_wait3A_1001] : memref<8192x256xf32, #tpu.memory_space<hbm>> -> memref<64x256xf32, #tpu.memory_space<hbm>>
    tpu.wait_dma2 semaphore(%arg20 : memref<!tpu.dma_semaphore, #tpu.memory_space<semaphore_mem>>) src(%arg16 : memref<64x256xf32, #tpu.memory_space<vmem>>) dst(%dma_wait3A_1002 : memref<64x256xf32, #tpu.memory_space<hbm>>)
    %dma_start3A_1003 = arith.constant 0 : i32
    %dma_start3A_1004 = arith.constant 0 : i32
    %dma_start3A_1005 = tpu.memref_slice %arg12[%dma_start3A_1003, %dma_start3A_1004] : memref<4x64xi32, #tpu.memory_space<vmem>> -> memref<1x64xi32, #tpu.memory_space<vmem>>
    %dma_start3A_1006 = tpu.memref_squeeze %dma_start3A_1005 : memref<1x64xi32, #tpu.memory_space<vmem>> -> memref<64xi32, #tpu.memory_space<vmem>>
    %dma_start3A_1007 = arith.constant 0 : i32
    %dma_start3A_1008 = arith.constant 0 : i32
    %dma_start3A_1009 = tpu.memref_slice %arg5[%dma_start3A_1007, %dma_start3A_1008] : memref<40000x128xf32, #tpu.memory_space<hbm>> -> memref<40000x128xf32, #tpu.memory_space<hbm>>
    tpu.enqueue_indirect_dma source(%dma_start3A_1009 : memref<40000x128xf32, #tpu.memory_space<hbm>>) target(%arg17 : memref<64x128xf32, #tpu.memory_space<vmem>>) offsets(%dma_start3A_1006 : memref<64xi32, #tpu.memory_space<vmem>>) semaphore(%arg19 : memref<!tpu.dma_semaphore, #tpu.memory_space<semaphore_mem>>)
    %dma_start3A_1010 = arith.constant 1 : i32
    %dma_start3A_1011 = arith.constant 0 : i32
    %dma_start3A_1012 = tpu.memref_slice %arg12[%dma_start3A_1010, %dma_start3A_1011] : memref<4x64xi32, #tpu.memory_space<vmem>> -> memref<1x64xi32, #tpu.memory_space<vmem>>
    %dma_start3A_1013 = tpu.memref_squeeze %dma_start3A_1012 : memref<1x64xi32, #tpu.memory_space<vmem>> -> memref<64xi32, #tpu.memory_space<vmem>>
    %dma_start3A_1014 = arith.constant 0 : i32
    %dma_start3A_1015 = arith.constant 0 : i32
    %dma_start3A_1016 = tpu.memref_slice %arg5[%dma_start3A_1014, %dma_start3A_1015] : memref<40000x128xf32, #tpu.memory_space<hbm>> -> memref<40000x128xf32, #tpu.memory_space<hbm>>
    tpu.enqueue_indirect_dma source(%dma_start3A_1016 : memref<40000x128xf32, #tpu.memory_space<hbm>>) target(%arg18 : memref<64x128xf32, #tpu.memory_space<vmem>>) offsets(%dma_start3A_1013 : memref<64xi32, #tpu.memory_space<vmem>>) semaphore(%arg19 : memref<!tpu.dma_semaphore, #tpu.memory_space<semaphore_mem>>)
    %dma_wait3A_1017 = arith.constant 0 : i32
    %dma_wait3A_1018 = arith.constant 0 : i32
    %dma_wait3A_1019 = tpu.memref_slice %arg12[%dma_wait3A_1017, %dma_wait3A_1018] : memref<4x64xi32, #tpu.memory_space<vmem>> -> memref<1x64xi32, #tpu.memory_space<vmem>>
    %dma_wait3A_1020 = tpu.memref_squeeze %dma_wait3A_1019 : memref<1x64xi32, #tpu.memory_space<vmem>> -> memref<64xi32, #tpu.memory_space<vmem>>
    %dma_wait3A_1021 = arith.constant 0 : i32
    %dma_wait3A_1022 = arith.constant 0 : i32
    %dma_wait3A_1023 = tpu.memref_slice %arg5[%dma_wait3A_1021, %dma_wait3A_1022] : memref<40000x128xf32, #tpu.memory_space<hbm>> -> memref<40000x128xf32, #tpu.memory_space<hbm>>
    tpu.wait_indirect_dma semaphore(%arg19 : memref<!tpu.dma_semaphore, #tpu.memory_space<semaphore_mem>>) src(%dma_wait3A_1023 : memref<40000x128xf32, #tpu.memory_space<hbm>>) dst(%arg17 : memref<64x128xf32, #tpu.memory_space<vmem>>)
    %add3A_1024 = arith.constant 0 : i32
    %add3A_1025 = arith.addi %mul3A_2, %add3A_1024 : i32
    %dma_start3A_1026 = arith.constant 0 : i32
    %dma_start3A_1027 = tpu.memref_slice %arg8[%add3A_1025, %dma_start3A_1026] : memref<8192x128xf32, #tpu.memory_space<hbm>> -> memref<64x128xf32, #tpu.memory_space<hbm>>
    %dma_start3A_1028 = arith.constant 0 : i32
    %dma_start3A_1029 = tpu.memref_slice %arg8[%add3A_1025, %dma_start3A_1028] : memref<8192x128xf32, #tpu.memory_space<hbm>> -> memref<64x128xf32, #tpu.memory_space<hbm>>
    tpu.enqueue_dma source(%arg17 : memref<64x128xf32, #tpu.memory_space<vmem>>) target(%dma_start3A_1029 : memref<64x128xf32, #tpu.memory_space<hbm>>) target_semaphore(%arg20 : memref<!tpu.dma_semaphore, #tpu.memory_space<semaphore_mem>>)
    %dma_wait3A_1030 = arith.constant 0 : i32
    %dma_wait3A_1031 = tpu.memref_slice %arg8[%add3A_1025, %dma_wait3A_1030] : memref<8192x128xf32, #tpu.memory_space<hbm>> -> memref<64x128xf32, #tpu.memory_space<hbm>>
    %dma_wait3A_1032 = arith.constant 0 : i32
    %dma_wait3A_1033 = tpu.memref_slice %arg8[%add3A_1025, %dma_wait3A_1032] : memref<8192x128xf32, #tpu.memory_space<hbm>> -> memref<64x128xf32, #tpu.memory_space<hbm>>
    tpu.wait_dma2 semaphore(%arg20 : memref<!tpu.dma_semaphore, #tpu.memory_space<semaphore_mem>>) src(%arg17 : memref<64x128xf32, #tpu.memory_space<vmem>>) dst(%dma_wait3A_1033 : memref<64x128xf32, #tpu.memory_space<hbm>>)
    %dma_start3A_1034 = arith.constant 2 : i32
    %dma_start3A_1035 = arith.constant 0 : i32
    %dma_start3A_1036 = tpu.memref_slice %arg12[%dma_start3A_1034, %dma_start3A_1035] : memref<4x64xi32, #tpu.memory_space<vmem>> -> memref<1x64xi32, #tpu.memory_space<vmem>>
    %dma_start3A_1037 = tpu.memref_squeeze %dma_start3A_1036 : memref<1x64xi32, #tpu.memory_space<vmem>> -> memref<64xi32, #tpu.memory_space<vmem>>
    %dma_start3A_1038 = arith.constant 0 : i32
    %dma_start3A_1039 = arith.constant 0 : i32
    %dma_start3A_1040 = tpu.memref_slice %arg5[%dma_start3A_1038, %dma_start3A_1039] : memref<40000x128xf32, #tpu.memory_space<hbm>> -> memref<40000x128xf32, #tpu.memory_space<hbm>>
    tpu.enqueue_indirect_dma source(%dma_start3A_1040 : memref<40000x128xf32, #tpu.memory_space<hbm>>) target(%arg17 : memref<64x128xf32, #tpu.memory_space<vmem>>) offsets(%dma_start3A_1037 : memref<64xi32, #tpu.memory_space<vmem>>) semaphore(%arg19 : memref<!tpu.dma_semaphore, #tpu.memory_space<semaphore_mem>>)
    %dma_wait3A_1041 = arith.constant 1 : i32
    %dma_wait3A_1042 = arith.constant 0 : i32
    %dma_wait3A_1043 = tpu.memref_slice %arg12[%dma_wait3A_1041, %dma_wait3A_1042] : memref<4x64xi32, #tpu.memory_space<vmem>> -> memref<1x64xi32, #tpu.memory_space<vmem>>
    %dma_wait3A_1044 = tpu.memref_squeeze %dma_wait3A_1043 : memref<1x64xi32, #tpu.memory_space<vmem>> -> memref<64xi32, #tpu.memory_space<vmem>>
    %dma_wait3A_1045 = arith.constant 0 : i32
    %dma_wait3A_1046 = arith.constant 0 : i32
    %dma_wait3A_1047 = tpu.memref_slice %arg5[%dma_wait3A_1045, %dma_wait3A_1046] : memref<40000x128xf32, #tpu.memory_space<hbm>> -> memref<40000x128xf32, #tpu.memory_space<hbm>>
    tpu.wait_indirect_dma semaphore(%arg19 : memref<!tpu.dma_semaphore, #tpu.memory_space<semaphore_mem>>) src(%dma_wait3A_1047 : memref<40000x128xf32, #tpu.memory_space<hbm>>) dst(%arg18 : memref<64x128xf32, #tpu.memory_space<vmem>>)
    %add3A_1048 = arith.constant 64 : i32
    %add3A_1049 = arith.addi %mul3A_2, %add3A_1048 : i32
    %dma_start3A_1050 = arith.constant 0 : i32
    %dma_start3A_1051 = tpu.memref_slice %arg8[%add3A_1049, %dma_start3A_1050] : memref<8192x128xf32, #tpu.memory_space<hbm>> -> memref<64x128xf32, #tpu.memory_space<hbm>>
    %dma_start3A_1052 = arith.constant 0 : i32
    %dma_start3A_1053 = tpu.memref_slice %arg8[%add3A_1049, %dma_start3A_1052] : memref<8192x128xf32, #tpu.memory_space<hbm>> -> memref<64x128xf32, #tpu.memory_space<hbm>>
    tpu.enqueue_dma source(%arg18 : memref<64x128xf32, #tpu.memory_space<vmem>>) target(%dma_start3A_1053 : memref<64x128xf32, #tpu.memory_space<hbm>>) target_semaphore(%arg20 : memref<!tpu.dma_semaphore, #tpu.memory_space<semaphore_mem>>)
    %dma_wait3A_1054 = arith.constant 0 : i32
    %dma_wait3A_1055 = tpu.memref_slice %arg8[%add3A_1049, %dma_wait3A_1054] : memref<8192x128xf32, #tpu.memory_space<hbm>> -> memref<64x128xf32, #tpu.memory_space<hbm>>
    %dma_wait3A_1056 = arith.constant 0 : i32
    %dma_wait3A_1057 = tpu.memref_slice %arg8[%add3A_1049, %dma_wait3A_1056] : memref<8192x128xf32, #tpu.memory_space<hbm>> -> memref<64x128xf32, #tpu.memory_space<hbm>>
    tpu.wait_dma2 semaphore(%arg20 : memref<!tpu.dma_semaphore, #tpu.memory_space<semaphore_mem>>) src(%arg18 : memref<64x128xf32, #tpu.memory_space<vmem>>) dst(%dma_wait3A_1057 : memref<64x128xf32, #tpu.memory_space<hbm>>)
    %dma_start3A_1058 = arith.constant 3 : i32
    %dma_start3A_1059 = arith.constant 0 : i32
    %dma_start3A_1060 = tpu.memref_slice %arg12[%dma_start3A_1058, %dma_start3A_1059] : memref<4x64xi32, #tpu.memory_space<vmem>> -> memref<1x64xi32, #tpu.memory_space<vmem>>
    %dma_start3A_1061 = tpu.memref_squeeze %dma_start3A_1060 : memref<1x64xi32, #tpu.memory_space<vmem>> -> memref<64xi32, #tpu.memory_space<vmem>>
    %dma_start3A_1062 = arith.constant 0 : i32
    %dma_start3A_1063 = arith.constant 0 : i32
    %dma_start3A_1064 = tpu.memref_slice %arg5[%dma_start3A_1062, %dma_start3A_1063] : memref<40000x128xf32, #tpu.memory_space<hbm>> -> memref<40000x128xf32, #tpu.memory_space<hbm>>
    tpu.enqueue_indirect_dma source(%dma_start3A_1064 : memref<40000x128xf32, #tpu.memory_space<hbm>>) target(%arg18 : memref<64x128xf32, #tpu.memory_space<vmem>>) offsets(%dma_start3A_1061 : memref<64xi32, #tpu.memory_space<vmem>>) semaphore(%arg19 : memref<!tpu.dma_semaphore, #tpu.memory_space<semaphore_mem>>)
    %dma_wait3A_1065 = arith.constant 2 : i32
    %dma_wait3A_1066 = arith.constant 0 : i32
    %dma_wait3A_1067 = tpu.memref_slice %arg12[%dma_wait3A_1065, %dma_wait3A_1066] : memref<4x64xi32, #tpu.memory_space<vmem>> -> memref<1x64xi32, #tpu.memory_space<vmem>>
    %dma_wait3A_1068 = tpu.memref_squeeze %dma_wait3A_1067 : memref<1x64xi32, #tpu.memory_space<vmem>> -> memref<64xi32, #tpu.memory_space<vmem>>
    %dma_wait3A_1069 = arith.constant 0 : i32
    %dma_wait3A_1070 = arith.constant 0 : i32
    %dma_wait3A_1071 = tpu.memref_slice %arg5[%dma_wait3A_1069, %dma_wait3A_1070] : memref<40000x128xf32, #tpu.memory_space<hbm>> -> memref<40000x128xf32, #tpu.memory_space<hbm>>
    tpu.wait_indirect_dma semaphore(%arg19 : memref<!tpu.dma_semaphore, #tpu.memory_space<semaphore_mem>>) src(%dma_wait3A_1071 : memref<40000x128xf32, #tpu.memory_space<hbm>>) dst(%arg17 : memref<64x128xf32, #tpu.memory_space<vmem>>)
    %add3A_1072 = arith.constant 128 : i32
    %add3A_1073 = arith.addi %mul3A_2, %add3A_1072 : i32
    %dma_start3A_1074 = arith.constant 0 : i32
    %dma_start3A_1075 = tpu.memref_slice %arg8[%add3A_1073, %dma_start3A_1074] : memref<8192x128xf32, #tpu.memory_space<hbm>> -> memref<64x128xf32, #tpu.memory_space<hbm>>
    %dma_start3A_1076 = arith.constant 0 : i32
    %dma_start3A_1077 = tpu.memref_slice %arg8[%add3A_1073, %dma_start3A_1076] : memref<8192x128xf32, #tpu.memory_space<hbm>> -> memref<64x128xf32, #tpu.memory_space<hbm>>
    tpu.enqueue_dma source(%arg17 : memref<64x128xf32, #tpu.memory_space<vmem>>) target(%dma_start3A_1077 : memref<64x128xf32, #tpu.memory_space<hbm>>) target_semaphore(%arg20 : memref<!tpu.dma_semaphore, #tpu.memory_space<semaphore_mem>>)
    %dma_wait3A_1078 = arith.constant 3 : i32
    %dma_wait3A_1079 = arith.constant 0 : i32
    %dma_wait3A_1080 = tpu.memref_slice %arg12[%dma_wait3A_1078, %dma_wait3A_1079] : memref<4x64xi32, #tpu.memory_space<vmem>> -> memref<1x64xi32, #tpu.memory_space<vmem>>
    %dma_wait3A_1081 = tpu.memref_squeeze %dma_wait3A_1080 : memref<1x64xi32, #tpu.memory_space<vmem>> -> memref<64xi32, #tpu.memory_space<vmem>>
    %dma_wait3A_1082 = arith.constant 0 : i32
    %dma_wait3A_1083 = arith.constant 0 : i32
    %dma_wait3A_1084 = tpu.memref_slice %arg5[%dma_wait3A_1082, %dma_wait3A_1083] : memref<40000x128xf32, #tpu.memory_space<hbm>> -> memref<40000x128xf32, #tpu.memory_space<hbm>>
    tpu.wait_indirect_dma semaphore(%arg19 : memref<!tpu.dma_semaphore, #tpu.memory_space<semaphore_mem>>) src(%dma_wait3A_1084 : memref<40000x128xf32, #tpu.memory_space<hbm>>) dst(%arg18 : memref<64x128xf32, #tpu.memory_space<vmem>>)
    %add3A_1085 = arith.constant 192 : i32
    %add3A_1086 = arith.addi %mul3A_2, %add3A_1085 : i32
    %dma_start3A_1087 = arith.constant 0 : i32
    %dma_start3A_1088 = tpu.memref_slice %arg8[%add3A_1086, %dma_start3A_1087] : memref<8192x128xf32, #tpu.memory_space<hbm>> -> memref<64x128xf32, #tpu.memory_space<hbm>>
    %dma_start3A_1089 = arith.constant 0 : i32
    %dma_start3A_1090 = tpu.memref_slice %arg8[%add3A_1086, %dma_start3A_1089] : memref<8192x128xf32, #tpu.memory_space<hbm>> -> memref<64x128xf32, #tpu.memory_space<hbm>>
    tpu.enqueue_dma source(%arg18 : memref<64x128xf32, #tpu.memory_space<vmem>>) target(%dma_start3A_1090 : memref<64x128xf32, #tpu.memory_space<hbm>>) target_semaphore(%arg20 : memref<!tpu.dma_semaphore, #tpu.memory_space<semaphore_mem>>)
    %dma_wait3A_1091 = arith.constant 0 : i32
    %dma_wait3A_1092 = tpu.memref_slice %arg8[%add3A_1073, %dma_wait3A_1091] : memref<8192x128xf32, #tpu.memory_space<hbm>> -> memref<64x128xf32, #tpu.memory_space<hbm>>
    %dma_wait3A_1093 = arith.constant 0 : i32
    %dma_wait3A_1094 = tpu.memref_slice %arg8[%add3A_1073, %dma_wait3A_1093] : memref<8192x128xf32, #tpu.memory_space<hbm>> -> memref<64x128xf32, #tpu.memory_space<hbm>>
    tpu.wait_dma2 semaphore(%arg20 : memref<!tpu.dma_semaphore, #tpu.memory_space<semaphore_mem>>) src(%arg17 : memref<64x128xf32, #tpu.memory_space<vmem>>) dst(%dma_wait3A_1094 : memref<64x128xf32, #tpu.memory_space<hbm>>)
    %dma_wait3A_1095 = arith.constant 0 : i32
    %dma_wait3A_1096 = tpu.memref_slice %arg8[%add3A_1086, %dma_wait3A_1095] : memref<8192x128xf32, #tpu.memory_space<hbm>> -> memref<64x128xf32, #tpu.memory_space<hbm>>
    %dma_wait3A_1097 = arith.constant 0 : i32
    %dma_wait3A_1098 = tpu.memref_slice %arg8[%add3A_1086, %dma_wait3A_1097] : memref<8192x128xf32, #tpu.memory_space<hbm>> -> memref<64x128xf32, #tpu.memory_space<hbm>>
    tpu.wait_dma2 semaphore(%arg20 : memref<!tpu.dma_semaphore, #tpu.memory_space<semaphore_mem>>) src(%arg18 : memref<64x128xf32, #tpu.memory_space<vmem>>) dst(%dma_wait3A_1098 : memref<64x128xf32, #tpu.memory_space<hbm>>)
    return
  }
}

module attributes {stable_mosaic.version = 14 : i64} {
  func.func @_tc_body(%arg0: i32, %arg1: memref<512x1xi32, #tpu.memory_space<vmem>>, %arg2: memref<512x1024xf32, #tpu.memory_space<vmem>>, %arg3: memref<512x256xf32, #tpu.memory_space<vmem>>, %arg4: memref<512x128xf32, #tpu.memory_space<vmem>>, %arg5: memref<1024x1024xbf16, #tpu.memory_space<vmem>>, %arg6: memref<256x1024xbf16, #tpu.memory_space<vmem>>, %arg7: memref<128x1024xbf16, #tpu.memory_space<vmem>>, %arg8: memref<512x1024xf32, #tpu.memory_space<vmem>>) attributes {dimension_semantics = [#tpu.dimension_semantics<arbitrary>], iteration_bounds = array<i64: 16>, scalar_prefetch = 0 : i64, scratch_operands = 0 : i64, tpu.core_type = #tpu.core_type<tc>, window_params = [{transform_indices = @transform_0, window_bounds = array<i64: 512, 1>}, {transform_indices = @transform_1, window_bounds = array<i64: 512, 1024>}, {transform_indices = @transform_2, window_bounds = array<i64: 512, 256>}, {transform_indices = @transform_3, window_bounds = array<i64: 512, 128>}, {pipeline_mode = #tpu.pipeline_mode<synchronous>, transform_indices = @transform_4, window_bounds = array<i64: 1024, 1024>}, {pipeline_mode = #tpu.pipeline_mode<synchronous>, transform_indices = @transform_5, window_bounds = array<i64: 256, 1024>}, {pipeline_mode = #tpu.pipeline_mode<synchronous>, transform_indices = @transform_6, window_bounds = array<i64: 128, 1024>}, {transform_indices = @transform_7, window_bounds = array<i64: 512, 1024>}]} {
    %get3A = arith.constant 0 : index
    %get3A_0 = arith.constant 0 : index
    %get3A_1 = vector.load %arg1[%get3A, %get3A_0] : memref<512x1xi32, #tpu.memory_space<vmem>>, vector<512x1xi32>
    %lt3A = arith.constant 20000 : i32
    %lt3A_2 = vector.broadcast %lt3A : i32 to vector<512x1xi32>
    %lt3A_3 = arith.cmpi slt, %get3A_1, %lt3A_2 : vector<512x1xi32>
    %convert_element_type3A = arith.extui %lt3A_3 : vector<512x1xi1> to vector<512x1xi32>
    %convert_element_type3A_4 = arith.sitofp %convert_element_type3A : vector<512x1xi32> to vector<512x1xf32>
    %convert_element_type3A_5 = arith.truncf %convert_element_type3A_4 : vector<512x1xf32> to vector<512x1xbf16>
    %ge3A = arith.constant 20000 : i32
    %ge3A_6 = vector.broadcast %ge3A : i32 to vector<512x1xi32>
    %ge3A_7 = arith.cmpi sge, %get3A_1, %ge3A_6 : vector<512x1xi32>
    %lt3A_8 = arith.constant 60000 : i32
    %lt3A_9 = vector.broadcast %lt3A_8 : i32 to vector<512x1xi32>
    %lt3A_10 = arith.cmpi slt, %get3A_1, %lt3A_9 : vector<512x1xi32>
    %and3A = arith.andi %ge3A_7, %lt3A_10 : vector<512x1xi1>
    %convert_element_type3A_11 = arith.extui %and3A : vector<512x1xi1> to vector<512x1xi32>
    %convert_element_type3A_12 = arith.sitofp %convert_element_type3A_11 : vector<512x1xi32> to vector<512x1xf32>
    %convert_element_type3A_13 = arith.truncf %convert_element_type3A_12 : vector<512x1xf32> to vector<512x1xbf16>
    %ge3A_14 = arith.constant 60000 : i32
    %ge3A_15 = vector.broadcast %ge3A_14 : i32 to vector<512x1xi32>
    %ge3A_16 = arith.cmpi sge, %get3A_1, %ge3A_15 : vector<512x1xi32>
    %convert_element_type3A_17 = arith.extui %ge3A_16 : vector<512x1xi1> to vector<512x1xi32>
    %convert_element_type3A_18 = arith.sitofp %convert_element_type3A_17 : vector<512x1xi32> to vector<512x1xf32>
    %convert_element_type3A_19 = arith.truncf %convert_element_type3A_18 : vector<512x1xf32> to vector<512x1xbf16>
    %get3A_20 = arith.constant 0 : index
    %get3A_21 = arith.constant 0 : index
    %get3A_22 = vector.load %arg2[%get3A_20, %get3A_21] : memref<512x1024xf32, #tpu.memory_space<vmem>>, vector<512x1024xf32>
    %convert_element_type3A_23 = arith.truncf %get3A_22 : vector<512x1024xf32> to vector<512x1024xbf16>
    %mul3A = vector.broadcast %convert_element_type3A_5 : vector<512x1xbf16> to vector<512x1024xbf16>
    %mul3A_24 = arith.mulf %convert_element_type3A_23, %mul3A : vector<512x1024xbf16>
    %get3A_25 = arith.constant 0 : index
    %get3A_26 = arith.constant 0 : index
    %get3A_27 = vector.load %arg3[%get3A_25, %get3A_26] : memref<512x256xf32, #tpu.memory_space<vmem>>, vector<512x256xf32>
    %convert_element_type3A_28 = arith.truncf %get3A_27 : vector<512x256xf32> to vector<512x256xbf16>
    %mul3A_29 = vector.broadcast %convert_element_type3A_13 : vector<512x1xbf16> to vector<512x256xbf16>
    %mul3A_30 = arith.mulf %convert_element_type3A_28, %mul3A_29 : vector<512x256xbf16>
    %get3A_31 = arith.constant 0 : index
    %get3A_32 = arith.constant 0 : index
    %get3A_33 = vector.load %arg4[%get3A_31, %get3A_32] : memref<512x128xf32, #tpu.memory_space<vmem>>, vector<512x128xf32>
    %convert_element_type3A_34 = arith.truncf %get3A_33 : vector<512x128xf32> to vector<512x128xbf16>
    %mul3A_35 = vector.broadcast %convert_element_type3A_19 : vector<512x1xbf16> to vector<512x128xbf16>
    %mul3A_36 = arith.mulf %convert_element_type3A_34, %mul3A_35 : vector<512x128xbf16>
    %get3A_37 = arith.constant 0 : index
    %get3A_38 = arith.constant 0 : index
    %get3A_39 = vector.load %arg5[%get3A_37, %get3A_38] : memref<1024x1024xbf16, #tpu.memory_space<vmem>>, vector<1024x1024xbf16>
    %dot_general3A = arith.constant dense<0.000000e+00> : vector<512x1024xf32>
    %dot_general3A_40 = tpu.matmul %mul3A_24, %get3A_39, %dot_general3A {dimension_numbers = #tpu.dot_dimension_numbers<[1], [0], [0], [1], [0, 0, 1, 1], [], []>, transpose_lhs_hint = false} : vector<512x1024xbf16>, vector<1024x1024xbf16>, vector<512x1024xf32> -> vector<512x1024xf32>
    %get3A_41 = arith.constant 0 : index
    %get3A_42 = arith.constant 0 : index
    %get3A_43 = vector.load %arg6[%get3A_41, %get3A_42] : memref<256x1024xbf16, #tpu.memory_space<vmem>>, vector<256x1024xbf16>
    %dot_general3A_44 = arith.constant dense<0.000000e+00> : vector<512x1024xf32>
    %dot_general3A_45 = tpu.matmul %mul3A_30, %get3A_43, %dot_general3A_44 {dimension_numbers = #tpu.dot_dimension_numbers<[1], [0], [0], [1], [0, 0, 1, 1], [], []>, transpose_lhs_hint = false} : vector<512x256xbf16>, vector<256x1024xbf16>, vector<512x1024xf32> -> vector<512x1024xf32>
    %add3A = arith.addf %dot_general3A_40, %dot_general3A_45 : vector<512x1024xf32>
    %get3A_46 = arith.constant 0 : index
    %get3A_47 = arith.constant 0 : index
    %get3A_48 = vector.load %arg7[%get3A_46, %get3A_47] : memref<128x1024xbf16, #tpu.memory_space<vmem>>, vector<128x1024xbf16>
    %dot_general3A_49 = arith.constant dense<0.000000e+00> : vector<512x1024xf32>
    %dot_general3A_50 = tpu.matmul %mul3A_36, %get3A_48, %dot_general3A_49 {dimension_numbers = #tpu.dot_dimension_numbers<[1], [0], [0], [1], [0, 0, 1, 1], [], []>, transpose_lhs_hint = false} : vector<512x128xbf16>, vector<128x1024xbf16>, vector<512x1024xf32> -> vector<512x1024xf32>
    %add3A_51 = arith.addf %add3A, %dot_general3A_50 : vector<512x1024xf32>
    %swap3A = arith.constant 0 : index
    %swap3A_52 = arith.constant 0 : index
    %swap3A_53 = vector.load %arg8[%swap3A, %swap3A_52] : memref<512x1024xf32, #tpu.memory_space<vmem>>, vector<512x1024xf32>
    tpu.vector_store %arg8[%swap3A, %swap3A_52], %add3A_51 {strides = array<i32>} : memref<512x1024xf32, #tpu.memory_space<vmem>>, vector<512x1024xf32>,
    return
  }
  func.func @transform_0(%arg0: i32) -> (i32, i32) {
    %c0_i32 = arith.constant 0 : i32
    %c0_i32_0 = arith.constant 0 : i32
    return %arg0, %c0_i32 : i32, i32
  }
  func.func @transform_1(%arg0: i32) -> (i32, i32) {
    %c0_i32 = arith.constant 0 : i32
    %c0_i32_0 = arith.constant 0 : i32
    return %arg0, %c0_i32 : i32, i32
  }
  func.func @transform_2(%arg0: i32) -> (i32, i32) {
    %c0_i32 = arith.constant 0 : i32
    %c0_i32_0 = arith.constant 0 : i32
    return %arg0, %c0_i32 : i32, i32
  }
  func.func @transform_3(%arg0: i32) -> (i32, i32) {
    %c0_i32 = arith.constant 0 : i32
    %c0_i32_0 = arith.constant 0 : i32
    return %arg0, %c0_i32 : i32, i32
  }
  func.func @transform_4(%arg0: i32) -> (i32, i32) {
    %c0_i32 = arith.constant 0 : i32
    %c0_i32_0 = arith.constant 0 : i32
    %c0_i32_1 = arith.constant 0 : i32
    return %c0_i32, %c0_i32_0 : i32, i32
  }
  func.func @transform_5(%arg0: i32) -> (i32, i32) {
    %c0_i32 = arith.constant 0 : i32
    %c0_i32_0 = arith.constant 0 : i32
    %c0_i32_1 = arith.constant 0 : i32
    return %c0_i32, %c0_i32_0 : i32, i32
  }
  func.func @transform_6(%arg0: i32) -> (i32, i32) {
    %c0_i32 = arith.constant 0 : i32
    %c0_i32_0 = arith.constant 0 : i32
    %c0_i32_1 = arith.constant 0 : i32
    return %c0_i32, %c0_i32_0 : i32, i32
  }
  func.func @transform_7(%arg0: i32) -> (i32, i32) {
    %c0_i32 = arith.constant 0 : i32
    %c0_i32_0 = arith.constant 0 : i32
    return %arg0, %c0_i32 : i32, i32
  }
}

</mosaic_0001>

<sc_bundles>
// kernel: _run.4.cloned.1.call-start
scs
__scs_entry_jumppad:
0x0: {  	(pc) =	sbr.rel $0x88, $3  }
0x1: {  	(tag) =	ssettag $0x0;
	lr =	simm.s32 $0x1  }
0x2: {  	[smem:$0x3F9A] =	sst lr;
	_ =	strace $0xD0000000  }
0x3: {  	_ = 	snop  }
0x4: {  	_ = 	snop  }
0x5: {  	_ = 	snop  }
0x6: {  	_ = 	snop  }
0x7: {  	_ = 	snop  }
__scs_overlays_trampoline_lowered:
0x8: {  	[smem:$0x3FA9] =	sst s0  }
0x9: {  	[smem:$0x3FAA] =	sst s1  }
0xa: {  	[smem:$0x3FAB] =	sst s2  }
0xb: {  	[smem:$0x3FAC] =	sst s3  }
0xc: {  	[smem:$0x3FAD] =	sst s4  }
0xd: {  	[smem:$0x3FAE] =	sst s5  }
0xe: {  	[smem:$0x3FAF] =	sst s6  }
0xf: {  	[smem:$0x3FB0] =	sst s7  }
0x10: {  	[smem:$0x3FB1] =	sst s8  }
0x11: {  	[smem:$0x3FB2] =	sst s9;
	s0 =	simm.s32 @!p0 $0x0  }
0x12: {  	s1 =	sld [smem:$0x3F98];
	s0 =	simm.s32 @p0 $0x1  }
0x13: {  	[smem:$0x3FB3] =	sst s0;
	s0 =	simm.s32 @!p1 $0x0  }
0x14: {  	s2 =	sld [smem:$0x3F97];
	s0 =	simm.s32 @p1 $0x1  }
0x15: {  	[smem:$0x3FB4] =	sst s0;
	s0 =	simm.s32 @!p2 $0x0  }
0x16: {  	s3 =	sld [smem:$0x3FDB];
	s0 =	simm.s32 @p2 $0x1  }
0x17: {  	s4 =	simm.s32 $0x1BF5;
	[smem:$0x3FB6] =	sst s0  }
0x18: {  	s0 =	sld [smem:$0x3F99];
	_ =	swait.ge [sflag:s4], $0x0  }
0x19: {  	s7 =	sld [smem:$0x3F9A]  }
0x1a: {  	s8 =	sadd.s32 $0xFFFFE003, lr  }
0x1b: {  	s9 =	sadd.s32 $0xFFFFFEF7, lr;
	s5 =	simm.s32 $0xFFFFFFFF;
	p2 =	slt.u32 s8, $0xFFFFF086  }
0x1c: {  	p1 =	slt.u32 s9, $0xF7A;
	s5 =	simm.s32 @!p2 $0x0  }
0x1d: {  	s5 =	simm.s32 @p1 $0x1;
	p0 =	seq.s32 s7, s2  }
0x1e: {  	s7 =	smul.u32 @!p0 $0xF7A, s2;
	p2 =	seq.s32 @!p0 s5, $0x0  }
0x1f: {  	s9 =	smul.u32 $0xF7A, s1;
	s8 =	simm.s32 @!p0 $0x1BF5;
	p2 =	por !p2, p0  }
0x20: {  	[sflag:s8] =	ssyncset.s32 @!p0 $0xFFFFF086;
	s6 =	sadd.s32 @!p0 s3, s7;
	s7 =	simm.s32 @!p0 $0x108  }
0x21: {  	s3 =	sadd.s32 s3, s9;
	s6 =	sadd.s32 @!p0 $0x88, s6;
	s7 =	simm.s32 @p2 $0x1082  }
0x22: {  	[simem:s7], [sflag:s8] =	dma.local @!p0 [hbm:s6], $0xF7A  }
0x23: {  	s9 =	sor.u32 $0xD0000000, s2;
	s6 =	simm.s32 $0x108;
	_ =	swait.ge @!p0 [sflag:s8], $0x0  }
0x24: {  	s3 =	sadd.s32 $0x88, s3;
	s6 =	simm.s32 @!p1 $0x1082;
	[sflag:s4] =	ssyncset.s32 $0xFFFFF086  }
0x25: {  	[simem:s6], [sflag:s4] =	dma.local [hbm:s3], $0xF7A  }
0x26: {  	[smem:$0x3F9A] =	sst s1;
	(tag) =	ssettag s2;
	_ =	strace s9  }
0x27: {  	s1 =	sld [smem:$0x3FAA]  }
0x28: {  	s2 =	sld [smem:$0x3FAB]  }
0x29: {  	s4 =	sld [smem:$0x3FAD]  }
0x2a: {  	p0 =	seq.s32 s5, $0x0;
	s5 =	sld [smem:$0x3FAE]  }
0x2b: {  	s6 =	sld [smem:$0x3FAF]  }
0x2c: {  	s7 =	sld [smem:$0x3FB0]  }
0x2d: {  	s3 =	simm.s32 $0x108;
	s8 =	sld [smem:$0x3FB1]  }
0x2e: {  	s3 =	simm.s32 @!p0 $0x1082;
	s9 =	sld [smem:$0x3FB2]  }
0x2f: {  	lr =	sadd.s32 s0, s3;
	s0 =	sld [smem:$0x3FA9]  }
0x30: {  	s3 =	sld [smem:$0x3FAC]  }
0x31: {  	[smem:$0x3FB5] =	sst s10  }
0x32: {  	s10 =	sld [smem:$0x3FB3];
	_ =	sdelay $0x3  }
0x33: {  	p0 =	seq.s32 s10, $0x1;
	s10 =	sld [smem:$0x3FB5];
	_ =	sdelay $0x3  }
0x34: {  	[smem:$0x3FB5] =	sst s10  }
0x35: {  	s10 =	sld [smem:$0x3FB4];
	_ =	sdelay $0x3  }
0x36: {  	p1 =	seq.s32 s10, $0x1;
	s10 =	sld [smem:$0x3FB5];
	_ =	sdelay $0x3  }
0x37: {  	[smem:$0x3FB5] =	sst s10  }
0x38: {  	s10 =	sld [smem:$0x3FB6]  }
0x39: {  	_ = 	snop;
	(pc) =	sbr.ind lr, $3  }
0x3a: {  	_ = 	snop  }
0x3b: {  	_ = 	snop  }
0x3c: {  	p2 =	seq.s32 s10, $0x1;
	s10 =	sld [smem:$0x3FB5]  }
0x3d: {  	_ =	shalt  }
0x3e: {  	_ =	shalt  }
0x3f: {  	_ =	shalt  }
0x40: {  	_ =	shalt  }
0x41: {  	_ =	shalt  }
0x42: {  	_ =	shalt  }
0x43: {  	_ =	shalt  }
0x44: {  	_ =	shalt  }
0x45: {  	_ =	shalt  }
0x46: {  	_ =	shalt  }
0x47: {  	_ =	shalt  }
0x48: {  	_ =	shalt  }
0x49: {  	_ =	shalt  }
0x4a: {  	_ =	shalt  }
0x4b: {  	_ =	shalt  }
0x4c: {  	_ =	shalt  }
0x4d: {  	_ =	shalt  }
0x4e: {  	_ =	shalt  }
0x4f: {  	_ =	shalt  }
0x50: {  	_ =	shalt  }
0x51: {  	_ =	shalt  }
0x52: {  	_ =	shalt  }
0x53: {  	_ =	shalt  }
0x54: {  	_ =	shalt  }
0x55: {  	_ =	shalt  }
0x56: {  	_ =	shalt  }
0x57: {  	_ =	shalt  }
0x58: {  	_ =	shalt  }
0x59: {  	_ =	shalt  }
0x5a: {  	_ =	shalt  }
0x5b: {  	_ =	shalt  }
0x5c: {  	_ =	shalt  }
0x5d: {  	_ =	shalt  }
0x5e: {  	_ =	shalt  }
0x5f: {  	_ =	shalt  }
0x60: {  	_ =	shalt  }
0x61: {  	_ =	shalt  }
0x62: {  	_ =	shalt  }
0x63: {  	_ =	shalt  }
0x64: {  	_ =	shalt  }
0x65: {  	_ =	shalt  }
0x66: {  	_ =	shalt  }
0x67: {  	_ =	shalt  }
0x68: {  	_ =	shalt  }
0x69: {  	_ =	shalt  }
0x6a: {  	_ =	shalt  }
0x6b: {  	_ =	shalt  }
0x6c: {  	_ =	shalt  }
0x6d: {  	_ =	shalt  }
0x6e: {  	_ =	shalt  }
0x6f: {  	_ =	shalt  }
0x70: {  	_ =	shalt  }
0x71: {  	_ =	shalt  }
0x72: {  	_ =	shalt  }
0x73: {  	_ =	shalt  }
0x74: {  	_ =	shalt  }
0x75: {  	_ =	shalt  }
0x76: {  	_ =	shalt  }
0x77: {  	_ =	shalt  }
0x78: {  	_ =	shalt  }
0x79: {  	_ =	shalt  }
0x7a: {  	_ =	shalt  }
0x7b: {  	_ =	shalt  }
0x7c: {  	_ =	shalt  }
0x7d: {  	_ =	shalt  }
0x7e: {  	_ =	shalt  }
0x7f: {  	_ =	shalt  }
0x80: {  	_ =	shalt  }
0x81: {  	_ =	shalt  }
0x82: {  	_ =	shalt  }
0x83: {  	_ =	shalt  }
0x84: {  	_ =	shalt  }
0x85: {  	_ =	shalt  }
0x86: {  	_ =	shalt  }
0x87: {  	_ =	shalt  }
.Lfunc_end0:
.L_simem_size_0:
called_computation_lowered:
.L_overlay_start_0:
0x88: {  	s2 =	sld [smem:$0x3FD9]  }
0x89: {  	s3 =	sld [smem:$0x3FFE];
	_ =	sdelay $0x1  }
0x8a: {  	s1 =	srdreg.scid  }
0x8b: {  	s0 =	sand.u32 $0x1, s1  }
0x8c: {  	s17 =	sshll.u32 s0, $0xA;
	s2 =	sadd.s32 s3, s2  }
0x8d: {  	s2 =	sadd.s32 s2, s17  }
0x8e: {  	[smem:$0x3FC1] =	sst s2  }
0x8f: {  	_ = 	snop  }
0x90: {  	s2 =	sld [smem:$0x3FC9]  }
0x91: {  	s18 =	sld [smem:$0x3FC8]  }
0x92: {  	s4 =	sld [smem:$0x3FC6]  }
0x93: {  	s5 =	sld [smem:$0x3FC4]  }
0x94: {  	s6 =	sld [smem:$0x3FD0];
	(tm) =	ssettm $0x1  }
0x95: {  	s7 =	sld [smem:$0x3FFB];
	_ =	sdelay $0x3  }
0x96: {  	_ =	strace s7  }
0x97: {  	s7 =	sld [smem:$0x3FFC];
	_ =	sdelay $0x3  }
0x98: {  	_ =	strace s7  }
0x99: {  	s7 =	sld [smem:$0x3FFD];
	_ =	sdelay $0x3  }
0x9a: {  	_ =	strace s7  }
0x9b: {  	_ =	strace $0x8FFFFFFF  }
0x9c: {  	s19 =	sld [smem:$0x3FDB];
	_ =	sdelay $0x1  }
0x9d: {  	s8 =	simm.s32 $_scs_section_size  }
0x9e: {  	s9 =	simm.s32 $_size__tile_overlayer_lowered;
	s10 =	simm.s32 $_tile_overlayer_lowered  }
0x9f: {  	s22 =	simm.s32 $0x1BFF;
	s21 =	sshll.u32 s10, $0x1;
	s7 =	sadd.s32 s8, s19  }
0xa0: {  	s11 =	simm.s32 $0x0;
	s20 =	sshll.u32 s9, $0x1;
	s9 =	sadd.s32 s21, s7  }
0xa1: {  	[timem:s11], [sflag:s22] =	dma.local [hbm:s9], s20  }
0xa2: {  	_ =	swait.ge [sflag:s22], s20  }
0xa3: {  	s8 =	ssub.s32 $0x0, s20;
	[sflag:s22] =	ssyncset.done $0x0  }
0xa4: {  	[sflag:s22] =	ssyncadd.s32 s8;
	_ =	sdelay $0x1  }
0xa5: {  	s23 =	simm.s32 $0x1B8B  }
0xa6: {  	_ =	swait.ge [sflag:s23], $0x1  }
0xa7: {  	[sflag:s23] =	ssyncset.done $0x0  }
0xa8: {  	s25 =	simm.s32 $0x1B8E;
	s24 =	sld [smem:$0x3FFE];
	[sflag:s23] =	ssyncadd.s32 $0xFFFFFFFF  }
0xa9: {  	s26 =	simm.s32 $execute0_lowered;
	[smem:$0x3FD2] =	sst s25  }
0xaa: {  	s9 =	sshll.u32 s26, $0x1;
	_ =	strace $0x80000046;
	[dreg:$0x1] =	wrdreg $0xFFFFFFFF  }
0xab: {  	s28 =	simm.s32 $_size_execute0_lowered;
	s7 =	sadd.s32 s7, s9;
	[dreg:$0x0] =	wrdreg $0x0  }
0xac: {  	s9 =	sshll.u32 s28, $0x1;
	[dreg:$0x2] =	wrdreg s7  }
0xad: {  	[dreg:$0x3] =	wrdreg s9  }
0xae: {  	[dreg:$0x4] =	wrdreg $0xC0  }
0xaf: {  	_ =	task [dreg:s11], $0x5FFFF  }
0xb0: {  	[dreg:$0x1] =	wrdreg $0xFFFFFFFF  }
0xb1: {  	[dreg:$0x0] =	wrdreg $0x60  }
0xb2: {  	[dreg:$0x2] =	wrdreg s2  }
0xb3: {  	[dreg:$0x3] =	wrdreg s18  }
0xb4: {  	[dreg:$0x4] =	wrdreg s4  }
0xb5: {  	[dreg:$0x5] =	wrdreg s5  }
0xb6: {  	[dreg:$0x6] =	wrdreg s24  }
0xb7: {  	[dreg:$0x7] =	wrdreg s6  }
0xb8: {  	[dreg:$0x8] =	wrdreg $0x9  }
0xb9: {  	_ =	task.clear_ibuf [dreg:s11], $0x9FFFF;
	_ =	strace $0x90000046  }
0xba: {  	s29 =	simm.s32 $0x9;
	_ =	strace $0x80000048  }
0xbb: {  	_ =	swait.ge [sflag:s29], $0x1  }
0xbc: {  	[sflag:s29] =	ssyncadd.s32 $0xFFFFFFFF  }
0xbd: {  	_ =	strace $0x90000048  }
0xbe: {  	_ =	sfence  }
0xbf: {  	s30 =	sld [smem:$0x0];
	_ =	sdelay $0x2  }
0xc0: {  	s31 =	sshll.u32 s1, $0xD;
	s1 =	sshrl.u32 s1, $0x2  }
0xc1: {  	s3 =	sand.u32 $0x4000, s31;
	s1 =	sadd.s32 s1, s30  }
0xc2: {  	s0 =	sor.u32 s3, s0;
	s1 =	sshll.u32 s1, $0x11  }
0xc3: {  	s0 =	sor.u32 s1, s0  }
0xc4: {  	s0 =	sadd.s32 $0x8F2B, s0  }
0xc5: {  	[sflag:s0] =	ssyncadd.remote.s32 $0x1  }
0xc6: {  	_ =	sfence.sel $0xFFFF  }
0xc7: {  	[dreg:$0x0] =	wrdreg $0xFFFFFFFF;
	(pc) =	sbr.abs _section_cstart, $3  }
0xc8: {  	[dreg:$0x1] =	wrdreg $0xFFFFFFFF  }
0xc9: {  	_ =	task.clear_ibuf [dreg:s11], $0x2FFFF;
	_ =	strace $0x9FFFFFFF  }
0xca: {  	(tm) =	ssettm $0x7FFFFFFF  }
0xcb: {  	_ =	shalt  }
tec
execute0_lowered:
.L_overlay_start_1:
0x0: {  	(tag) =	ssettag $0x1  }
0x1: {  	s0 =	rddreg [dreg:$0x0]  }
0x2: {  	s1 =	rddreg [dreg:$0x1]  }
0x3: {  	s2 =	rddreg [dreg:$0x2]  }
0x4: {  	s3 =	rddreg [dreg:$0x4]  }
0x5: {  	s4 =	rddreg [dreg:$0x5]  }
0x6: {  	s5 =	simm.s32 $0x0;
	s6 =	srdreg.scid;
	s8 =	stileid.u32  }
0x7: {  	s29 =	simm.s32 $0x900;
	[smem:$0x7FF] =	sst s5;
	s6 =	sand.u32 $0x1, s6  }
0x8: {  	s7 =	sadd.s32 $0x21400, s3;
	s8 =	sshll.u32 s8, $0x9;
	s9 =	sshll.u32 s6, $0x8  }
0x9: {  	s3 =	sadd.s32 $0x1400, s3;
	s6 =	ssub.s32 $0x2, s6;
	s8 =	sor.u32 s9, s8  }
0xa: {  	_ =	strace $0x80000047;
	s19 =	sshrl.u32 s6, $0x1;
	s10 =	sshrl.u32 s8, $0x3  }
0xb: {  	s11 =	sshll.u32 s8, $0x7;
	s6 =	ssub.s32 s6, s19;
	s0 =	sadd.s32 s0, s10  }
0xc: {  	s18 =	sshll.u32 s8, $0x4;
	s14 =	sadd.s32 s7, s11;
	[dreg:$0x7] =	wrdreg s0  }
0xd: {  	s31 =	sshll.u32 s8, $0x5;
	s19 =	sadd.s32 s3, s18;
	[dreg:$0x1b] =	wrdreg s14  }
0xe: {  	s11 =	sor.u32 $0x8, s10;
	s20 =	sadd.s32 $0x1000, s14;
	[dreg:$0x13] =	wrdreg s19  }
0xf: {  	s22 =	sor.u32 $0x10, s10;
	s23 =	sadd.s32 $0x3000, s14;
	[dreg:$0x8] =	wrdreg s20  }
0x10: {  	s10 =	sor.u32 $0x18, s10;
	s25 =	sadd.s32 $0x5000, s14;
	[dreg:$0xa] =	wrdreg s23  }
0x11: {  	s12 =	sshll.u32 s11, $0xA;
	s30 =	sadd.s32 $0x7000, s14;
	[dreg:$0xc] =	wrdreg s25  }
0x12: {  	s13 =	sshll.u32 s22, $0xA;
	s21 =	sadd.s32 s7, s12;
	[dreg:$0xe] =	wrdreg s30  }
0x13: {  	s26 =	sshll.u32 s10, $0xA;
	s24 =	sadd.s32 s7, s13;
	[dreg:$0x9] =	wrdreg s21  }
0x14: {  	s8 =	sadd.s32 $0x200, s1;
	s28 =	sadd.s32 s7, s26;
	[dreg:$0xb] =	wrdreg s24  }
0x15: {  	s9 =	sshll.u32 s11, $0x8;
	s7 =	sadd.s32 s4, s31;
	[dreg:$0xd] =	wrdreg s28  }
0x16: {  	s14 =	sshll.u32 s22, $0x8;
	s13 =	sadd.s32 s4, s9;
	[dreg:$0xf] =	wrdreg s7  }
0x17: {  	s16 =	sshll.u32 s10, $0x8;
	s15 =	sadd.s32 s4, s14;
	[dreg:$0x10] =	wrdreg s13  }
0x18: {  	s22 =	sshll.u32 s22, $0x7;
	s17 =	sadd.s32 s4, s16;
	[dreg:$0x11] =	wrdreg s15  }
0x19: {  	s20 =	sshll.u32 s11, $0x7;
	s23 =	sadd.s32 s3, s22;
	[dreg:$0x12] =	wrdreg s17  }
0x1a: {  	s9 =	sadd.s32 $0x300, s1;
	s26 =	simm.s32 $0x700;
	[dreg:$0x15] =	wrdreg s23  }
0x1b: {  	s30 =	simm.s32 $0x800;
	s31 =	simm.s32 $0x880;
	[dreg:$0x17] =	wrdreg s26  }
0x1c: {  	s22 =	simm.s32 $0x2;
	s21 =	sadd.s32 s3, s20;
	[dreg:$0x19] =	wrdreg s30  }
0x1d: {  	s24 =	sshll.u32 s10, $0x7;
	s7 =	sadd.s32 $0x100, s1;
	[dreg:$0x1a] =	wrdreg s31  }
0x1e: {  	v2 =	vlaneseq.u32;
	s28 =	simm.s32 $0x780;
	s26 =	simm.s32 $0x2100;
	[dreg:$0x14] =	wrdreg s21  }
0x1f: {  	vm0 =	vmmov $0xffff;
	v1 =	vshrl.u32 v2, $0x3;
	s25 =	sadd.s32 s3, s24;
	s3 =	smax.u32 s6, $0x1;
	[dreg:$0x18] =	wrdreg s28  }
0x20: {  	v0 =	vand.u32 $0x7, v2;
	v2 =	vor.u32 $0x8, v2;
	v1 =	vmul.u32 $0x8, v1;
	s21 =	simm.s32 $0x1;
	[dreg:$0x16] =	wrdreg s25;
	s25 =	simm.s32 $0x1900  }
.LBB2_1:
0x21: {  	[dreg:$0x1c] =	wrdreg s3  }
0x22: {  	s30 =	rddreg [dreg:$0x7];
	s0 =	simm.s32 $0x3  }
0x23: {  	[tilespmem:s5], [sflag:$0x3] =	stream.linear.gather [hbm4b:s30+s5], $0x100, $0x38;
	[tilespmem:$0x1C900] =	vst v63  }
0x24: {  	_ =	swait.ge [sflag:s0], $0x100  }
0x25: {  	[sflag:s0] =	ssyncset.done $0x0  }
0x26: {  	[sflag:s0] =	ssyncadd.s32 $0xFFFFFF00  }
0x27: {  	v3 =	vld [tilespmem:$0x0]  }
0x28: {  	v4 =	vld [tilespmem:$0x10]  }
0x29: {  	v7 =	vld [tilespmem:$0x20]  }
0x2a: {  	v10 =	vld [tilespmem:$0x30]  }
0x2b: {  	v13 =	vld [tilespmem:$0x40]  }
0x2c: {  	v16 =	vld [tilespmem:$0x50]  }
0x2d: {  	v57 =	vld [tilespmem:$0x60]  }
0x2e: {  	v63 =	vld [tilespmem:$0x70]  }
0x2f: {  	v21 =	vld [tilespmem:$0x80]  }
0x30: {  	v28 =	vld [tilespmem:$0x90]  }
0x31: {  	v34 =	vld [tilespmem:$0xA0]  }
0x32: {  	vm1 =	vgt.s32 v3, $0x0;
	v5 =	vadd.s32 $0xFFFFB1E0, v3  }
0x33: {  	v40 =	vld [tilespmem:$0xB0];
	v8 =	vadd.s32 $0xFFFFB1E0, v4;
	v11 =	vadd.s32 $0xFFFFB1E0, v7;
	v14 =	vadd.s32 $0xFFFFB1E0, v10  }
0x34: {  	v17 =	vadd.s32 $0xFFFFB1E0, v13;
	v59 =	vadd.s32 $0xFFFFB1E0, v16;
	v19 =	vadd.s32 $0xFFFFB1E0, v57  }
0x35: {  	v23 =	vadd.s32 $0xFFFFB1E0, v63;
	v30 =	vadd.s32 $0xFFFFB1E0, v21;
	v32 =	vadd.s32 $0xFFFF15A0, v21  }
0x36: {  	v37 =	vadd.s32 $0xFFFFB1E0, v28;
	v42 =	vadd.s32 $0xFFFFB1E0, v34;
	v46 =	vadd.s32 $0xFFFF15A0, v34  }
0x37: {  	v6 =	vnsel vm1, $0x0, v3;
	vm1 =	vgt.s32 v5, $0x0;
	v3 =	vadd.s32 $0xFFFF15A0, v3  }
0x38: {  	v50 =	vadd.s32 $0xFFFFB1E0, v40;
	v5 =	vnsel vm1, $0x0, v5;
	vm1 =	vgt.s32 v3, $0x0  }
0x39: {  	v6 =	vmin.u32 v6, $0x4E1F;
	v3 =	vnsel vm1, $0x0, v3;
	vm1 =	vgt.s32 v4, $0x0  }
0x3a: {  	v9 =	vnsel vm1, $0x0, v4;
	vm1 =	vgt.s32 v8, $0x0;
	v4 =	vadd.s32 $0xFFFF15A0, v4  }
0x3b: {  	v5 =	vmin.u32 v5, $0x9C3F;
	v8 =	vnsel vm1, $0x0, v8;
	vm1 =	vgt.s32 v4, $0x0  }
0x3c: {  	v3 =	vmin.u32 v3, $0x9C3F;
	v4 =	vnsel vm1, $0x0, v4;
	vm1 =	vgt.s32 v7, $0x0  }
0x3d: {  	v9 =	vmin.u32 v9, $0x4E1F;
	v8 =	vmin.u32 v8, $0x9C3F;
	v12 =	vnsel vm1, $0x0, v7  }
0x3e: {  	vm1 =	vgt.s32 v11, $0x0;
	v7 =	vadd.s32 $0xFFFF15A0, v7;
	v4 =	vmin.u32 v4, $0x9C3F  }
0x3f: {  	v11 =	vnsel vm1, $0x0, v11;
	vm1 =	vgt.s32 v7, $0x0;
	v12 =	vmin.u32 v12, $0x4E1F  }
0x40: {  	v11 =	vmin.u32 v11, $0x9C3F;
	v7 =	vnsel vm1, $0x0, v7;
	vm1 =	vgt.s32 v10, $0x0  }
0x41: {  	[tilespmem:$0x100] =	vst v6;
	v15 =	vnsel vm1, $0x0, v10;
	vm1 =	vgt.s32 v14, $0x0;
	v10 =	vadd.s32 $0xFFFF15A0, v10  }
0x42: {  	[tilespmem:$0x500] =	vst v5;
	v7 =	vmin.u32 v7, $0x9C3F;
	v14 =	vnsel vm1, $0x0, v14;
	vm1 =	vgt.s32 v10, $0x0  }
0x43: {  	[tilespmem:$0x520] =	vst v11;
	v11 =	vadd.s32 $0xFFFF15A0, v40;
	v15 =	vmin.u32 v15, $0x4E1F;
	v10 =	vnsel vm1, $0x0, v10  }
0x44: {  	[tilespmem:$0x700] =	vst v3;
	vm1 =	vgt.s32 v13, $0x0;
	v53 =	vmin.u32 v14, $0x9C3F;
	v14 =	vadd.s32 $0xFFFF15A0, v57  }
0x45: {  	v48 =	vld [tilespmem:$0xC0];
	[tilespmem:$0x110] =	vst v9;
	v54 =	vnsel vm1, $0x0, v13;
	vm1 =	vgt.s32 v17, $0x0;
	v13 =	vadd.s32 $0xFFFF15A0, v13  }
0x46: {  	[tilespmem:$0x510] =	vst v8;
	v55 =	vmin.u32 v10, $0x9C3F;
	v56 =	vnsel vm1, $0x0, v17;
	vm1 =	vgt.s32 v13, $0x0  }
0x47: {  	[tilespmem:$0x530] =	vst v53;
	v53 =	vld [tilespmem:$0xD0];
	v3 =	vmin.u32 v54, $0x4E1F;
	v58 =	vnsel vm1, $0x0, v13;
	vm1 =	vgt.s32 v16, $0x0  }
0x48: {  	[tilespmem:$0x710] =	vst v4;
	v10 =	vmin.u32 v56, $0x9C3F;
	v13 =	vadd.s32 $0xFFFF15A0, v63;
	v60 =	vnsel vm1, $0x0, v16  }
0x49: {  	[tilespmem:$0x180] =	vst v12;
	vm1 =	vgt.s32 v59, $0x0;
	v16 =	vadd.s32 $0xFFFF15A0, v16;
	v61 =	vmin.u32 v58, $0x9C3F  }
0x4a: {  	[tilespmem:$0x580] =	vst v10;
	v58 =	vadd.s32 $0xFFFFB1E0, v48;
	v10 =	vadd.s32 $0xFFFF15A0, v48;
	v62 =	vnsel vm1, $0x0, v59  }
0x4b: {  	[tilespmem:$0x720] =	vst v7;
	vm1 =	vgt.s32 v16, $0x0;
	v8 =	vmin.u32 v60, $0x4E1F;
	v9 =	vmin.u32 v62, $0x9C3F  }
0x4c: {  	[tilespmem:$0x780] =	vst v61;
	v61 =	vld [tilespmem:$0xE0];
	v17 =	vnsel vm1, $0x0, v16;
	vm1 =	vgt.s32 v57, $0x0;
	v62 =	vadd.s32 $0xFFFFB1E0, v53  }
0x4d: {  	[tilespmem:$0x190] =	vst v15;
	v16 =	vadd.s32 $0xFFFF15A0, v53;
	v20 =	vnsel vm1, $0x0, v57;
	vm1 =	vgt.s32 v19, $0x0  }
0x4e: {  	[tilespmem:$0x730] =	vst v55;
	v18 =	vmin.u32 v17, $0x9C3F;
	v12 =	vnsel vm1, $0x0, v19;
	vm1 =	vgt.s32 v14, $0x0  }
0x4f: {  	[tilespmem:$0x200] =	vst v3;
	v7 =	vmin.u32 v20, $0x4E1F;
	v22 =	vnsel vm1, $0x0, v14;
	vm1 =	vgt.s32 v63, $0x0  }
0x50: {  	[tilespmem:$0x210] =	vst v8;
	v24 =	vmin.u32 v12, $0x9C3F;
	v12 =	vadd.s32 $0xFFFF15A0, v28;
	v25 =	vnsel vm1, $0x0, v63  }
0x51: {  	[tilespmem:$0x590] =	vst v9;
	v14 =	vld [tilespmem:$0x100];
	vm1 =	vgt.s32 v23, $0x0;
	v3 =	vmin.u32 v22, $0x9C3F;
	v19 =	vadd.s32 $0xFFFFB1E0, v61  }
0x52: {  	[tilespmem:$0x790] =	vst v18;
	v20 =	vld [tilespmem:$0xF0];
	v26 =	vnsel vm1, $0x0, v23;
	v27 =	vmin.u32 v25, $0x4E1F;
	vm1 =	vgt.s32 v13, $0x0  }
0x53: {  	[tilespmem:$0x280] =	vst v7;
	v25 =	vadd.s32 $0xFFFF15A0, v61;
	v29 =	vnsel vm1, $0x0, v13;
	vm1 =	vgt.s32 v21, $0x0  }
0x54: {  	[tilespmem:$0x5A0] =	vst v24;
	v6 =	vmin.u32 v26, $0x9C3F;
	v31 =	vnsel vm1, $0x0, v21;
	vm1 =	vgt.s32 v30, $0x0  }
0x55: {  	[tilespmem:$0x7A0] =	vst v3;
	v4 =	vmin.u32 v29, $0x9C3F;
	v33 =	vnsel vm1, $0x0, v30;
	vm1 =	vgt.s32 v32, $0x0  }
0x56: {  	[tilespmem:$0x290] =	vst v27;
	v8 =	vmin.u32 v31, $0x4E1F;
	v24 =	vshll.u32 v14, $0x3;
	v26 =	vand.u32 $0x7, v14  }
0x57: {  	[tilespmem:$0x5B0] =	vst v6;
	v30 =	vadd.s32 $0xFFFFB1E0, v20;
	v9 =	vmin.u32 v33, $0x9C3F;
	v35 =	vnsel vm1, $0x0, v32  }
0x58: {  	vm1 =	vgt.s32 v28, $0x0;
	[tilespmem:$0x300] =	vst v8;
	v8 =	vand.u32 $0xFFFFFFC0, v24;
	v36 =	vmin.u32 v35, $0x9C3F  }
0x59: {  	[tilespmem:$0x7B0] =	vst v4;
	v38 =	vnsel vm1, $0x0, v28;
	vm1 =	vgt.s32 v37, $0x0;
	v27 =	vor.u32 v26, v8  }
0x5a: {  	[tilespmem:$0x600] =	vst v9;
	v3 =	vmin.u32 v38, $0x4E1F;
	v39 =	vnsel vm1, $0x0, v37;
	vm1 =	vgt.s32 v12, $0x0  }
0x5b: {  	[tilespmem:$0x800] =	vst v36;
	v28 =	vperm.xlane v27, v0;
	v41 =	vnsel vm1, $0x0, v12;
	vm1 =	vgt.s32 v34, $0x0  }
0x5c: {  	v31 =	vadd.s32 $0xFFFF15A0, v20;
	v5 =	vmin.u32 v39, $0x9C3F;
	[tilespmem:$0x310] =	vst v3;
	v43 =	vnsel vm1, $0x0, v34  }
0x5d: {  	vm1 =	vgt.s32 v42, $0x0;
	v44 =	vmin.u32 v41, $0x9C3F;
	[tilespmem:$0x610] =	vst v5;
	v5 =	vadd.s32 v1, v28  }
0x5e: {  	v45 =	vnsel vm1, $0x0, v42;
	v6 =	vmin.u32 v43, $0x4E1F;
	vm1 =	vgt.s32 v46, $0x0;
	[tilespmem:$0x810] =	vst v44  }
0x5f: {  	v47 =	vmin.u32 v45, $0x9C3F;
	v49 =	vnsel vm1, $0x0, v46;
	vm1 =	vgt.s32 v40, $0x0;
	[tilespmem:$0x380] =	vst v6  }
0x60: {  	v51 =	vnsel vm1, $0x0, v40;
	vm1 =	vgt.s32 v50, $0x0;
	v3 =	vmin.u32 v49, $0x9C3F;
	[tilespmem:$0x620] =	vst v47  }
0x61: {  	v52 =	vnsel vm1, $0x0, v50;
	vm1 =	vgt.s32 v11, $0x0;
	v54 =	vmin.u32 v51, $0x4E1F;
	[tilespmem:$0x820] =	vst v3  }
0x62: {  	v55 =	vmin.u32 v52, $0x9C3F;
	v56 =	vnsel vm1, $0x0, v11;
	vm1 =	vgt.s32 v48, $0x0;
	[tilespmem:$0x390] =	vst v54  }
0x63: {  	v57 =	vmin.u32 v56, $0x9C3F;
	v59 =	vnsel vm1, $0x0, v48;
	vm1 =	vgt.s32 v58, $0x0;
	[tilespmem:$0x630] =	vst v55  }
0x64: {  	v6 =	vmin.u32 v59, $0x4E1F;
	v60 =	vnsel vm1, $0x0, v58;
	vm1 =	vgt.s32 v10, $0x0;
	[tilespmem:$0x830] =	vst v57  }
0x65: {  	v3 =	vnsel vm1, $0x0, v10;
	vm1 =	vgt.s32 v53, $0x0;
	v63 =	vmin.u32 v60, $0x9C3F;
	[tilespmem:$0x400] =	vst v6  }
0x66: {  	v13 =	vnsel vm1, $0x0, v53;
	vm1 =	vgt.s32 v62, $0x0;
	v3 =	vmin.u32 v3, $0x9C3F;
	[tilespmem:$0x680] =	vst v63  }
0x67: {  	v15 =	vnsel vm1, $0x0, v62;
	v17 =	vmin.u32 v13, $0x4E1F;
	vm1 =	vgt.s32 v16, $0x0;
	[tilespmem:$0x880] =	vst v3  }
0x68: {  	v7 =	vmin.u32 v15, $0x9C3F;
	v18 =	vnsel vm1, $0x0, v16;
	vm1 =	vgt.s32 v61, $0x0;
	[tilespmem:$0x410] =	vst v17  }
0x69: {  	v21 =	vmin.u32 v18, $0x9C3F;
	v22 =	vnsel vm1, $0x0, v61;
	vm1 =	vgt.s32 v19, $0x0;
	[tilespmem:$0x690] =	vst v7  }
0x6a: {  	v3 =	vmin.u32 v22, $0x4E1F;
	v23 =	vnsel vm1, $0x0, v19;
	vm1 =	vgt.s32 v25, $0x0;
	[tilespmem:$0x890] =	vst v21  }
0x6b: {  	v6 =	vmin.u32 v23, $0x9C3F;
	v4 =	vnsel vm1, $0x0, v25;
	vm1 =	vgt.s32 v20, $0x0;
	[tilespmem:$0x480] =	vst v3  }
0x6c: {  	v3 =	vmin.u32 v4, $0x9C3F;
	v29 =	vnsel vm1, $0x0, v20;
	[tilespmem:$0x6A0] =	vst v6;
	vm1 =	vgt.s32 v30, $0x0  }
0x6d: {  	[tilespmem:$0x8A0] =	vst v3;
	v3 =	vmin.u32 v29, $0x4E1F;
	v32 =	vnsel vm1, $0x0, v30;
	vm1 =	vgt.s32 v31, $0x0  }
0x6e: {  	[tilespmem:$0x490] =	vst v3;
	v3 =	vnsel vm1, $0x0, v31;
	v4 =	vmin.u32 v32, $0x9C3F  }
0x6f: {  	[tilespmem:$0x6B0] =	vst v4;
	v3 =	vmin.u32 v3, $0x9C3F  }
0x70: {  	[tilespmem:$0x8B0] =	vst v3  }
0x71: {  	[tilespmem:s29], [sflag:$0x1] =	stream.indirect_vreg.gather [hbm4b:s1+s5], $0x80, v5, vm0, $0xb8;
	[tilespmem:$0x1C900] =	vst v63  }
0x72: {  	s31 =	simm.s32 $0x1100;
	v3 =	vperm.xlane v27, v2  }
0x73: {  	[tilespmem:s31], [sflag:$0x1] =	stream.indirect_vreg.gather [hbm4b:s7+s5], $0x80, v5, vm0, $0xb8;
	[tilespmem:$0x1C900] =	vst v63  }
0x74: {  	v3 =	vadd.s32 v1, v3  }
0x75: {  	[tilespmem:s25], [sflag:$0x1] =	stream.indirect_vreg.gather [hbm4b:s8+s5], $0x80, v5, vm0, $0xb8;
	[tilespmem:$0x1C900] =	vst v63  }
0x76: {  	_ = 	snop  }
0x77: {  	[tilespmem:s26], [sflag:$0x1] =	stream.indirect_vreg.gather [hbm4b:s9+s5], $0x80, v5, vm0, $0xb8;
	[tilespmem:$0x1C900] =	vst v63  }
0x78: {  	s18 =	simm.s32 $0x2900  }
0x79: {  	[tilespmem:s18], [sflag:$0x1] =	stream.indirect_vreg.gather [hbm4b:s1+s5], $0x80, v3, vm0, $0xb8;
	[tilespmem:$0x1C900] =	vst v63  }
0x7a: {  	s19 =	simm.s32 $0x3100  }
0x7b: {  	[tilespmem:s19], [sflag:$0x1] =	stream.indirect_vreg.gather [hbm4b:s7+s5], $0x80, v3, vm0, $0xb8;
	[tilespmem:$0x1C900] =	vst v63  }
0x7c: {  	s20 =	simm.s32 $0x3900  }
0x7d: {  	[tilespmem:s20], [sflag:$0x1] =	stream.indirect_vreg.gather [hbm4b:s8+s5], $0x80, v3, vm0, $0xb8;
	[tilespmem:$0x1C900] =	vst v63  }
0x7e: {  	s23 =	simm.s32 $0x4100  }
0x7f: {  	[tilespmem:s23], [sflag:$0x1] =	stream.indirect_vreg.gather [hbm4b:s9+s5], $0x80, v3, vm0, $0xb8;
	[tilespmem:$0x1C900] =	vst v63  }
0x80: {  	v3 =	vld [tilespmem:$0x110];
	_ =	sdelay $0x4  }
0x81: {  	v33 =	vshll.u32 v3, $0x3  }
0x82: {  	v3 =	vand.u32 $0x7, v3;
	v4 =	vand.u32 $0xFFFFFFC0, v33  }
0x83: {  	v3 =	vor.u32 v3, v4  }
0x84: {  	v4 =	vperm.xlane v3, v0;
	_ =	sdelay $0x1  }
0x85: {  	v4 =	vadd.s32 v1, v4;
	_ =	sdelay $0x3  }
0x86: {  	s24 =	simm.s32 $0x4900  }
0x87: {  	[tilespmem:s24], [sflag:$0x1] =	stream.indirect_vreg.gather [hbm4b:s1+s5], $0x80, v4, vm0, $0xb8;
	[tilespmem:$0x1C900] =	vst v63  }
0x88: {  	s16 =	simm.s32 $0x5100;
	v3 =	vperm.xlane v3, v2  }
0x89: {  	[tilespmem:s16], [sflag:$0x1] =	stream.indirect_vreg.gather [hbm4b:s7+s5], $0x80, v4, vm0, $0xb8;
	[tilespmem:$0x1C900] =	vst v63  }
0x8a: {  	s17 =	simm.s32 $0x5900;
	v3 =	vadd.s32 v1, v3  }
0x8b: {  	[tilespmem:s17], [sflag:$0x1] =	stream.indirect_vreg.gather [hbm4b:s8+s5], $0x80, v4, vm0, $0xb8;
	[tilespmem:$0x1C900] =	vst v63  }
0x8c: {  	s18 =	simm.s32 $0x6100  }
0x8d: {  	[tilespmem:s18], [sflag:$0x1] =	stream.indirect_vreg.gather [hbm4b:s9+s5], $0x80, v4, vm0, $0xb8;
	[tilespmem:$0x1C900] =	vst v63  }
0x8e: {  	s19 =	simm.s32 $0x6900  }
0x8f: {  	[tilespmem:s19], [sflag:$0x1] =	stream.indirect_vreg.gather [hbm4b:s1+s5], $0x80, v3, vm0, $0xb8;
	[tilespmem:$0x1C900] =	vst v63  }
0x90: {  	s20 =	simm.s32 $0x7100  }
0x91: {  	[tilespmem:s20], [sflag:$0x1] =	stream.indirect_vreg.gather [hbm4b:s7+s5], $0x80, v3, vm0, $0xb8;
	[tilespmem:$0x1C900] =	vst v63  }
0x92: {  	s23 =	simm.s32 $0x7900  }
0x93: {  	[tilespmem:s23], [sflag:$0x1] =	stream.indirect_vreg.gather [hbm4b:s8+s5], $0x80, v3, vm0, $0xb8;
	[tilespmem:$0x1C900] =	vst v63  }
0x94: {  	s24 =	simm.s32 $0x8100  }
0x95: {  	[tilespmem:s24], [sflag:$0x1] =	stream.indirect_vreg.gather [hbm4b:s9+s5], $0x80, v3, vm0, $0xb8;
	[tilespmem:$0x1C900] =	vst v63  }
0x96: {  	v3 =	vld [tilespmem:$0x180];
	_ =	sdelay $0x4  }
0x97: {  	v34 =	vshll.u32 v3, $0x3  }
0x98: {  	v3 =	vand.u32 $0x7, v3;
	v4 =	vand.u32 $0xFFFFFFC0, v34  }
0x99: {  	v3 =	vor.u32 v3, v4  }
0x9a: {  	v4 =	vperm.xlane v3, v0;
	_ =	sdelay $0x1  }
0x9b: {  	v4 =	vadd.s32 v1, v4;
	_ =	sdelay $0x3  }
0x9c: {  	s10 =	simm.s32 $0x8900  }
0x9d: {  	[tilespmem:s10], [sflag:$0x1] =	stream.indirect_vreg.gather [hbm4b:s1+s5], $0x80, v4, vm0, $0xb8;
	[tilespmem:$0x1C900] =	vst v63  }
0x9e: {  	s28 =	simm.s32 $0x9100;
	v3 =	vperm.xlane v3, v2  }
0x9f: {  	[tilespmem:s28], [sflag:$0x1] =	stream.indirect_vreg.gather [hbm4b:s7+s5], $0x80, v4, vm0, $0xb8;
	[tilespmem:$0x1C900] =	vst v63  }
0xa0: {  	s3 =	simm.s32 $0x9900;
	v3 =	vadd.s32 v1, v3  }
0xa1: {  	[tilespmem:s3], [sflag:$0x1] =	stream.indirect_vreg.gather [hbm4b:s8+s5], $0x80, v4, vm0, $0xb8;
	[tilespmem:$0x1C900] =	vst v63  }
0xa2: {  	s6 =	simm.s32 $0xA100  }
0xa3: {  	[tilespmem:s6], [sflag:$0x1] =	stream.indirect_vreg.gather [hbm4b:s9+s5], $0x80, v4, vm0, $0xb8;
	[tilespmem:$0x1C900] =	vst v63  }
0xa4: {  	s11 =	simm.s32 $0xA900  }
0xa5: {  	[tilespmem:s11], [sflag:$0x1] =	stream.indirect_vreg.gather [hbm4b:s1+s5], $0x80, v3, vm0, $0xb8;
	[tilespmem:$0x1C900] =	vst v63  }
0xa6: {  	s3 =	simm.s32 $0xB100  }
0xa7: {  	[tilespmem:s3], [sflag:$0x1] =	stream.indirect_vreg.gather [hbm4b:s7+s5], $0x80, v3, vm0, $0xb8;
	[tilespmem:$0x1C900] =	vst v63  }
0xa8: {  	s6 =	simm.s32 $0xB900  }
0xa9: {  	[tilespmem:s6], [sflag:$0x1] =	stream.indirect_vreg.gather [hbm4b:s8+s5], $0x80, v3, vm0, $0xb8;
	[tilespmem:$0x1C900] =	vst v63  }
0xaa: {  	s3 =	simm.s32 $0xC100  }
0xab: {  	[tilespmem:s3], [sflag:$0x1] =	stream.indirect_vreg.gather [hbm4b:s9+s5], $0x80, v3, vm0, $0xb8;
	[tilespmem:$0x1C900] =	vst v63  }
0xac: {  	v3 =	vld [tilespmem:$0x190];
	_ =	sdelay $0x4  }
0xad: {  	v35 =	vshll.u32 v3, $0x3  }
0xae: {  	v3 =	vand.u32 $0x7, v3;
	v4 =	vand.u32 $0xFFFFFFC0, v35  }
0xaf: {  	v3 =	vor.u32 v3, v4  }
0xb0: {  	v4 =	vperm.xlane v3, v0;
	_ =	sdelay $0x1  }
0xb1: {  	v4 =	vadd.s32 v1, v4;
	_ =	sdelay $0x3  }
0xb2: {  	s6 =	simm.s32 $0xC900  }
0xb3: {  	[tilespmem:s6], [sflag:$0x1] =	stream.indirect_vreg.gather [hbm4b:s1+s5], $0x80, v4, vm0, $0xb8;
	[tilespmem:$0x1C900] =	vst v63  }
0xb4: {  	s3 =	simm.s32 $0xD100;
	v3 =	vperm.xlane v3, v2  }
0xb5: {  	[tilespmem:s3], [sflag:$0x1] =	stream.indirect_vreg.gather [hbm4b:s7+s5], $0x80, v4, vm0, $0xb8;
	[tilespmem:$0x1C900] =	vst v63  }
0xb6: {  	v3 =	vadd.s32 v1, v3;
	s6 =	simm.s32 $0xD900  }
0xb7: {  	[tilespmem:s6], [sflag:$0x1] =	stream.indirect_vreg.gather [hbm4b:s8+s5], $0x80, v4, vm0, $0xb8;
	[tilespmem:$0x1C900] =	vst v63  }
0xb8: {  	s3 =	simm.s32 $0xE100  }
0xb9: {  	[tilespmem:s3], [sflag:$0x1] =	stream.indirect_vreg.gather [hbm4b:s9+s5], $0x80, v4, vm0, $0xb8;
	[tilespmem:$0x1C900] =	vst v63  }
0xba: {  	s3 =	simm.s32 $0xE900  }
0xbb: {  	[tilespmem:s3], [sflag:$0x1] =	stream.indirect_vreg.gather [hbm4b:s1+s5], $0x80, v3, vm0, $0xb8;
	[tilespmem:$0x1C900] =	vst v63  }
0xbc: {  	s3 =	simm.s32 $0xF100  }
0xbd: {  	[tilespmem:s3], [sflag:$0x1] =	stream.indirect_vreg.gather [hbm4b:s7+s5], $0x80, v3, vm0, $0xb8;
	[tilespmem:$0x1C900] =	vst v63  }
0xbe: {  	s0 =	simm.s32 $0xF900  }
0xbf: {  	[tilespmem:s0], [sflag:$0x1] =	stream.indirect_vreg.gather [hbm4b:s8+s5], $0x80, v3, vm0, $0xb8;
	[tilespmem:$0x1C900] =	vst v63  }
0xc0: {  	s0 =	simm.s32 $0x10100  }
0xc1: {  	[tilespmem:s0], [sflag:$0x1] =	stream.indirect_vreg.gather [hbm4b:s9+s5], $0x80, v3, vm0, $0xb8;
	[tilespmem:$0x1C900] =	vst v63  }
0xc2: {  	_ =	swait.ge [sflag:s21], $0x8000  }
0xc3: {  	[sflag:s21] =	ssyncset.done $0x0  }
0xc4: {  	s0 =	rddreg [dreg:$0x1b];
	[sflag:s21] =	ssyncadd.s32 $0xFFFF8000  }
0xc5: {  	[hbm4b:s0+s5] =	stream.linear.scatter [tilespmem:s29], [sflag:$0x2], $0x8000, $0x38;
	[tilespmem:$0x1C900] =	vst v63  }
0xc6: {  	_ =	swait.ge [sflag:s22], $0x8000  }
0xc7: {  	[sflag:s22] =	ssyncset.done $0x0  }
0xc8: {  	[sflag:s22] =	ssyncadd.s32 $0xFFFF8000  }
0xc9: {  	v3 =	vld [tilespmem:$0x200];
	_ =	sdelay $0x4  }
0xca: {  	v36 =	vshll.u32 v3, $0x3  }
0xcb: {  	v3 =	vand.u32 $0x7, v3;
	v4 =	vand.u32 $0xFFFFFFC0, v36  }
0xcc: {  	v3 =	vor.u32 v3, v4  }
0xcd: {  	v4 =	vperm.xlane v3, v0;
	_ =	sdelay $0x1  }
0xce: {  	v4 =	vadd.s32 v1, v4;
	_ =	sdelay $0x4  }
0xcf: {  	[tilespmem:s29], [sflag:$0x1] =	stream.indirect_vreg.gather [hbm4b:s1+s5], $0x80, v4, vm0, $0xb8;
	[tilespmem:$0x1C900] =	vst v63  }
0xd0: {  	v3 =	vperm.xlane v3, v2  }
0xd1: {  	[tilespmem:s31], [sflag:$0x1] =	stream.indirect_vreg.gather [hbm4b:s7+s5], $0x80, v4, vm0, $0xb8;
	[tilespmem:$0x1C900] =	vst v63  }
0xd2: {  	v3 =	vadd.s32 v1, v3  }
0xd3: {  	[tilespmem:s25], [sflag:$0x1] =	stream.indirect_vreg.gather [hbm4b:s8+s5], $0x80, v4, vm0, $0xb8;
	[tilespmem:$0x1C900] =	vst v63  }
0xd4: {  	_ = 	snop  }
0xd5: {  	[tilespmem:s26], [sflag:$0x1] =	stream.indirect_vreg.gather [hbm4b:s9+s5], $0x80, v4, vm0, $0xb8;
	[tilespmem:$0x1C900] =	vst v63  }
0xd6: {  	s12 =	simm.s32 $0x2900  }
0xd7: {  	[tilespmem:s12], [sflag:$0x1] =	stream.indirect_vreg.gather [hbm4b:s1+s5], $0x80, v3, vm0, $0xb8;
	[tilespmem:$0x1C900] =	vst v63  }
0xd8: {  	s14 =	simm.s32 $0x3100  }
0xd9: {  	[tilespmem:s14], [sflag:$0x1] =	stream.indirect_vreg.gather [hbm4b:s7+s5], $0x80, v3, vm0, $0xb8;
	[tilespmem:$0x1C900] =	vst v63  }
0xda: {  	s15 =	simm.s32 $0x3900  }
0xdb: {  	[tilespmem:s15], [sflag:$0x1] =	stream.indirect_vreg.gather [hbm4b:s8+s5], $0x80, v3, vm0, $0xb8;
	[tilespmem:$0x1C900] =	vst v63  }
0xdc: {  	s30 =	simm.s32 $0x4100  }
0xdd: {  	[tilespmem:s30], [sflag:$0x1] =	stream.indirect_vreg.gather [hbm4b:s9+s5], $0x80, v3, vm0, $0xb8;
	[tilespmem:$0x1C900] =	vst v63  }
0xde: {  	v3 =	vld [tilespmem:$0x210];
	_ =	sdelay $0x4  }
0xdf: {  	v37 =	vshll.u32 v3, $0x3  }
0xe0: {  	v3 =	vand.u32 $0x7, v3;
	v4 =	vand.u32 $0xFFFFFFC0, v37  }
0xe1: {  	v3 =	vor.u32 v3, v4  }
0xe2: {  	v4 =	vperm.xlane v3, v0;
	_ =	sdelay $0x1  }
0xe3: {  	v4 =	vadd.s32 v1, v4;
	_ =	sdelay $0x3  }
0xe4: {  	s13 =	simm.s32 $0x4900  }
0xe5: {  	[tilespmem:s13], [sflag:$0x1] =	stream.indirect_vreg.gather [hbm4b:s1+s5], $0x80, v4, vm0, $0xb8;
	[tilespmem:$0x1C900] =	vst v63  }
0xe6: {  	v3 =	vperm.xlane v3, v2  }
0xe7: {  	[tilespmem:s16], [sflag:$0x1] =	stream.indirect_vreg.gather [hbm4b:s7+s5], $0x80, v4, vm0, $0xb8;
	[tilespmem:$0x1C900] =	vst v63  }
0xe8: {  	v3 =	vadd.s32 v1, v3  }
0xe9: {  	[tilespmem:s17], [sflag:$0x1] =	stream.indirect_vreg.gather [hbm4b:s8+s5], $0x80, v4, vm0, $0xb8;
	[tilespmem:$0x1C900] =	vst v63  }
0xea: {  	_ = 	snop  }
0xeb: {  	[tilespmem:s18], [sflag:$0x1] =	stream.indirect_vreg.gather [hbm4b:s9+s5], $0x80, v4, vm0, $0xb8;
	[tilespmem:$0x1C900] =	vst v63  }
0xec: {  	_ = 	snop  }
0xed: {  	[tilespmem:s19], [sflag:$0x1] =	stream.indirect_vreg.gather [hbm4b:s1+s5], $0x80, v3, vm0, $0xb8;
	[tilespmem:$0x1C900] =	vst v63  }
0xee: {  	_ = 	snop  }
0xef: {  	[tilespmem:s20], [sflag:$0x1] =	stream.indirect_vreg.gather [hbm4b:s7+s5], $0x80, v3, vm0, $0xb8;
	[tilespmem:$0x1C900] =	vst v63  }
0xf0: {  	_ = 	snop  }
0xf1: {  	[tilespmem:s23], [sflag:$0x1] =	stream.indirect_vreg.gather [hbm4b:s8+s5], $0x80, v3, vm0, $0xb8;
	[tilespmem:$0x1C900] =	vst v63  }
0xf2: {  	_ = 	snop  }
0xf3: {  	[tilespmem:s24], [sflag:$0x1] =	stream.indirect_vreg.gather [hbm4b:s9+s5], $0x80, v3, vm0, $0xb8;
	[tilespmem:$0x1C900] =	vst v63  }
0xf4: {  	_ =	swait.ge [sflag:s21], $0x8000  }
0xf5: {  	[sflag:s21] =	ssyncset.done $0x0  }
0xf6: {  	s15 =	rddreg [dreg:$0x8];
	[sflag:s21] =	ssyncadd.s32 $0xFFFF8000  }
0xf7: {  	[hbm4b:s15+s5] =	stream.linear.scatter [tilespmem:s10], [sflag:$0x2], $0x8000, $0x38;
	[tilespmem:$0x1C900] =	vst v63  }
0xf8: {  	_ =	swait.ge [sflag:s22], $0x8000  }
0xf9: {  	[sflag:s22] =	ssyncset.done $0x0  }
0xfa: {  	[sflag:s22] =	ssyncadd.s32 $0xFFFF8000  }
0xfb: {  	v3 =	vld [tilespmem:$0x280];
	_ =	sdelay $0x4  }
0xfc: {  	v38 =	vshll.u32 v3, $0x3  }
0xfd: {  	v3 =	vand.u32 $0x7, v3;
	v4 =	vand.u32 $0xFFFFFFC0, v38  }
0xfe: {  	v3 =	vor.u32 v3, v4  }
0xff: {  	v4 =	vperm.xlane v3, v0;
	_ =	sdelay $0x1  }
0x100: {  	v4 =	vadd.s32 v1, v4;
	_ =	sdelay $0x4  }
0x101: {  	[tilespmem:s10], [sflag:$0x1] =	stream.indirect_vreg.gather [hbm4b:s1+s5], $0x80, v4, vm0, $0xb8;
	[tilespmem:$0x1C900] =	vst v63  }
0x102: {  	s4 =	simm.s32 $0x9100;
	v3 =	vperm.xlane v3, v2  }
0x103: {  	[tilespmem:s4], [sflag:$0x1] =	stream.indirect_vreg.gather [hbm4b:s7+s5], $0x80, v4, vm0, $0xb8;
	[tilespmem:$0x1C900] =	vst v63  }
0x104: {  	s28 =	simm.s32 $0x9900;
	v3 =	vadd.s32 v1, v3  }
0x105: {  	[tilespmem:s28], [sflag:$0x1] =	stream.indirect_vreg.gather [hbm4b:s8+s5], $0x80, v4, vm0, $0xb8;
	[tilespmem:$0x1C900] =	vst v63  }
0x106: {  	s4 =	simm.s32 $0xA100  }
0x107: {  	[tilespmem:s4], [sflag:$0x1] =	stream.indirect_vreg.gather [hbm4b:s9+s5], $0x80, v4, vm0, $0xb8;
	[tilespmem:$0x1C900] =	vst v63  }
0x108: {  	s11 =	simm.s32 $0xA900  }
0x109: {  	[tilespmem:s11], [sflag:$0x1] =	stream.indirect_vreg.gather [hbm4b:s1+s5], $0x80, v3, vm0, $0xb8;
	[tilespmem:$0x1C900] =	vst v63  }
0x10a: {  	s11 =	simm.s32 $0xB100  }
0x10b: {  	[tilespmem:s11], [sflag:$0x1] =	stream.indirect_vreg.gather [hbm4b:s7+s5], $0x80, v3, vm0, $0xb8;
	[tilespmem:$0x1C900] =	vst v63  }
0x10c: {  	s28 =	simm.s32 $0xB900  }
0x10d: {  	[tilespmem:s28], [sflag:$0x1] =	stream.indirect_vreg.gather [hbm4b:s8+s5], $0x80, v3, vm0, $0xb8;
	[tilespmem:$0x1C900] =	vst v63  }
0x10e: {  	s12 =	simm.s32 $0xC100  }
0x10f: {  	[tilespmem:s12], [sflag:$0x1] =	stream.indirect_vreg.gather [hbm4b:s9+s5], $0x80, v3, vm0, $0xb8;
	[tilespmem:$0x1C900] =	vst v63  }
0x110: {  	v3 =	vld [tilespmem:$0x290];
	_ =	sdelay $0x4  }
0x111: {  	v39 =	vshll.u32 v3, $0x3  }
0x112: {  	v3 =	vand.u32 $0x7, v3;
	v4 =	vand.u32 $0xFFFFFFC0, v39  }
0x113: {  	v3 =	vor.u32 v3, v4  }
0x114: {  	v4 =	vperm.xlane v3, v0;
	_ =	sdelay $0x1  }
0x115: {  	v4 =	vadd.s32 v1, v4;
	_ =	sdelay $0x3  }
0x116: {  	s13 =	simm.s32 $0xC900  }
0x117: {  	[tilespmem:s13], [sflag:$0x1] =	stream.indirect_vreg.gather [hbm4b:s1+s5], $0x80, v4, vm0, $0xb8;
	[tilespmem:$0x1C900] =	vst v63  }
0x118: {  	s14 =	simm.s32 $0xD100;
	v3 =	vperm.xlane v3, v2  }
0x119: {  	[tilespmem:s14], [sflag:$0x1] =	stream.indirect_vreg.gather [hbm4b:s7+s5], $0x80, v4, vm0, $0xb8;
	[tilespmem:$0x1C900] =	vst v63  }
0x11a: {  	s6 =	simm.s32 $0xD900;
	v3 =	vadd.s32 v1, v3  }
0x11b: {  	[tilespmem:s6], [sflag:$0x1] =	stream.indirect_vreg.gather [hbm4b:s8+s5], $0x80, v4, vm0, $0xb8;
	[tilespmem:$0x1C900] =	vst v63  }
0x11c: {  	s0 =	simm.s32 $0xE100  }
0x11d: {  	[tilespmem:s0], [sflag:$0x1] =	stream.indirect_vreg.gather [hbm4b:s9+s5], $0x80, v4, vm0, $0xb8;
	[tilespmem:$0x1C900] =	vst v63  }
0x11e: {  	s6 =	simm.s32 $0xE900  }
0x11f: {  	[tilespmem:s6], [sflag:$0x1] =	stream.indirect_vreg.gather [hbm4b:s1+s5], $0x80, v3, vm0, $0xb8;
	[tilespmem:$0x1C900] =	vst v63  }
0x120: {  	s3 =	simm.s32 $0xF100  }
0x121: {  	[tilespmem:s3], [sflag:$0x1] =	stream.indirect_vreg.gather [hbm4b:s7+s5], $0x80, v3, vm0, $0xb8;
	[tilespmem:$0x1C900] =	vst v63  }
0x122: {  	s3 =	simm.s32 $0xF900  }
0x123: {  	[tilespmem:s3], [sflag:$0x1] =	stream.indirect_vreg.gather [hbm4b:s8+s5], $0x80, v3, vm0, $0xb8;
	[tilespmem:$0x1C900] =	vst v63  }
0x124: {  	s15 =	simm.s32 $0x10100  }
0x125: {  	[tilespmem:s15], [sflag:$0x1] =	stream.indirect_vreg.gather [hbm4b:s9+s5], $0x80, v3, vm0, $0xb8;
	[tilespmem:$0x1C900] =	vst v63  }
0x126: {  	_ =	swait.ge [sflag:s21], $0x8000  }
0x127: {  	[sflag:s21] =	ssyncset.done $0x0  }
0x128: {  	s30 =	rddreg [dreg:$0x9];
	[sflag:s21] =	ssyncadd.s32 $0xFFFF8000  }
0x129: {  	[hbm4b:s30+s5] =	stream.linear.scatter [tilespmem:s29], [sflag:$0x2], $0x8000, $0x38;
	[tilespmem:$0x1C900] =	vst v63  }
0x12a: {  	_ =	swait.ge [sflag:s22], $0x8000  }
0x12b: {  	[sflag:s22] =	ssyncset.done $0x0  }
0x12c: {  	[sflag:s22] =	ssyncadd.s32 $0xFFFF8000  }
0x12d: {  	v3 =	vld [tilespmem:$0x300];
	_ =	sdelay $0x4  }
0x12e: {  	v40 =	vshll.u32 v3, $0x3  }
0x12f: {  	v3 =	vand.u32 $0x7, v3;
	v4 =	vand.u32 $0xFFFFFFC0, v40  }
0x130: {  	v3 =	vor.u32 v3, v4  }
0x131: {  	v4 =	vperm.xlane v3, v0;
	_ =	sdelay $0x1  }
0x132: {  	v4 =	vadd.s32 v1, v4;
	_ =	sdelay $0x4  }
0x133: {  	[tilespmem:s29], [sflag:$0x1] =	stream.indirect_vreg.gather [hbm4b:s1+s5], $0x80, v4, vm0, $0xb8;
	[tilespmem:$0x1C900] =	vst v63  }
0x134: {  	v3 =	vperm.xlane v3, v2  }
0x135: {  	[tilespmem:s31], [sflag:$0x1] =	stream.indirect_vreg.gather [hbm4b:s7+s5], $0x80, v4, vm0, $0xb8;
	[tilespmem:$0x1C900] =	vst v63  }
0x136: {  	v3 =	vadd.s32 v1, v3  }
0x137: {  	[tilespmem:s25], [sflag:$0x1] =	stream.indirect_vreg.gather [hbm4b:s8+s5], $0x80, v4, vm0, $0xb8;
	[tilespmem:$0x1C900] =	vst v63  }
0x138: {  	_ = 	snop  }
0x139: {  	[tilespmem:s26], [sflag:$0x1] =	stream.indirect_vreg.gather [hbm4b:s9+s5], $0x80, v4, vm0, $0xb8;
	[tilespmem:$0x1C900] =	vst v63  }
0x13a: {  	s30 =	simm.s32 $0x2900  }
0x13b: {  	[tilespmem:s30], [sflag:$0x1] =	stream.indirect_vreg.gather [hbm4b:s1+s5], $0x80, v3, vm0, $0xb8;
	[tilespmem:$0x1C900] =	vst v63  }
0x13c: {  	s30 =	simm.s32 $0x3100  }
0x13d: {  	[tilespmem:s30], [sflag:$0x1] =	stream.indirect_vreg.gather [hbm4b:s7+s5], $0x80, v3, vm0, $0xb8;
	[tilespmem:$0x1C900] =	vst v63  }
0x13e: {  	s30 =	simm.s32 $0x3900  }
0x13f: {  	[tilespmem:s30], [sflag:$0x1] =	stream.indirect_vreg.gather [hbm4b:s8+s5], $0x80, v3, vm0, $0xb8;
	[tilespmem:$0x1C900] =	vst v63  }
0x140: {  	s30 =	simm.s32 $0x4100  }
0x141: {  	[tilespmem:s30], [sflag:$0x1] =	stream.indirect_vreg.gather [hbm4b:s9+s5], $0x80, v3, vm0, $0xb8;
	[tilespmem:$0x1C900] =	vst v63  }
0x142: {  	v3 =	vld [tilespmem:$0x310];
	_ =	sdelay $0x4  }
0x143: {  	v41 =	vshll.u32 v3, $0x3  }
0x144: {  	v3 =	vand.u32 $0x7, v3;
	v4 =	vand.u32 $0xFFFFFFC0, v41  }
0x145: {  	v3 =	vor.u32 v3, v4  }
0x146: {  	v4 =	vperm.xlane v3, v0;
	_ =	sdelay $0x1  }
0x147: {  	v4 =	vadd.s32 v1, v4;
	_ =	sdelay $0x3  }
0x148: {  	s30 =	simm.s32 $0x4900  }
0x149: {  	[tilespmem:s30], [sflag:$0x1] =	stream.indirect_vreg.gather [hbm4b:s1+s5], $0x80, v4, vm0, $0xb8;
	[tilespmem:$0x1C900] =	vst v63  }
0x14a: {  	v3 =	vperm.xlane v3, v2  }
0x14b: {  	[tilespmem:s16], [sflag:$0x1] =	stream.indirect_vreg.gather [hbm4b:s7+s5], $0x80, v4, vm0, $0xb8;
	[tilespmem:$0x1C900] =	vst v63  }
0x14c: {  	v3 =	vadd.s32 v1, v3  }
0x14d: {  	[tilespmem:s17], [sflag:$0x1] =	stream.indirect_vreg.gather [hbm4b:s8+s5], $0x80, v4, vm0, $0xb8;
	[tilespmem:$0x1C900] =	vst v63  }
0x14e: {  	_ = 	snop  }
0x14f: {  	[tilespmem:s18], [sflag:$0x1] =	stream.indirect_vreg.gather [hbm4b:s9+s5], $0x80, v4, vm0, $0xb8;
	[tilespmem:$0x1C900] =	vst v63  }
0x150: {  	_ = 	snop  }
0x151: {  	[tilespmem:s19], [sflag:$0x1] =	stream.indirect_vreg.gather [hbm4b:s1+s5], $0x80, v3, vm0, $0xb8;
	[tilespmem:$0x1C900] =	vst v63  }
0x152: {  	_ = 	snop  }
0x153: {  	[tilespmem:s20], [sflag:$0x1] =	stream.indirect_vreg.gather [hbm4b:s7+s5], $0x80, v3, vm0, $0xb8;
	[tilespmem:$0x1C900] =	vst v63  }
0x154: {  	_ = 	snop  }
0x155: {  	[tilespmem:s23], [sflag:$0x1] =	stream.indirect_vreg.gather [hbm4b:s8+s5], $0x80, v3, vm0, $0xb8;
	[tilespmem:$0x1C900] =	vst v63  }
0x156: {  	_ = 	snop  }
0x157: {  	[tilespmem:s24], [sflag:$0x1] =	stream.indirect_vreg.gather [hbm4b:s9+s5], $0x80, v3, vm0, $0xb8;
	[tilespmem:$0x1C900] =	vst v63  }
0x158: {  	_ =	swait.ge [sflag:s21], $0x8000  }
0x159: {  	[sflag:s21] =	ssyncset.done $0x0  }
0x15a: {  	s30 =	rddreg [dreg:$0xa];
	[sflag:s21] =	ssyncadd.s32 $0xFFFF8000  }
0x15b: {  	[hbm4b:s30+s5] =	stream.linear.scatter [tilespmem:s10], [sflag:$0x2], $0x8000, $0x38;
	[tilespmem:$0x1C900] =	vst v63  }
0x15c: {  	_ =	swait.ge [sflag:s22], $0x8000  }
0x15d: {  	[sflag:s22] =	ssyncset.done $0x0  }
0x15e: {  	[sflag:s22] =	ssyncadd.s32 $0xFFFF8000  }
0x15f: {  	v3 =	vld [tilespmem:$0x380];
	_ =	sdelay $0x4  }
0x160: {  	v42 =	vshll.u32 v3, $0x3  }
0x161: {  	v3 =	vand.u32 $0x7, v3;
	v4 =	vand.u32 $0xFFFFFFC0, v42  }
0x162: {  	v3 =	vor.u32 v3, v4  }
0x163: {  	v4 =	vperm.xlane v3, v0;
	_ =	sdelay $0x1  }
0x164: {  	v4 =	vadd.s32 v1, v4;
	_ =	sdelay $0x4  }
0x165: {  	[tilespmem:s10], [sflag:$0x1] =	stream.indirect_vreg.gather [hbm4b:s1+s5], $0x80, v4, vm0, $0xb8;
	[tilespmem:$0x1C900] =	vst v63  }
0x166: {  	s30 =	simm.s32 $0x9100;
	v3 =	vperm.xlane v3, v2  }
0x167: {  	[tilespmem:s30], [sflag:$0x1] =	stream.indirect_vreg.gather [hbm4b:s7+s5], $0x80, v4, vm0, $0xb8;
	[tilespmem:$0x1C900] =	vst v63  }
0x168: {  	v3 =	vadd.s32 v1, v3;
	s30 =	simm.s32 $0x9900  }
0x169: {  	[tilespmem:s30], [sflag:$0x1] =	stream.indirect_vreg.gather [hbm4b:s8+s5], $0x80, v4, vm0, $0xb8;
	[tilespmem:$0x1C900] =	vst v63  }
0x16a: {  	_ = 	snop  }
0x16b: {  	[tilespmem:s4], [sflag:$0x1] =	stream.indirect_vreg.gather [hbm4b:s9+s5], $0x80, v4, vm0, $0xb8;
	[tilespmem:$0x1C900] =	vst v63  }
0x16c: {  	s30 =	simm.s32 $0xA900  }
0x16d: {  	[tilespmem:s30], [sflag:$0x1] =	stream.indirect_vreg.gather [hbm4b:s1+s5], $0x80, v3, vm0, $0xb8;
	[tilespmem:$0x1C900] =	vst v63  }
0x16e: {  	_ = 	snop  }
0x16f: {  	[tilespmem:s11], [sflag:$0x1] =	stream.indirect_vreg.gather [hbm4b:s7+s5], $0x80, v3, vm0, $0xb8;
	[tilespmem:$0x1C900] =	vst v63  }
0x170: {  	_ = 	snop  }
0x171: {  	[tilespmem:s28], [sflag:$0x1] =	stream.indirect_vreg.gather [hbm4b:s8+s5], $0x80, v3, vm0, $0xb8;
	[tilespmem:$0x1C900] =	vst v63  }
0x172: {  	_ = 	snop  }
0x173: {  	[tilespmem:s12], [sflag:$0x1] =	stream.indirect_vreg.gather [hbm4b:s9+s5], $0x80, v3, vm0, $0xb8;
	[tilespmem:$0x1C900] =	vst v63  }
0x174: {  	v3 =	vld [tilespmem:$0x390];
	_ =	sdelay $0x4  }
0x175: {  	v43 =	vshll.u32 v3, $0x3  }
0x176: {  	v3 =	vand.u32 $0x7, v3;
	v4 =	vand.u32 $0xFFFFFFC0, v43  }
0x177: {  	v3 =	vor.u32 v3, v4  }
0x178: {  	v4 =	vperm.xlane v3, v0;
	_ =	sdelay $0x1  }
0x179: {  	v4 =	vadd.s32 v1, v4;
	_ =	sdelay $0x4  }
0x17a: {  	[tilespmem:s13], [sflag:$0x1] =	stream.indirect_vreg.gather [hbm4b:s1+s5], $0x80, v4, vm0, $0xb8;
	[tilespmem:$0x1C900] =	vst v63  }
0x17b: {  	v3 =	vperm.xlane v3, v2  }
0x17c: {  	[tilespmem:s14], [sflag:$0x1] =	stream.indirect_vreg.gather [hbm4b:s7+s5], $0x80, v4, vm0, $0xb8;
	[tilespmem:$0x1C900] =	vst v63  }
0x17d: {  	s30 =	simm.s32 $0xD900;
	v3 =	vadd.s32 v1, v3  }
0x17e: {  	[tilespmem:s30], [sflag:$0x1] =	stream.indirect_vreg.gather [hbm4b:s8+s5], $0x80, v4, vm0, $0xb8;
	[tilespmem:$0x1C900] =	vst v63  }
0x17f: {  	_ = 	snop  }
0x180: {  	[tilespmem:s0], [sflag:$0x1] =	stream.indirect_vreg.gather [hbm4b:s9+s5], $0x80, v4, vm0, $0xb8;
	[tilespmem:$0x1C900] =	vst v63  }
0x181: {  	_ = 	snop  }
0x182: {  	[tilespmem:s6], [sflag:$0x1] =	stream.indirect_vreg.gather [hbm4b:s1+s5], $0x80, v3, vm0, $0xb8;
	[tilespmem:$0x1C900] =	vst v63  }
0x183: {  	s30 =	simm.s32 $0xF100  }
0x184: {  	[tilespmem:s30], [sflag:$0x1] =	stream.indirect_vreg.gather [hbm4b:s7+s5], $0x80, v3, vm0, $0xb8;
	[tilespmem:$0x1C900] =	vst v63  }
0x185: {  	_ = 	snop  }
0x186: {  	[tilespmem:s3], [sflag:$0x1] =	stream.indirect_vreg.gather [hbm4b:s8+s5], $0x80, v3, vm0, $0xb8;
	[tilespmem:$0x1C900] =	vst v63  }
0x187: {  	_ = 	snop  }
0x188: {  	[tilespmem:s15], [sflag:$0x1] =	stream.indirect_vreg.gather [hbm4b:s9+s5], $0x80, v3, vm0, $0xb8;
	[tilespmem:$0x1C900] =	vst v63  }
0x189: {  	_ =	swait.ge [sflag:s21], $0x8000  }
0x18a: {  	[sflag:s21] =	ssyncset.done $0x0  }
0x18b: {  	s3 =	rddreg [dreg:$0xb];
	[sflag:s21] =	ssyncadd.s32 $0xFFFF8000  }
0x18c: {  	[hbm4b:s3+s5] =	stream.linear.scatter [tilespmem:s29], [sflag:$0x2], $0x8000, $0x38;
	[tilespmem:$0x1C900] =	vst v63  }
0x18d: {  	_ =	swait.ge [sflag:s22], $0x8000  }
0x18e: {  	[sflag:s22] =	ssyncset.done $0x0  }
0x18f: {  	[sflag:s22] =	ssyncadd.s32 $0xFFFF8000  }
0x190: {  	v3 =	vld [tilespmem:$0x400];
	_ =	sdelay $0x4  }
0x191: {  	v44 =	vshll.u32 v3, $0x3  }
0x192: {  	v3 =	vand.u32 $0x7, v3;
	v4 =	vand.u32 $0xFFFFFFC0, v44  }
0x193: {  	v3 =	vor.u32 v3, v4  }
0x194: {  	v4 =	vperm.xlane v3, v0;
	_ =	sdelay $0x1  }
0x195: {  	v4 =	vadd.s32 v1, v4;
	_ =	sdelay $0x4  }
0x196: {  	[tilespmem:s29], [sflag:$0x1] =	stream.indirect_vreg.gather [hbm4b:s1+s5], $0x80, v4, vm0, $0xb8;
	[tilespmem:$0x1C900] =	vst v63  }
0x197: {  	v3 =	vperm.xlane v3, v2  }
0x198: {  	[tilespmem:s31], [sflag:$0x1] =	stream.indirect_vreg.gather [hbm4b:s7+s5], $0x80, v4, vm0, $0xb8;
	[tilespmem:$0x1C900] =	vst v63  }
0x199: {  	v3 =	vadd.s32 v1, v3  }
0x19a: {  	[tilespmem:s25], [sflag:$0x1] =	stream.indirect_vreg.gather [hbm4b:s8+s5], $0x80, v4, vm0, $0xb8;
	[tilespmem:$0x1C900] =	vst v63  }
0x19b: {  	_ = 	snop  }
0x19c: {  	[tilespmem:s26], [sflag:$0x1] =	stream.indirect_vreg.gather [hbm4b:s9+s5], $0x80, v4, vm0, $0xb8;
	[tilespmem:$0x1C900] =	vst v63  }
0x19d: {  	s15 =	simm.s32 $0x2900  }
0x19e: {  	[tilespmem:s15], [sflag:$0x1] =	stream.indirect_vreg.gather [hbm4b:s1+s5], $0x80, v3, vm0, $0xb8;
	[tilespmem:$0x1C900] =	vst v63  }
0x19f: {  	s30 =	simm.s32 $0x3100  }
0x1a0: {  	[tilespmem:s30], [sflag:$0x1] =	stream.indirect_vreg.gather [hbm4b:s7+s5], $0x80, v3, vm0, $0xb8;
	[tilespmem:$0x1C900] =	vst v63  }
0x1a1: {  	s31 =	simm.s32 $0x3900  }
0x1a2: {  	[tilespmem:s31], [sflag:$0x1] =	stream.indirect_vreg.gather [hbm4b:s8+s5], $0x80, v3, vm0, $0xb8;
	[tilespmem:$0x1C900] =	vst v63  }
0x1a3: {  	s30 =	simm.s32 $0x4100  }
0x1a4: {  	[tilespmem:s30], [sflag:$0x1] =	stream.indirect_vreg.gather [hbm4b:s9+s5], $0x80, v3, vm0, $0xb8;
	[tilespmem:$0x1C900] =	vst v63  }
0x1a5: {  	v3 =	vld [tilespmem:$0x410];
	_ =	sdelay $0x4  }
0x1a6: {  	v45 =	vshll.u32 v3, $0x3  }
0x1a7: {  	v3 =	vand.u32 $0x7, v3;
	v4 =	vand.u32 $0xFFFFFFC0, v45  }
0x1a8: {  	v3 =	vor.u32 v3, v4  }
0x1a9: {  	v4 =	vperm.xlane v3, v0;
	_ =	sdelay $0x1  }
0x1aa: {  	v4 =	vadd.s32 v1, v4;
	_ =	sdelay $0x3  }
0x1ab: {  	s31 =	simm.s32 $0x4900  }
0x1ac: {  	[tilespmem:s31], [sflag:$0x1] =	stream.indirect_vreg.gather [hbm4b:s1+s5], $0x80, v4, vm0, $0xb8;
	[tilespmem:$0x1C900] =	vst v63  }
0x1ad: {  	v3 =	vperm.xlane v3, v2  }
0x1ae: {  	[tilespmem:s16], [sflag:$0x1] =	stream.indirect_vreg.gather [hbm4b:s7+s5], $0x80, v4, vm0, $0xb8;
	[tilespmem:$0x1C900] =	vst v63  }
0x1af: {  	v3 =	vadd.s32 v1, v3  }
0x1b0: {  	[tilespmem:s17], [sflag:$0x1] =	stream.indirect_vreg.gather [hbm4b:s8+s5], $0x80, v4, vm0, $0xb8;
	[tilespmem:$0x1C900] =	vst v63  }
0x1b1: {  	_ = 	snop  }
0x1b2: {  	[tilespmem:s18], [sflag:$0x1] =	stream.indirect_vreg.gather [hbm4b:s9+s5], $0x80, v4, vm0, $0xb8;
	[tilespmem:$0x1C900] =	vst v63  }
0x1b3: {  	_ = 	snop  }
0x1b4: {  	[tilespmem:s19], [sflag:$0x1] =	stream.indirect_vreg.gather [hbm4b:s1+s5], $0x80, v3, vm0, $0xb8;
	[tilespmem:$0x1C900] =	vst v63  }
0x1b5: {  	_ = 	snop  }
0x1b6: {  	[tilespmem:s20], [sflag:$0x1] =	stream.indirect_vreg.gather [hbm4b:s7+s5], $0x80, v3, vm0, $0xb8;
	[tilespmem:$0x1C900] =	vst v63  }
0x1b7: {  	_ = 	snop  }
0x1b8: {  	[tilespmem:s23], [sflag:$0x1] =	stream.indirect_vreg.gather [hbm4b:s8+s5], $0x80, v3, vm0, $0xb8;
	[tilespmem:$0x1C900] =	vst v63  }
0x1b9: {  	_ = 	snop  }
0x1ba: {  	[tilespmem:s24], [sflag:$0x1] =	stream.indirect_vreg.gather [hbm4b:s9+s5], $0x80, v3, vm0, $0xb8;
	[tilespmem:$0x1C900] =	vst v63  }
0x1bb: {  	s3 =	rddreg [dreg:$0x1c];
	_ =	swait.ge [sflag:s21], $0x8000  }
0x1bc: {  	[sflag:s21] =	ssyncset.done $0x0  }
0x1bd: {  	s18 =	rddreg [dreg:$0xc];
	[sflag:s21] =	ssyncadd.s32 $0xFFFF8000  }
0x1be: {  	[hbm4b:s18+s5] =	stream.linear.scatter [tilespmem:s10], [sflag:$0x2], $0x8000, $0x38;
	[tilespmem:$0x1C900] =	vst v63  }
0x1bf: {  	_ =	swait.ge [sflag:s22], $0x8000  }
0x1c0: {  	[sflag:s22] =	ssyncset.done $0x0  }
0x1c1: {  	[sflag:s22] =	ssyncadd.s32 $0xFFFF8000  }
0x1c2: {  	v3 =	vld [tilespmem:$0x480];
	_ =	sdelay $0x4  }
0x1c3: {  	v46 =	vshll.u32 v3, $0x3  }
0x1c4: {  	v3 =	vand.u32 $0x7, v3;
	v4 =	vand.u32 $0xFFFFFFC0, v46  }
0x1c5: {  	v3 =	vor.u32 v3, v4  }
0x1c6: {  	v4 =	vperm.xlane v3, v0;
	_ =	sdelay $0x1  }
0x1c7: {  	v4 =	vadd.s32 v1, v4;
	_ =	sdelay $0x4  }
0x1c8: {  	[tilespmem:s10], [sflag:$0x1] =	stream.indirect_vreg.gather [hbm4b:s1+s5], $0x80, v4, vm0, $0xb8;
	[tilespmem:$0x1C900] =	vst v63  }
0x1c9: {  	s19 =	simm.s32 $0x9100;
	v3 =	vperm.xlane v3, v2  }
0x1ca: {  	[tilespmem:s19], [sflag:$0x1] =	stream.indirect_vreg.gather [hbm4b:s7+s5], $0x80, v4, vm0, $0xb8;
	[tilespmem:$0x1C900] =	vst v63  }
0x1cb: {  	s20 =	simm.s32 $0x9900;
	v3 =	vadd.s32 v1, v3  }
0x1cc: {  	[tilespmem:s20], [sflag:$0x1] =	stream.indirect_vreg.gather [hbm4b:s8+s5], $0x80, v4, vm0, $0xb8;
	[tilespmem:$0x1C900] =	vst v63  }
0x1cd: {  	s23 =	simm.s32 $0xA100  }
0x1ce: {  	[tilespmem:s23], [sflag:$0x1] =	stream.indirect_vreg.gather [hbm4b:s9+s5], $0x80, v4, vm0, $0xb8;
	[tilespmem:$0x1C900] =	vst v63  }
0x1cf: {  	s24 =	simm.s32 $0xA900  }
0x1d0: {  	[tilespmem:s24], [sflag:$0x1] =	stream.indirect_vreg.gather [hbm4b:s1+s5], $0x80, v3, vm0, $0xb8;
	[tilespmem:$0x1C900] =	vst v63  }
0x1d1: {  	s4 =	simm.s32 $0xB100  }
0x1d2: {  	[tilespmem:s4], [sflag:$0x1] =	stream.indirect_vreg.gather [hbm4b:s7+s5], $0x80, v3, vm0, $0xb8;
	[tilespmem:$0x1C900] =	vst v63  }
0x1d3: {  	s28 =	simm.s32 $0xB900  }
0x1d4: {  	[tilespmem:s28], [sflag:$0x1] =	stream.indirect_vreg.gather [hbm4b:s8+s5], $0x80, v3, vm0, $0xb8;
	[tilespmem:$0x1C900] =	vst v63  }
0x1d5: {  	s11 =	simm.s32 $0xC100  }
0x1d6: {  	[tilespmem:s11], [sflag:$0x1] =	stream.indirect_vreg.gather [hbm4b:s9+s5], $0x80, v3, vm0, $0xb8;
	[tilespmem:$0x1C900] =	vst v63  }
0x1d7: {  	v3 =	vld [tilespmem:$0x490];
	_ =	sdelay $0x4  }
0x1d8: {  	v47 =	vshll.u32 v3, $0x3  }
0x1d9: {  	v3 =	vand.u32 $0x7, v3;
	v4 =	vand.u32 $0xFFFFFFC0, v47  }
0x1da: {  	v3 =	vor.u32 v3, v4  }
0x1db: {  	v4 =	vperm.xlane v3, v0;
	_ =	sdelay $0x1  }
0x1dc: {  	v4 =	vadd.s32 v1, v4;
	_ =	sdelay $0x3  }
0x1dd: {  	s12 =	simm.s32 $0xC900  }
0x1de: {  	[tilespmem:s12], [sflag:$0x1] =	stream.indirect_vreg.gather [hbm4b:s1+s5], $0x80, v4, vm0, $0xb8;
	[tilespmem:$0x1C900] =	vst v63  }
0x1df: {  	s13 =	simm.s32 $0xD100;
	v3 =	vperm.xlane v3, v2  }
0x1e0: {  	[tilespmem:s13], [sflag:$0x1] =	stream.indirect_vreg.gather [hbm4b:s7+s5], $0x80, v4, vm0, $0xb8;
	[tilespmem:$0x1C900] =	vst v63  }
0x1e1: {  	s28 =	simm.s32 $0xD900;
	v3 =	vadd.s32 v1, v3  }
0x1e2: {  	[tilespmem:s28], [sflag:$0x1] =	stream.indirect_vreg.gather [hbm4b:s8+s5], $0x80, v4, vm0, $0xb8;
	[tilespmem:$0x1C900] =	vst v63  }
0x1e3: {  	s0 =	simm.s32 $0xE100  }
0x1e4: {  	[tilespmem:s0], [sflag:$0x1] =	stream.indirect_vreg.gather [hbm4b:s9+s5], $0x80, v4, vm0, $0xb8;
	[tilespmem:$0x1C900] =	vst v63  }
0x1e5: {  	s6 =	simm.s32 $0xE900  }
0x1e6: {  	[tilespmem:s6], [sflag:$0x1] =	stream.indirect_vreg.gather [hbm4b:s1+s5], $0x80, v3, vm0, $0xb8;
	[tilespmem:$0x1C900] =	vst v63  }
0x1e7: {  	s30 =	simm.s32 $0xF100  }
0x1e8: {  	[tilespmem:s30], [sflag:$0x1] =	stream.indirect_vreg.gather [hbm4b:s7+s5], $0x80, v3, vm0, $0xb8;
	[tilespmem:$0x1C900] =	vst v63  }
0x1e9: {  	s31 =	simm.s32 $0xF900  }
0x1ea: {  	[tilespmem:s31], [sflag:$0x1] =	stream.indirect_vreg.gather [hbm4b:s8+s5], $0x80, v3, vm0, $0xb8;
	[tilespmem:$0x1C900] =	vst v63  }
0x1eb: {  	s14 =	simm.s32 $0x10100  }
0x1ec: {  	[tilespmem:s14], [sflag:$0x1] =	stream.indirect_vreg.gather [hbm4b:s9+s5], $0x80, v3, vm0, $0xb8;
	[tilespmem:$0x1C900] =	vst v63  }
0x1ed: {  	_ =	swait.ge [sflag:s21], $0x8000  }
0x1ee: {  	[sflag:s21] =	ssyncset.done $0x0  }
0x1ef: {  	s0 =	rddreg [dreg:$0xd];
	[sflag:s21] =	ssyncadd.s32 $0xFFFF8000  }
0x1f0: {  	[hbm4b:s0+s5] =	stream.linear.scatter [tilespmem:s29], [sflag:$0x2], $0x8000, $0x38;
	[tilespmem:$0x1C900] =	vst v63  }
0x1f1: {  	_ =	swait.ge [sflag:s21], $0x8000  }
0x1f2: {  	[sflag:s21] =	ssyncset.done $0x0  }
0x1f3: {  	s4 =	rddreg [dreg:$0xe];
	[sflag:s21] =	ssyncadd.s32 $0xFFFF8000  }
0x1f4: {  	[hbm4b:s4+s5] =	stream.linear.scatter [tilespmem:s10], [sflag:$0x2], $0x8000, $0x38;
	[tilespmem:$0x1C900] =	vst v63  }
0x1f5: {  	_ =	swait.ge [sflag:s22], $0x8000  }
0x1f6: {  	[sflag:s22] =	ssyncset.done $0x0  }
0x1f7: {  	[sflag:s22] =	ssyncadd.s32 $0xFFFF8000  }
0x1f8: {  	_ =	swait.ge [sflag:s22], $0x8000  }
0x1f9: {  	[sflag:s22] =	ssyncset.done $0x0  }
0x1fa: {  	[sflag:s22] =	ssyncadd.s32 $0xFFFF8000  }
0x1fb: {  	v3 =	vld [tilespmem:$0x500];
	_ =	sdelay $0x4  }
0x1fc: {  	v48 =	vshll.u32 v3, $0x1  }
0x1fd: {  	v3 =	vand.u32 $0x7, v3;
	v4 =	vand.u32 $0xFFFFFFF0, v48  }
0x1fe: {  	v3 =	vor.u32 v3, v4  }
0x1ff: {  	v4 =	vperm.xlane v3, v0;
	_ =	sdelay $0x1  }
0x200: {  	v3 =	vperm.xlane v3, v2;
	v4 =	vadd.s32 v1, v4;
	_ =	sdelay $0x1  }
0x201: {  	v3 =	vadd.s32 v1, v3;
	_ =	sdelay $0x1  }
0x202: {  	s0 =	simm.s32 $0x10900  }
0x203: {  	[tilespmem:s0], [sflag:$0x1] =	stream.indirect_vreg.gather [hbm4b:s2+s5], $0x80, v4, vm0, $0xb8;
	[tilespmem:$0x1C900] =	vst v63  }
0x204: {  	s6 =	simm.s32 $0x11100  }
0x205: {  	[tilespmem:s6], [sflag:$0x1] =	stream.indirect_vreg.gather [hbm4b:s2+s5], $0x80, v3, vm0, $0xb8;
	[tilespmem:$0x1C900] =	vst v63  }
0x206: {  	v3 =	vld [tilespmem:$0x510];
	_ =	sdelay $0x4  }
0x207: {  	v49 =	vshll.u32 v3, $0x1  }
0x208: {  	v3 =	vand.u32 $0x7, v3;
	v4 =	vand.u32 $0xFFFFFFF0, v49  }
0x209: {  	v3 =	vor.u32 v3, v4  }
0x20a: {  	v4 =	vperm.xlane v3, v0;
	_ =	sdelay $0x1  }
0x20b: {  	v3 =	vperm.xlane v3, v2;
	v4 =	vadd.s32 v1, v4;
	_ =	sdelay $0x1  }
0x20c: {  	v3 =	vadd.s32 v1, v3;
	_ =	sdelay $0x1  }
0x20d: {  	s10 =	simm.s32 $0x11900  }
0x20e: {  	[tilespmem:s10], [sflag:$0x1] =	stream.indirect_vreg.gather [hbm4b:s2+s5], $0x80, v4, vm0, $0xb8;
	[tilespmem:$0x1C900] =	vst v63  }
0x20f: {  	s11 =	simm.s32 $0x12100  }
0x210: {  	[tilespmem:s11], [sflag:$0x1] =	stream.indirect_vreg.gather [hbm4b:s2+s5], $0x80, v3, vm0, $0xb8;
	[tilespmem:$0x1C900] =	vst v63  }
0x211: {  	v3 =	vld [tilespmem:$0x520];
	_ =	sdelay $0x4  }
0x212: {  	v50 =	vshll.u32 v3, $0x1  }
0x213: {  	v3 =	vand.u32 $0x7, v3;
	v4 =	vand.u32 $0xFFFFFFF0, v50  }
0x214: {  	v3 =	vor.u32 v3, v4  }
0x215: {  	v4 =	vperm.xlane v3, v0;
	_ =	sdelay $0x1  }
0x216: {  	v3 =	vperm.xlane v3, v2;
	v4 =	vadd.s32 v1, v4;
	_ =	sdelay $0x1  }
0x217: {  	v3 =	vadd.s32 v1, v3;
	_ =	sdelay $0x1  }
0x218: {  	s12 =	simm.s32 $0x12900  }
0x219: {  	[tilespmem:s12], [sflag:$0x1] =	stream.indirect_vreg.gather [hbm4b:s2+s5], $0x80, v4, vm0, $0xb8;
	[tilespmem:$0x1C900] =	vst v63  }
0x21a: {  	s13 =	simm.s32 $0x13100  }
0x21b: {  	[tilespmem:s13], [sflag:$0x1] =	stream.indirect_vreg.gather [hbm4b:s2+s5], $0x80, v3, vm0, $0xb8;
	[tilespmem:$0x1C900] =	vst v63  }
0x21c: {  	v3 =	vld [tilespmem:$0x530];
	_ =	sdelay $0x4  }
0x21d: {  	v51 =	vshll.u32 v3, $0x1  }
0x21e: {  	v3 =	vand.u32 $0x7, v3;
	v4 =	vand.u32 $0xFFFFFFF0, v51  }
0x21f: {  	v3 =	vor.u32 v3, v4  }
0x220: {  	v4 =	vperm.xlane v3, v0;
	_ =	sdelay $0x1  }
0x221: {  	v3 =	vperm.xlane v3, v2;
	v4 =	vadd.s32 v1, v4;
	_ =	sdelay $0x1  }
0x222: {  	v3 =	vadd.s32 v1, v3;
	_ =	sdelay $0x1  }
0x223: {  	s14 =	simm.s32 $0x13900  }
0x224: {  	[tilespmem:s14], [sflag:$0x1] =	stream.indirect_vreg.gather [hbm4b:s2+s5], $0x80, v4, vm0, $0xb8;
	[tilespmem:$0x1C900] =	vst v63  }
0x225: {  	s16 =	simm.s32 $0x14100  }
0x226: {  	[tilespmem:s16], [sflag:$0x1] =	stream.indirect_vreg.gather [hbm4b:s2+s5], $0x80, v3, vm0, $0xb8;
	[tilespmem:$0x1C900] =	vst v63  }
0x227: {  	v3 =	vld [tilespmem:$0x580];
	_ =	sdelay $0x4  }
0x228: {  	v52 =	vshll.u32 v3, $0x1  }
0x229: {  	v3 =	vand.u32 $0x7, v3;
	v4 =	vand.u32 $0xFFFFFFF0, v52  }
0x22a: {  	v3 =	vor.u32 v3, v4  }
0x22b: {  	v4 =	vperm.xlane v3, v0;
	_ =	sdelay $0x1  }
0x22c: {  	v3 =	vperm.xlane v3, v2;
	v4 =	vadd.s32 v1, v4;
	_ =	sdelay $0x1  }
0x22d: {  	v3 =	vadd.s32 v1, v3;
	_ =	sdelay $0x1  }
0x22e: {  	s15 =	simm.s32 $0x14900  }
0x22f: {  	[tilespmem:s15], [sflag:$0x1] =	stream.indirect_vreg.gather [hbm4b:s2+s5], $0x80, v4, vm0, $0xb8;
	[tilespmem:$0x1C900] =	vst v63  }
0x230: {  	s17 =	simm.s32 $0x15100  }
0x231: {  	[tilespmem:s17], [sflag:$0x1] =	stream.indirect_vreg.gather [hbm4b:s2+s5], $0x80, v3, vm0, $0xb8;
	[tilespmem:$0x1C900] =	vst v63  }
0x232: {  	v3 =	vld [tilespmem:$0x590];
	_ =	sdelay $0x4  }
0x233: {  	v53 =	vshll.u32 v3, $0x1  }
0x234: {  	v3 =	vand.u32 $0x7, v3;
	v4 =	vand.u32 $0xFFFFFFF0, v53  }
0x235: {  	v3 =	vor.u32 v3, v4  }
0x236: {  	v4 =	vperm.xlane v3, v0;
	_ =	sdelay $0x1  }
0x237: {  	v3 =	vperm.xlane v3, v2;
	v4 =	vadd.s32 v1, v4;
	_ =	sdelay $0x1  }
0x238: {  	v3 =	vadd.s32 v1, v3;
	_ =	sdelay $0x1  }
0x239: {  	s18 =	simm.s32 $0x15900  }
0x23a: {  	[tilespmem:s18], [sflag:$0x1] =	stream.indirect_vreg.gather [hbm4b:s2+s5], $0x80, v4, vm0, $0xb8;
	[tilespmem:$0x1C900] =	vst v63  }
0x23b: {  	s19 =	simm.s32 $0x16100  }
0x23c: {  	[tilespmem:s19], [sflag:$0x1] =	stream.indirect_vreg.gather [hbm4b:s2+s5], $0x80, v3, vm0, $0xb8;
	[tilespmem:$0x1C900] =	vst v63  }
0x23d: {  	v3 =	vld [tilespmem:$0x5A0];
	_ =	sdelay $0x4  }
0x23e: {  	v54 =	vshll.u32 v3, $0x1  }
0x23f: {  	v3 =	vand.u32 $0x7, v3;
	v4 =	vand.u32 $0xFFFFFFF0, v54  }
0x240: {  	v3 =	vor.u32 v3, v4  }
0x241: {  	v4 =	vperm.xlane v3, v0;
	_ =	sdelay $0x1  }
0x242: {  	v3 =	vperm.xlane v3, v2;
	v4 =	vadd.s32 v1, v4;
	_ =	sdelay $0x1  }
0x243: {  	v3 =	vadd.s32 v1, v3;
	_ =	sdelay $0x1  }
0x244: {  	s20 =	simm.s32 $0x16900  }
0x245: {  	[tilespmem:s20], [sflag:$0x1] =	stream.indirect_vreg.gather [hbm4b:s2+s5], $0x80, v4, vm0, $0xb8;
	[tilespmem:$0x1C900] =	vst v63  }
0x246: {  	s23 =	simm.s32 $0x17100  }
0x247: {  	[tilespmem:s23], [sflag:$0x1] =	stream.indirect_vreg.gather [hbm4b:s2+s5], $0x80, v3, vm0, $0xb8;
	[tilespmem:$0x1C900] =	vst v63  }
0x248: {  	v3 =	vld [tilespmem:$0x5B0];
	_ =	sdelay $0x4  }
0x249: {  	v55 =	vshll.u32 v3, $0x1  }
0x24a: {  	v3 =	vand.u32 $0x7, v3;
	v4 =	vand.u32 $0xFFFFFFF0, v55  }
0x24b: {  	v3 =	vor.u32 v3, v4  }
0x24c: {  	v4 =	vperm.xlane v3, v0;
	_ =	sdelay $0x1  }
0x24d: {  	v3 =	vperm.xlane v3, v2;
	v4 =	vadd.s32 v1, v4;
	_ =	sdelay $0x1  }
0x24e: {  	v3 =	vadd.s32 v1, v3;
	_ =	sdelay $0x1  }
0x24f: {  	s24 =	simm.s32 $0x17900  }
0x250: {  	[tilespmem:s24], [sflag:$0x1] =	stream.indirect_vreg.gather [hbm4b:s2+s5], $0x80, v4, vm0, $0xb8;
	[tilespmem:$0x1C900] =	vst v63  }
0x251: {  	s28 =	simm.s32 $0x18100  }
0x252: {  	[tilespmem:s28], [sflag:$0x1] =	stream.indirect_vreg.gather [hbm4b:s2+s5], $0x80, v3, vm0, $0xb8;
	[tilespmem:$0x1C900] =	vst v63  }
0x253: {  	_ =	swait.ge [sflag:s21], $0x4000  }
0x254: {  	[sflag:s21] =	ssyncset.done $0x0  }
0x255: {  	s31 =	rddreg [dreg:$0xf];
	[sflag:s21] =	ssyncadd.s32 $0xFFFFC000  }
0x256: {  	[hbm4b:s31+s5] =	stream.linear.scatter [tilespmem:s0], [sflag:$0x2], $0x4000, $0x38;
	[tilespmem:$0x1C900] =	vst v63  }
0x257: {  	_ =	swait.ge [sflag:s22], $0x4000  }
0x258: {  	[sflag:s22] =	ssyncset.done $0x0  }
0x259: {  	[sflag:s22] =	ssyncadd.s32 $0xFFFFC000  }
0x25a: {  	v3 =	vld [tilespmem:$0x600];
	_ =	sdelay $0x4  }
0x25b: {  	v56 =	vshll.u32 v3, $0x1  }
0x25c: {  	v3 =	vand.u32 $0x7, v3;
	v4 =	vand.u32 $0xFFFFFFF0, v56  }
0x25d: {  	v3 =	vor.u32 v3, v4  }
0x25e: {  	v4 =	vperm.xlane v3, v0;
	_ =	sdelay $0x1  }
0x25f: {  	v3 =	vperm.xlane v3, v2;
	v4 =	vadd.s32 v1, v4;
	_ =	sdelay $0x1  }
0x260: {  	v3 =	vadd.s32 v1, v3;
	_ =	sdelay $0x2  }
0x261: {  	[tilespmem:s0], [sflag:$0x1] =	stream.indirect_vreg.gather [hbm4b:s2+s5], $0x80, v4, vm0, $0xb8;
	[tilespmem:$0x1C900] =	vst v63  }
0x262: {  	_ = 	snop  }
0x263: {  	[tilespmem:s6], [sflag:$0x1] =	stream.indirect_vreg.gather [hbm4b:s2+s5], $0x80, v3, vm0, $0xb8;
	[tilespmem:$0x1C900] =	vst v63  }
0x264: {  	v3 =	vld [tilespmem:$0x610];
	_ =	sdelay $0x4  }
0x265: {  	v57 =	vshll.u32 v3, $0x1  }
0x266: {  	v3 =	vand.u32 $0x7, v3;
	v4 =	vand.u32 $0xFFFFFFF0, v57  }
0x267: {  	v3 =	vor.u32 v3, v4  }
0x268: {  	v4 =	vperm.xlane v3, v0;
	_ =	sdelay $0x1  }
0x269: {  	v3 =	vperm.xlane v3, v2;
	v4 =	vadd.s32 v1, v4;
	_ =	sdelay $0x1  }
0x26a: {  	v3 =	vadd.s32 v1, v3;
	_ =	sdelay $0x2  }
0x26b: {  	[tilespmem:s10], [sflag:$0x1] =	stream.indirect_vreg.gather [hbm4b:s2+s5], $0x80, v4, vm0, $0xb8;
	[tilespmem:$0x1C900] =	vst v63  }
0x26c: {  	_ = 	snop  }
0x26d: {  	[tilespmem:s11], [sflag:$0x1] =	stream.indirect_vreg.gather [hbm4b:s2+s5], $0x80, v3, vm0, $0xb8;
	[tilespmem:$0x1C900] =	vst v63  }
0x26e: {  	v3 =	vld [tilespmem:$0x620];
	_ =	sdelay $0x4  }
0x26f: {  	v58 =	vshll.u32 v3, $0x1  }
0x270: {  	v3 =	vand.u32 $0x7, v3;
	v4 =	vand.u32 $0xFFFFFFF0, v58  }
0x271: {  	v3 =	vor.u32 v3, v4  }
0x272: {  	v4 =	vperm.xlane v3, v0;
	_ =	sdelay $0x1  }
0x273: {  	v3 =	vperm.xlane v3, v2;
	v4 =	vadd.s32 v1, v4;
	_ =	sdelay $0x1  }
0x274: {  	v3 =	vadd.s32 v1, v3;
	_ =	sdelay $0x2  }
0x275: {  	[tilespmem:s12], [sflag:$0x1] =	stream.indirect_vreg.gather [hbm4b:s2+s5], $0x80, v4, vm0, $0xb8;
	[tilespmem:$0x1C900] =	vst v63  }
0x276: {  	_ = 	snop  }
0x277: {  	[tilespmem:s13], [sflag:$0x1] =	stream.indirect_vreg.gather [hbm4b:s2+s5], $0x80, v3, vm0, $0xb8;
	[tilespmem:$0x1C900] =	vst v63  }
0x278: {  	v3 =	vld [tilespmem:$0x630];
	_ =	sdelay $0x4  }
0x279: {  	v59 =	vshll.u32 v3, $0x1  }
0x27a: {  	v3 =	vand.u32 $0x7, v3;
	v4 =	vand.u32 $0xFFFFFFF0, v59  }
0x27b: {  	v3 =	vor.u32 v3, v4  }
0x27c: {  	v4 =	vperm.xlane v3, v0;
	_ =	sdelay $0x1  }
0x27d: {  	v3 =	vperm.xlane v3, v2;
	v4 =	vadd.s32 v1, v4;
	_ =	sdelay $0x1  }
0x27e: {  	v3 =	vadd.s32 v1, v3;
	_ =	sdelay $0x2  }
0x27f: {  	[tilespmem:s14], [sflag:$0x1] =	stream.indirect_vreg.gather [hbm4b:s2+s5], $0x80, v4, vm0, $0xb8;
	[tilespmem:$0x1C900] =	vst v63  }
0x280: {  	_ = 	snop  }
0x281: {  	[tilespmem:s16], [sflag:$0x1] =	stream.indirect_vreg.gather [hbm4b:s2+s5], $0x80, v3, vm0, $0xb8;
	[tilespmem:$0x1C900] =	vst v63  }
0x282: {  	_ =	swait.ge [sflag:s21], $0x4000  }
0x283: {  	[sflag:s21] =	ssyncset.done $0x0  }
0x284: {  	s10 =	rddreg [dreg:$0x10];
	[sflag:s21] =	ssyncadd.s32 $0xFFFFC000  }
0x285: {  	[hbm4b:s10+s5] =	stream.linear.scatter [tilespmem:s15], [sflag:$0x2], $0x4000, $0x38;
	[tilespmem:$0x1C900] =	vst v63  }
0x286: {  	_ =	swait.ge [sflag:s22], $0x4000  }
0x287: {  	[sflag:s22] =	ssyncset.done $0x0  }
0x288: {  	[sflag:s22] =	ssyncadd.s32 $0xFFFFC000  }
0x289: {  	v3 =	vld [tilespmem:$0x680];
	_ =	sdelay $0x4  }
0x28a: {  	v60 =	vshll.u32 v3, $0x1  }
0x28b: {  	v3 =	vand.u32 $0x7, v3;
	v4 =	vand.u32 $0xFFFFFFF0, v60  }
0x28c: {  	v3 =	vor.u32 v3, v4  }
0x28d: {  	v4 =	vperm.xlane v3, v0;
	_ =	sdelay $0x1  }
0x28e: {  	v3 =	vperm.xlane v3, v2;
	v4 =	vadd.s32 v1, v4;
	_ =	sdelay $0x1  }
0x28f: {  	v3 =	vadd.s32 v1, v3;
	_ =	sdelay $0x2  }
0x290: {  	[tilespmem:s15], [sflag:$0x1] =	stream.indirect_vreg.gather [hbm4b:s2+s5], $0x80, v4, vm0, $0xb8;
	[tilespmem:$0x1C900] =	vst v63  }
0x291: {  	_ = 	snop  }
0x292: {  	[tilespmem:s17], [sflag:$0x1] =	stream.indirect_vreg.gather [hbm4b:s2+s5], $0x80, v3, vm0, $0xb8;
	[tilespmem:$0x1C900] =	vst v63  }
0x293: {  	v3 =	vld [tilespmem:$0x690];
	_ =	sdelay $0x4  }
0x294: {  	v61 =	vshll.u32 v3, $0x1  }
0x295: {  	v3 =	vand.u32 $0x7, v3;
	v4 =	vand.u32 $0xFFFFFFF0, v61  }
0x296: {  	v3 =	vor.u32 v3, v4  }
0x297: {  	v4 =	vperm.xlane v3, v0;
	_ =	sdelay $0x1  }
0x298: {  	v3 =	vperm.xlane v3, v2;
	v4 =	vadd.s32 v1, v4;
	_ =	sdelay $0x1  }
0x299: {  	v3 =	vadd.s32 v1, v3;
	_ =	sdelay $0x2  }
0x29a: {  	[tilespmem:s18], [sflag:$0x1] =	stream.indirect_vreg.gather [hbm4b:s2+s5], $0x80, v4, vm0, $0xb8;
	[tilespmem:$0x1C900] =	vst v63  }
0x29b: {  	_ = 	snop  }
0x29c: {  	[tilespmem:s19], [sflag:$0x1] =	stream.indirect_vreg.gather [hbm4b:s2+s5], $0x80, v3, vm0, $0xb8;
	[tilespmem:$0x1C900] =	vst v63  }
0x29d: {  	v3 =	vld [tilespmem:$0x6A0];
	_ =	sdelay $0x4  }
0x29e: {  	v62 =	vshll.u32 v3, $0x1  }
0x29f: {  	v3 =	vand.u32 $0x7, v3;
	v4 =	vand.u32 $0xFFFFFFF0, v62  }
0x2a0: {  	v3 =	vor.u32 v3, v4  }
0x2a1: {  	v4 =	vperm.xlane v3, v0;
	_ =	sdelay $0x1  }
0x2a2: {  	v3 =	vperm.xlane v3, v2;
	v4 =	vadd.s32 v1, v4;
	_ =	sdelay $0x1  }
0x2a3: {  	v3 =	vadd.s32 v1, v3;
	_ =	sdelay $0x2  }
0x2a4: {  	[tilespmem:s20], [sflag:$0x1] =	stream.indirect_vreg.gather [hbm4b:s2+s5], $0x80, v4, vm0, $0xb8;
	[tilespmem:$0x1C900] =	vst v63  }
0x2a5: {  	_ = 	snop  }
0x2a6: {  	[tilespmem:s23], [sflag:$0x1] =	stream.indirect_vreg.gather [hbm4b:s2+s5], $0x80, v3, vm0, $0xb8;
	[tilespmem:$0x1C900] =	vst v63  }
0x2a7: {  	v3 =	vld [tilespmem:$0x6B0];
	_ =	sdelay $0x4  }
0x2a8: {  	v63 =	vshll.u32 v3, $0x1  }
0x2a9: {  	v3 =	vand.u32 $0x7, v3;
	v4 =	vand.u32 $0xFFFFFFF0, v63  }
0x2aa: {  	v3 =	vor.u32 v3, v4  }
0x2ab: {  	v4 =	vperm.xlane v3, v0;
	_ =	sdelay $0x1  }
0x2ac: {  	v3 =	vperm.xlane v3, v2;
	v4 =	vadd.s32 v1, v4;
	_ =	sdelay $0x1  }
0x2ad: {  	v3 =	vadd.s32 v1, v3;
	_ =	sdelay $0x2  }
0x2ae: {  	[tilespmem:s24], [sflag:$0x1] =	stream.indirect_vreg.gather [hbm4b:s2+s5], $0x80, v4, vm0, $0xb8;
	[tilespmem:$0x1C900] =	vst v63  }
0x2af: {  	_ = 	snop  }
0x2b0: {  	[tilespmem:s28], [sflag:$0x1] =	stream.indirect_vreg.gather [hbm4b:s2+s5], $0x80, v3, vm0, $0xb8;
	[tilespmem:$0x1C900] =	vst v63  }
0x2b1: {  	_ =	swait.ge [sflag:s21], $0x4000  }
0x2b2: {  	[sflag:s21] =	ssyncset.done $0x0  }
0x2b3: {  	s11 =	rddreg [dreg:$0x11];
	[sflag:s21] =	ssyncadd.s32 $0xFFFFC000  }
0x2b4: {  	[hbm4b:s11+s5] =	stream.linear.scatter [tilespmem:s0], [sflag:$0x2], $0x4000, $0x38;
	[tilespmem:$0x1C900] =	vst v63  }
0x2b5: {  	_ =	swait.ge [sflag:s21], $0x4000  }
0x2b6: {  	[sflag:s21] =	ssyncset.done $0x0  }
0x2b7: {  	s12 =	rddreg [dreg:$0x12];
	[sflag:s21] =	ssyncadd.s32 $0xFFFFC000  }
0x2b8: {  	[hbm4b:s12+s5] =	stream.linear.scatter [tilespmem:s15], [sflag:$0x2], $0x4000, $0x38;
	[tilespmem:$0x1C900] =	vst v63  }
0x2b9: {  	_ =	swait.ge [sflag:s22], $0x4000  }
0x2ba: {  	[sflag:s22] =	ssyncset.done $0x0  }
0x2bb: {  	[sflag:s22] =	ssyncadd.s32 $0xFFFFC000  }
0x2bc: {  	_ =	swait.ge [sflag:s22], $0x4000  }
0x2bd: {  	[sflag:s22] =	ssyncset.done $0x0  }
0x2be: {  	s13 =	rddreg [dreg:$0x17];
	[sflag:s22] =	ssyncadd.s32 $0xFFFFC000  }
0x2bf: {  	s16 =	simm.s32 $0x40;
	s17 =	simm.s32 $0x18900;
	s15 =	rddreg [dreg:$0x3]  }
0x2c0: {  	[tilespmem:s17], [sflag:$0x1] =	stream.indirect.gather [hbm4b:s15+s16], $0x80, s13, s16, $0xb8;
	[tilespmem:$0x1C900] =	vst v63  }
0x2c1: {  	s18 =	simm.s32 $0x1A900;
	s14 =	rddreg [dreg:$0x18]  }
0x2c2: {  	[tilespmem:s18], [sflag:$0x1] =	stream.indirect.gather [hbm4b:s15+s16], $0x80, s14, s16, $0xb8;
	[tilespmem:$0x1C900] =	vst v63  }
0x2c3: {  	_ =	swait.ge [sflag:s21], $0x2000  }
0x2c4: {  	[sflag:s21] =	ssyncset.done $0x0  }
0x2c5: {  	s19 =	rddreg [dreg:$0x13];
	[sflag:s21] =	ssyncadd.s32 $0xFFFFE000  }
0x2c6: {  	[hbm4b:s19+s5] =	stream.linear.scatter [tilespmem:s17], [sflag:$0x2], $0x2000, $0x38;
	[tilespmem:$0x1C900] =	vst v63  }
0x2c7: {  	_ =	swait.ge [sflag:s22], $0x2000  }
0x2c8: {  	[sflag:s22] =	ssyncset.done $0x0  }
0x2c9: {  	s20 =	rddreg [dreg:$0x19];
	[sflag:s22] =	ssyncadd.s32 $0xFFFFE000  }
0x2ca: {  	[tilespmem:s17], [sflag:$0x1] =	stream.indirect.gather [hbm4b:s15+s16], $0x80, s20, s16, $0xb8;
	[tilespmem:$0x1C900] =	vst v63  }
0x2cb: {  	_ =	swait.ge [sflag:s21], $0x2000  }
0x2cc: {  	[sflag:s21] =	ssyncset.done $0x0  }
0x2cd: {  	s23 =	rddreg [dreg:$0x14];
	[sflag:s21] =	ssyncadd.s32 $0xFFFFE000  }
0x2ce: {  	[hbm4b:s23+s5] =	stream.linear.scatter [tilespmem:s18], [sflag:$0x2], $0x2000, $0x38;
	[tilespmem:$0x1C900] =	vst v63  }
0x2cf: {  	_ =	swait.ge [sflag:s22], $0x2000  }
0x2d0: {  	[sflag:s22] =	ssyncset.done $0x0  }
0x2d1: {  	s24 =	rddreg [dreg:$0x1a];
	[sflag:s22] =	ssyncadd.s32 $0xFFFFE000  }
0x2d2: {  	[tilespmem:s18], [sflag:$0x1] =	stream.indirect.gather [hbm4b:s15+s16], $0x80, s24, s16, $0xb8;
	[tilespmem:$0x1C900] =	vst v63  }
0x2d3: {  	_ =	swait.ge [sflag:s21], $0x2000  }
0x2d4: {  	[sflag:s21] =	ssyncset.done $0x0  }
0x2d5: {  	s28 =	rddreg [dreg:$0x15];
	[sflag:s21] =	ssyncadd.s32 $0xFFFFE000  }
0x2d6: {  	[hbm4b:s28+s5] =	stream.linear.scatter [tilespmem:s17], [sflag:$0x2], $0x2000, $0x38;
	[tilespmem:$0x1C900] =	vst v63  }
0x2d7: {  	_ =	swait.ge [sflag:s21], $0x2000  }
0x2d8: {  	[sflag:s21] =	ssyncset.done $0x0  }
0x2d9: {  	s31 =	rddreg [dreg:$0x16];
	[sflag:s21] =	ssyncadd.s32 $0xFFFFE000  }
0x2da: {  	[hbm4b:s31+s5] =	stream.linear.scatter [tilespmem:s18], [sflag:$0x2], $0x2000, $0x38;
	[tilespmem:$0x1C900] =	vst v63  }
0x2db: {  	p0 =	sne.s32 s3, $0x1;
	_ =	swait.ge [sflag:s22], $0x2000  }
.Ltmp0:
0x2dc: {  	[sflag:s22] =	ssyncset.done $0x0;
	(pc) =	sbr.rel @p0 .LBB2_1-.Ltmp0, $4  }
0x2dd: {  	[sflag:s22] =	ssyncadd.s32 $0xFFFFE000  }
0x2de: {  	_ =	swait.ge [sflag:s22], $0x2000  }
0x2df: {  	[sflag:s22] =	ssyncset.done $0x0  }
0x2e0: {  	s3 =	sadd.s32 $0xFFFFFFFF, s3;
	[sflag:s22] =	ssyncadd.s32 $0xFFFFE000  }
0x2e1: {  	_ =	sfence.sel $0x180000  }
0x2e2: {  	[bflag:$0x0] =	sbarrier.arrive $0xFFFF  }
0x2e3: {  	_ =	strace $0x90000047  }
0x2e4: {  	s0 =	stileid.u32;
	[bflag:$0x2] =	sbarrier.arrive $0xFFFF  }
0x2e5: {  	p0 =	sne.s32 s0, $0x0;
	s0 =	rddreg [dreg:$0x6]  }
0x2e6: {  	s0 =	sadd.s32 @!p0 $0x100000, s0  }
0x2e7: {  	[sflag:s0] =	ssyncadd.tile.s32 @!p0 $0x1;
	_ =	shalt  }
.Lfunc_end2:
_tile_overlayer_lowered:
.L_overlay_start_2:
0x2e8: {  	(tag) =	ssettag $0x2  }
0x2e9: {  	s0 =	rddreg [dreg:$0x0];
	s2 =	stileid.u32  }
0x2ea: {  	s1 =	rddreg [dreg:$0x1];
	p0 =	sne.s32 s2, $0x0  }
0x2eb: {  	s3 =	rddreg [dreg:$0x2];
	[bflag:$0x3] =	sbarrier.arrive $0xFFFF;
	s2 =	simm.s32 @!p0 $0x1C03  }
0x2ec: {  	[timem:s3], [sflag:s2] =	dma.local @!p0 [hbm:s0], s1  }
0x2ed: {  	s0 =	simm.s32 @!p0 $0x3  }
0x2ee: {  	_ =	swait.ge @!p0 [sflag:s0], s1  }
0x2ef: {  	s1 =	ssub.s32 @!p0 $0x0, s1;
	[sflag:s0] =	ssyncset.done @!p0 $0x0  }
0x2f0: {  	[sflag:s0] =	ssyncadd.s32 @!p0 s1  }
0x2f1: {  	[bflag:$0x3] =	sbarrier.arrive $0xFFFF  }
0x2f2: {  	_ =	shalt  }

</sc_bundles>
